<compile_context>
chip_gen: v7x
topology: tpu7x:2x2x1
jax: 0.10.2.dev20260603
libtpu: 0.0.44.dev20260713+nightly
codegen_flags: <defaults>
</compile_context>

<pallas_src>
import functools

import jax
import jax.numpy as jnp
from jax import lax
from jax.experimental import pallas as pl
from jax.experimental.pallas import tpu as pltpu
from jax.experimental.pallas import tpu_sc as plsc

N_FEATURES = 26
ROWS_PER_FEATURE = 2
W_DIM = 16
B, T = 1024, 20
BT = B * T

NC, NS, L = 2, 16, 16
NW = NC * NS
ROWS_PER_W = BT // NW
IDX_MINOR = 128
IDX_MAJOR = ROWS_PER_W // IDX_MINOR
D = ROWS_PER_FEATURE * W_DIM
NBUF = 2

VOCAB = 2600000
VB = 16384
QROWS = VB // 4
QSHIFT = 12


NBLK = (VOCAB + VB - 1) // VB
VOCAB_PAD = NBLK * VB


def _tc_linearize(table_t):

    def body(x_ref, o_ref):
        y = jnp.transpose(x_ref[...])
        for c in range(4):
            o_ref[:, 32 * c:32 * (c + 1)] = y[QROWS * c:QROWS * (c + 1), :]

    return pl.pallas_call(
        body,
        grid=(NBLK,),
        in_specs=[pl.BlockSpec((32, VB), lambda i: (0, i))],
        out_specs=pl.BlockSpec((VB // 4, 128), lambda i: (i, 0)),
        out_shape=jax.ShapeDtypeStruct((VOCAB_PAD * D // 128, 128), jnp.float32),
    )(table_t)


def _sc_gather(feats, offsets_pad, table):
    mesh = plsc.VectorSubcoreMesh(
        core_axis_name="c", subcore_axis_name="s", num_cores=NC, num_subcores=NS
    )

    @functools.partial(
        pl.kernel,
        out_type=jax.ShapeDtypeStruct((BT, N_FEATURES * D), jnp.float32),
        mesh=mesh,
        scratch_types=[
            pltpu.VMEM((IDX_MAJOR, N_FEATURES, IDX_MINOR), jnp.int32),
            pltpu.VMEM((NBUF, ROWS_PER_W, D), jnp.float32),
            pltpu.VMEM((32,), jnp.int32),
            pltpu.SemaphoreType.DMA,
            pltpu.SemaphoreType.DMA,
        ],
        compiler_params=pltpu.CompilerParams(
            use_tc_tiling_on_sc=False, needs_layout_passes=False
        ),
    )
    def k(feats_hbm, off_hbm, table_hbm, out_hbm, idx_v, rows_v, off_v, sem0, sem1):
        wid = lax.axis_index("s") * NC + lax.axis_index("c")
        gsems = [sem0, sem1]
        pltpu.sync_copy(off_hbm, off_v)
        pltpu.sync_copy(feats_hbm.at[pl.ds(wid * IDX_MAJOR, IDX_MAJOR)], idx_v)

        def add_feature(f, _):
            off_vec = plsc.load_gather(off_v, [jnp.full((L,), f, jnp.int32)])
            for j in range(IDX_MAJOR):
                for i in range(IDX_MINOR // L):
                    sl = (j, f, pl.ds(i * L, L))
                    v = idx_v[sl] + off_vec
                    t = v & (VB - 1)
                    idx_v[sl] = (v - t) + ((t & (QROWS - 1)) << 2) + (t >> QSHIFT)
            return 0

        lax.fori_loop(0, N_FEATURES, add_feature, 0)

        def fire(f, b):
            for j in range(IDX_MAJOR):
                pltpu.async_copy(
                    table_hbm.at[idx_v.at[j, f]],
                    rows_v.at[b, pl.ds(j * IDX_MINOR, IDX_MINOR)],
                    gsems[b],
                )

        def drain(b):
            pltpu.make_async_copy(
                table_hbm.at[pl.ds(0, ROWS_PER_W)], rows_v.at[b], gsems[b]
            ).wait()

        fire(0, 0)
        fire(1, 1)

        def step(i, _):
            for b in range(NBUF):
                f = i * NBUF + b
                drain(b)
                pltpu.sync_copy(
                    rows_v.at[b],
                    out_hbm.at[
                        pl.ds(wid * ROWS_PER_W, ROWS_PER_W), pl.ds(f * D, D)
                    ],
                )

                @pl.when(f + NBUF < N_FEATURES)
                def _():
                    fire(f + NBUF, b)

            return 0

        lax.fori_loop(0, N_FEATURES // NBUF, step, 0)

    return k(feats, offsets_pad, table)


def kernel(f0, f1, f2, f3, f4, f5, f6, f7, f8, f9, f10, f11, f12, f13, f14,
           f15, f16, f17, f18, f19, f20, f21, f22, f23, f24, f25, offsets,
           embed_weight):
    features = [f0, f1, f2, f3, f4, f5, f6, f7, f8, f9, f10, f11, f12, f13,
                f14, f15, f16, f17, f18, f19, f20, f21, f22, f23, f24, f25]
    feats = (
        jnp.stack(features, axis=2)
        .transpose(2, 1, 0)
        .reshape(N_FEATURES, BT // IDX_MINOR, IDX_MINOR)
        .transpose(1, 0, 2)
    )
    offsets_pad = jnp.pad(offsets.astype(jnp.int32), (0, 32 - N_FEATURES))
    table_lin = _tc_linearize(embed_weight.T).reshape(VOCAB_PAD, D)
    out = _sc_gather(feats, offsets_pad, table_lin)
    return (
        out.reshape(T, B, N_FEATURES * ROWS_PER_FEATURE, W_DIM)
        .transpose(1, 0, 2, 3)
    )

# --- scband reference (transcript-rebuilt; emitter-appended) ---
"""Pipeline reference for scband-composite-sanembedding-80358838108574 (READ-ONLY COPY).

The authoritative reference and input builder live on the scoring server;
editing this copy changes nothing except your own understanding.
"""

import jax, jax.numpy as jnp
import numpy as np

N_FEATURES = 26
ROWS_PER_FEATURE = 2
W_DIM = 16
VOCAB_PER_FEATURE = 100000
B, T = 1024, 20


def setup_inputs(seed: int = 0) -> dict:
    key = jax.random.key(seed)
    inp = {}
    for i in range(N_FEATURES):
        k = jax.random.fold_in(key, i)
        inp[f"f{i}"] = jax.random.randint(k, (B, T), 0, VOCAB_PER_FEATURE, dtype=jnp.int32)
    sizes = [VOCAB_PER_FEATURE] * N_FEATURES
    offsets = np.zeros(N_FEATURES, dtype=np.int32)
    for i in range(1, N_FEATURES):
        offsets[i] = offsets[i - 1] + sizes[i - 1]
    inp["offsets"] = jnp.asarray(offsets)
    kw = jax.random.fold_in(key, 10 ** 6)
    total_rows = sum(sizes)
    inp["embed_weight"] = jax.random.normal(kw, (total_rows, ROWS_PER_FEATURE * W_DIM), dtype=jnp.float32) * 0.02
    return inp


def reference(f0, f1, f2, f3, f4, f5, f6, f7, f8, f9, f10, f11, f12, f13,
              f14, f15, f16, f17, f18, f19, f20, f21, f22, f23, f24, f25,
              offsets, embed_weight):
    table = embed_weight
    features = [f0, f1, f2, f3, f4, f5, f6, f7, f8, f9, f10, f11, f12, f13,
                f14, f15, f16, f17, f18, f19, f20, f21, f22, f23, f24, f25]
    # ids = stack over features (dict iteration order of feature_names) -> [B, T, NF]
    ids = jnp.stack(features, axis=-1)
    ids = ids + offsets  # broadcast add per-feature row offsets
    e = jnp.take(table, ids, axis=0)  # [B, T, NF, ROWS_PER_FEATURE * W_DIM]
    Bx, Tx, NF, _ = e.shape
    return e.reshape(Bx, Tx, NF * ROWS_PER_FEATURE, W_DIM)

if __name__ == "__main__":
    import jax
    _d = setup_inputs()
    print(jax.jit(kernel)(*tuple(_d.values())))

</pallas_src>

<mosaic_0001>
#map = affine_map<(d0, d1) -> (0, 0, 0)>
#map1 = affine_map<(d0, d1) -> (0)>
#map2 = affine_map<(d0, d1) -> (0, 0)>
module attributes {stable_mosaic.version = 14 : i64} {
  func.func @k(%arg0: i32, %arg1: i32, %arg2: memref<160x26x128xi32, #tpu.memory_space<hbm>>, %arg3: memref<32xi32, #tpu.memory_space<hbm>>, %arg4: memref<2605056x32xf32, #tpu.memory_space<hbm>>, %arg5: memref<20480x832xf32, #tpu.memory_space<hbm>>, %arg6: memref<5x26x128xi32, #tpu.memory_space<vmem>>, %arg7: memref<2x640x32xf32, #tpu.memory_space<vmem>>, %arg8: memref<32xi32, #tpu.memory_space<vmem>>, %arg9: memref<!tpu.dma_semaphore, #tpu.memory_space<semaphore_mem>>, %arg10: memref<!tpu.dma_semaphore, #tpu.memory_space<semaphore_mem>>) attributes {dimension_semantics = [#tpu.dimension_semantics<core_parallel>, #tpu.dimension_semantics<subcore_parallel>], iteration_bounds = array<i64: 2, 16>, scalar_prefetch = 0 : i64, scratch_operands = 5 : i64, tpu.core_type = #tpu.core_type<sc_vector_subcore>, window_params = [{transform_indices = #map}, {transform_indices = #map1}, {transform_indices = #map2}, {transform_indices = #map2}]} {
    %mul3A = arith.constant 2 : i32
    %mul3A_0 = arith.muli %arg1, %mul3A : i32
    %add3A = arith.addi %mul3A_0, %arg0 : i32
    "tpu.region"() ({
      %run_scoped3A = tpu.sem_alloc : memref<!tpu.dma_semaphore, #tpu.memory_space<semaphore_mem>>
      tpu.enqueue_dma source(%arg3 : memref<32xi32, #tpu.memory_space<hbm>>) target(%arg8 : memref<32xi32, #tpu.memory_space<vmem>>) target_semaphore(%run_scoped3A : memref<!tpu.dma_semaphore, #tpu.memory_space<semaphore_mem>>)
      tpu.wait_dma2 semaphore(%run_scoped3A : memref<!tpu.dma_semaphore, #tpu.memory_space<semaphore_mem>>) src(%arg3 : memref<32xi32, #tpu.memory_space<hbm>>) dst(%arg8 : memref<32xi32, #tpu.memory_space<vmem>>)
      tpu.yield
    }) : () -> ()
    %mul3A_1 = arith.constant 5 : i32
    %mul3A_2 = arith.muli %add3A, %mul3A_1 : i32
    "tpu.region"() ({
      %run_scoped3A = tpu.sem_alloc : memref<!tpu.dma_semaphore, #tpu.memory_space<semaphore_mem>>
      %dma_start3A_145 = arith.constant 0 : i32
      %dma_start3A_146 = arith.constant 0 : i32
      %dma_start3A_147 = tpu.memref_slice %arg2[%mul3A_2, %dma_start3A_145, %dma_start3A_146] : memref<160x26x128xi32, #tpu.memory_space<hbm>> -> memref<5x26x128xi32, #tpu.memory_space<hbm>>
      %dma_start3A_148 = arith.constant 0 : i32
      %dma_start3A_149 = arith.constant 0 : i32
      %dma_start3A_150 = tpu.memref_slice %arg2[%mul3A_2, %dma_start3A_148, %dma_start3A_149] : memref<160x26x128xi32, #tpu.memory_space<hbm>> -> memref<5x26x128xi32, #tpu.memory_space<hbm>>
      tpu.enqueue_dma source(%dma_start3A_150 : memref<5x26x128xi32, #tpu.memory_space<hbm>>) target(%arg6 : memref<5x26x128xi32, #tpu.memory_space<vmem>>) target_semaphore(%run_scoped3A : memref<!tpu.dma_semaphore, #tpu.memory_space<semaphore_mem>>)
      %dma_wait3A = arith.constant 0 : i32
      %dma_wait3A_151 = arith.constant 0 : i32
      %dma_wait3A_152 = tpu.memref_slice %arg2[%mul3A_2, %dma_wait3A, %dma_wait3A_151] : memref<160x26x128xi32, #tpu.memory_space<hbm>> -> memref<5x26x128xi32, #tpu.memory_space<hbm>>
      %dma_wait3A_153 = arith.constant 0 : i32
      %dma_wait3A_154 = arith.constant 0 : i32
      %dma_wait3A_155 = tpu.memref_slice %arg2[%mul3A_2, %dma_wait3A_153, %dma_wait3A_154] : memref<160x26x128xi32, #tpu.memory_space<hbm>> -> memref<5x26x128xi32, #tpu.memory_space<hbm>>
      tpu.wait_dma2 semaphore(%run_scoped3A : memref<!tpu.dma_semaphore, #tpu.memory_space<semaphore_mem>>) src(%dma_wait3A_155 : memref<5x26x128xi32, #tpu.memory_space<hbm>>) dst(%arg6 : memref<5x26x128xi32, #tpu.memory_space<vmem>>)
      tpu.yield
    }) : () -> ()
    %scan3A = arith.constant 0 : i32
    %scan3A_3 = arith.constant 0 : i32
    %scan3A_4 = arith.constant 26 : i32
    %scan3A_5 = arith.addi %scan3A_3, %scan3A_4 : i32
    %scan3A_6 = arith.constant 1 : i32
    %scan3A_7 = scf.for %scan3A_145 = %scan3A_3 to %scan3A_5 step %scan3A_6 iter_args(%scan3A_146 = %scan3A) -> (i32)  : i32 {
      %broadcast_in_dim3A = vector.broadcast %scan3A_145 : i32 to vector<16xi32>
      %gather3A = tpu.vector_load_idx %arg8[%broadcast_in_dim3A] : memref<32xi32, #tpu.memory_space<vmem>>[vector<16xi32>], vector<16xi32>,
      %get3A = arith.constant 0 : i32
      %get3A_147 = arith.index_cast %get3A : i32 to index
      %get3A_148 = arith.index_cast %scan3A_145 : i32 to index
      %get3A_149 = arith.constant 0 : index
      %get3A_150 = tpu.vector_load %arg6[%get3A_147, %get3A_148, %get3A_149] {strides = array<i32>} : memref<5x26x128xi32, #tpu.memory_space<vmem>>, vector<16xi32>,
      %add3A_151 = arith.addi %get3A_150, %gather3A : vector<16xi32>
      %and3A = arith.constant 16383 : i32
      %and3A_152 = vector.broadcast %and3A : i32 to vector<16xi32>
      %and3A_153 = arith.andi %add3A_151, %and3A_152 : vector<16xi32>
      %sub3A = arith.subi %add3A_151, %and3A_153 : vector<16xi32>
      %and3A_154 = arith.constant 4095 : i32
      %and3A_155 = vector.broadcast %and3A_154 : i32 to vector<16xi32>
      %and3A_156 = arith.andi %and3A_153, %and3A_155 : vector<16xi32>
      %shift_left3A = arith.constant 2 : i32
      %shift_left3A_157 = vector.broadcast %shift_left3A : i32 to vector<16xi32>
      %shift_left3A_158 = arith.shli %and3A_156, %shift_left3A_157 : vector<16xi32>
      %add3A_159 = arith.addi %sub3A, %shift_left3A_158 : vector<16xi32>
      %shift_right_arithmetic3A = arith.constant 12 : i32
      %shift_right_arithmetic3A_160 = vector.broadcast %shift_right_arithmetic3A : i32 to vector<16xi32>
      %shift_right_arithmetic3A_161 = arith.shrsi %and3A_153, %shift_right_arithmetic3A_160 : vector<16xi32>
      %add3A_162 = arith.addi %add3A_159, %shift_right_arithmetic3A_161 : vector<16xi32>
      %swap3A = arith.constant 0 : i32
      %swap3A_163 = arith.index_cast %swap3A : i32 to index
      %swap3A_164 = arith.index_cast %scan3A_145 : i32 to index
      %swap3A_165 = arith.constant 0 : index
      %swap3A_166 = tpu.vector_load %arg6[%swap3A_163, %swap3A_164, %swap3A_165] {strides = array<i32>} : memref<5x26x128xi32, #tpu.memory_space<vmem>>, vector<16xi32>,
      tpu.vector_store %arg6[%swap3A_163, %swap3A_164, %swap3A_165], %add3A_162 {strides = array<i32>} : memref<5x26x128xi32, #tpu.memory_space<vmem>>, vector<16xi32>,
      %get3A_167 = arith.constant 0 : i32
      %get3A_168 = arith.index_cast %get3A_167 : i32 to index
      %get3A_169 = arith.index_cast %scan3A_145 : i32 to index
      %get3A_170 = arith.constant 16 : index
      %get3A_171 = tpu.vector_load %arg6[%get3A_168, %get3A_169, %get3A_170] {strides = array<i32>} : memref<5x26x128xi32, #tpu.memory_space<vmem>>, vector<16xi32>,
      %add3A_172 = arith.addi %get3A_171, %gather3A : vector<16xi32>
      %and3A_173 = arith.constant 16383 : i32
      %and3A_174 = vector.broadcast %and3A_173 : i32 to vector<16xi32>
      %and3A_175 = arith.andi %add3A_172, %and3A_174 : vector<16xi32>
      %sub3A_176 = arith.subi %add3A_172, %and3A_175 : vector<16xi32>
      %and3A_177 = arith.constant 4095 : i32
      %and3A_178 = vector.broadcast %and3A_177 : i32 to vector<16xi32>
      %and3A_179 = arith.andi %and3A_175, %and3A_178 : vector<16xi32>
      %shift_left3A_180 = arith.constant 2 : i32
      %shift_left3A_181 = vector.broadcast %shift_left3A_180 : i32 to vector<16xi32>
      %shift_left3A_182 = arith.shli %and3A_179, %shift_left3A_181 : vector<16xi32>
      %add3A_183 = arith.addi %sub3A_176, %shift_left3A_182 : vector<16xi32>
      %shift_right_arithmetic3A_184 = arith.constant 12 : i32
      %shift_right_arithmetic3A_185 = vector.broadcast %shift_right_arithmetic3A_184 : i32 to vector<16xi32>
      %shift_right_arithmetic3A_186 = arith.shrsi %and3A_175, %shift_right_arithmetic3A_185 : vector<16xi32>
      %add3A_187 = arith.addi %add3A_183, %shift_right_arithmetic3A_186 : vector<16xi32>
      %swap3A_188 = arith.constant 0 : i32
      %swap3A_189 = arith.index_cast %swap3A_188 : i32 to index
      %swap3A_190 = arith.index_cast %scan3A_145 : i32 to index
      %swap3A_191 = arith.constant 16 : index
      %swap3A_192 = tpu.vector_load %arg6[%swap3A_189, %swap3A_190, %swap3A_191] {strides = array<i32>} : memref<5x26x128xi32, #tpu.memory_space<vmem>>, vector<16xi32>,
      tpu.vector_store %arg6[%swap3A_189, %swap3A_190, %swap3A_191], %add3A_187 {strides = array<i32>} : memref<5x26x128xi32, #tpu.memory_space<vmem>>, vector<16xi32>,
      %get3A_193 = arith.constant 0 : i32
      %get3A_194 = arith.index_cast %get3A_193 : i32 to index
      %get3A_195 = arith.index_cast %scan3A_145 : i32 to index
      %get3A_196 = arith.constant 32 : index
      %get3A_197 = tpu.vector_load %arg6[%get3A_194, %get3A_195, %get3A_196] {strides = array<i32>} : memref<5x26x128xi32, #tpu.memory_space<vmem>>, vector<16xi32>,
      %add3A_198 = arith.addi %get3A_197, %gather3A : vector<16xi32>
      %and3A_199 = arith.constant 16383 : i32
      %and3A_200 = vector.broadcast %and3A_199 : i32 to vector<16xi32>
      %and3A_201 = arith.andi %add3A_198, %and3A_200 : vector<16xi32>
      %sub3A_202 = arith.subi %add3A_198, %and3A_201 : vector<16xi32>
      %and3A_203 = arith.constant 4095 : i32
      %and3A_204 = vector.broadcast %and3A_203 : i32 to vector<16xi32>
      %and3A_205 = arith.andi %and3A_201, %and3A_204 : vector<16xi32>
      %shift_left3A_206 = arith.constant 2 : i32
      %shift_left3A_207 = vector.broadcast %shift_left3A_206 : i32 to vector<16xi32>
      %shift_left3A_208 = arith.shli %and3A_205, %shift_left3A_207 : vector<16xi32>
      %add3A_209 = arith.addi %sub3A_202, %shift_left3A_208 : vector<16xi32>
      %shift_right_arithmetic3A_210 = arith.constant 12 : i32
      %shift_right_arithmetic3A_211 = vector.broadcast %shift_right_arithmetic3A_210 : i32 to vector<16xi32>
      %shift_right_arithmetic3A_212 = arith.shrsi %and3A_201, %shift_right_arithmetic3A_211 : vector<16xi32>
      %add3A_213 = arith.addi %add3A_209, %shift_right_arithmetic3A_212 : vector<16xi32>
      %swap3A_214 = arith.constant 0 : i32
      %swap3A_215 = arith.index_cast %swap3A_214 : i32 to index
      %swap3A_216 = arith.index_cast %scan3A_145 : i32 to index
      %swap3A_217 = arith.constant 32 : index
      %swap3A_218 = tpu.vector_load %arg6[%swap3A_215, %swap3A_216, %swap3A_217] {strides = array<i32>} : memref<5x26x128xi32, #tpu.memory_space<vmem>>, vector<16xi32>,
      tpu.vector_store %arg6[%swap3A_215, %swap3A_216, %swap3A_217], %add3A_213 {strides = array<i32>} : memref<5x26x128xi32, #tpu.memory_space<vmem>>, vector<16xi32>,
      %get3A_219 = arith.constant 0 : i32
      %get3A_220 = arith.index_cast %get3A_219 : i32 to index
      %get3A_221 = arith.index_cast %scan3A_145 : i32 to index
      %get3A_222 = arith.constant 48 : index
      %get3A_223 = tpu.vector_load %arg6[%get3A_220, %get3A_221, %get3A_222] {strides = array<i32>} : memref<5x26x128xi32, #tpu.memory_space<vmem>>, vector<16xi32>,
      %add3A_224 = arith.addi %get3A_223, %gather3A : vector<16xi32>
      %and3A_225 = arith.constant 16383 : i32
      %and3A_226 = vector.broadcast %and3A_225 : i32 to vector<16xi32>
      %and3A_227 = arith.andi %add3A_224, %and3A_226 : vector<16xi32>
      %sub3A_228 = arith.subi %add3A_224, %and3A_227 : vector<16xi32>
      %and3A_229 = arith.constant 4095 : i32
      %and3A_230 = vector.broadcast %and3A_229 : i32 to vector<16xi32>
      %and3A_231 = arith.andi %and3A_227, %and3A_230 : vector<16xi32>
      %shift_left3A_232 = arith.constant 2 : i32
      %shift_left3A_233 = vector.broadcast %shift_left3A_232 : i32 to vector<16xi32>
      %shift_left3A_234 = arith.shli %and3A_231, %shift_left3A_233 : vector<16xi32>
      %add3A_235 = arith.addi %sub3A_228, %shift_left3A_234 : vector<16xi32>
      %shift_right_arithmetic3A_236 = arith.constant 12 : i32
      %shift_right_arithmetic3A_237 = vector.broadcast %shift_right_arithmetic3A_236 : i32 to vector<16xi32>
      %shift_right_arithmetic3A_238 = arith.shrsi %and3A_227, %shift_right_arithmetic3A_237 : vector<16xi32>
      %add3A_239 = arith.addi %add3A_235, %shift_right_arithmetic3A_238 : vector<16xi32>
      %swap3A_240 = arith.constant 0 : i32
      %swap3A_241 = arith.index_cast %swap3A_240 : i32 to index
      %swap3A_242 = arith.index_cast %scan3A_145 : i32 to index
      %swap3A_243 = arith.constant 48 : index
      %swap3A_244 = tpu.vector_load %arg6[%swap3A_241, %swap3A_242, %swap3A_243] {strides = array<i32>} : memref<5x26x128xi32, #tpu.memory_space<vmem>>, vector<16xi32>,
      tpu.vector_store %arg6[%swap3A_241, %swap3A_242, %swap3A_243], %add3A_239 {strides = array<i32>} : memref<5x26x128xi32, #tpu.memory_space<vmem>>, vector<16xi32>,
      %get3A_245 = arith.constant 0 : i32
      %get3A_246 = arith.index_cast %get3A_245 : i32 to index
      %get3A_247 = arith.index_cast %scan3A_145 : i32 to index
      %get3A_248 = arith.constant 64 : index
      %get3A_249 = tpu.vector_load %arg6[%get3A_246, %get3A_247, %get3A_248] {strides = array<i32>} : memref<5x26x128xi32, #tpu.memory_space<vmem>>, vector<16xi32>,
      %add3A_250 = arith.addi %get3A_249, %gather3A : vector<16xi32>
      %and3A_251 = arith.constant 16383 : i32
      %and3A_252 = vector.broadcast %and3A_251 : i32 to vector<16xi32>
      %and3A_253 = arith.andi %add3A_250, %and3A_252 : vector<16xi32>
      %sub3A_254 = arith.subi %add3A_250, %and3A_253 : vector<16xi32>
      %and3A_255 = arith.constant 4095 : i32
      %and3A_256 = vector.broadcast %and3A_255 : i32 to vector<16xi32>
      %and3A_257 = arith.andi %and3A_253, %and3A_256 : vector<16xi32>
      %shift_left3A_258 = arith.constant 2 : i32
      %shift_left3A_259 = vector.broadcast %shift_left3A_258 : i32 to vector<16xi32>
      %shift_left3A_260 = arith.shli %and3A_257, %shift_left3A_259 : vector<16xi32>
      %add3A_261 = arith.addi %sub3A_254, %shift_left3A_260 : vector<16xi32>
      %shift_right_arithmetic3A_262 = arith.constant 12 : i32
      %shift_right_arithmetic3A_263 = vector.broadcast %shift_right_arithmetic3A_262 : i32 to vector<16xi32>
      %shift_right_arithmetic3A_264 = arith.shrsi %and3A_253, %shift_right_arithmetic3A_263 : vector<16xi32>
      %add3A_265 = arith.addi %add3A_261, %shift_right_arithmetic3A_264 : vector<16xi32>
      %swap3A_266 = arith.constant 0 : i32
      %swap3A_267 = arith.index_cast %swap3A_266 : i32 to index
      %swap3A_268 = arith.index_cast %scan3A_145 : i32 to index
      %swap3A_269 = arith.constant 64 : index
      %swap3A_270 = tpu.vector_load %arg6[%swap3A_267, %swap3A_268, %swap3A_269] {strides = array<i32>} : memref<5x26x128xi32, #tpu.memory_space<vmem>>, vector<16xi32>,
      tpu.vector_store %arg6[%swap3A_267, %swap3A_268, %swap3A_269], %add3A_265 {strides = array<i32>} : memref<5x26x128xi32, #tpu.memory_space<vmem>>, vector<16xi32>,
      %get3A_271 = arith.constant 0 : i32
      %get3A_272 = arith.index_cast %get3A_271 : i32 to index
      %get3A_273 = arith.index_cast %scan3A_145 : i32 to index
      %get3A_274 = arith.constant 80 : index
      %get3A_275 = tpu.vector_load %arg6[%get3A_272, %get3A_273, %get3A_274] {strides = array<i32>} : memref<5x26x128xi32, #tpu.memory_space<vmem>>, vector<16xi32>,
      %add3A_276 = arith.addi %get3A_275, %gather3A : vector<16xi32>
      %and3A_277 = arith.constant 16383 : i32
      %and3A_278 = vector.broadcast %and3A_277 : i32 to vector<16xi32>
      %and3A_279 = arith.andi %add3A_276, %and3A_278 : vector<16xi32>
      %sub3A_280 = arith.subi %add3A_276, %and3A_279 : vector<16xi32>
      %and3A_281 = arith.constant 4095 : i32
      %and3A_282 = vector.broadcast %and3A_281 : i32 to vector<16xi32>
      %and3A_283 = arith.andi %and3A_279, %and3A_282 : vector<16xi32>
      %shift_left3A_284 = arith.constant 2 : i32
      %shift_left3A_285 = vector.broadcast %shift_left3A_284 : i32 to vector<16xi32>
      %shift_left3A_286 = arith.shli %and3A_283, %shift_left3A_285 : vector<16xi32>
      %add3A_287 = arith.addi %sub3A_280, %shift_left3A_286 : vector<16xi32>
      %shift_right_arithmetic3A_288 = arith.constant 12 : i32
      %shift_right_arithmetic3A_289 = vector.broadcast %shift_right_arithmetic3A_288 : i32 to vector<16xi32>
      %shift_right_arithmetic3A_290 = arith.shrsi %and3A_279, %shift_right_arithmetic3A_289 : vector<16xi32>
      %add3A_291 = arith.addi %add3A_287, %shift_right_arithmetic3A_290 : vector<16xi32>
      %swap3A_292 = arith.constant 0 : i32
      %swap3A_293 = arith.index_cast %swap3A_292 : i32 to index
      %swap3A_294 = arith.index_cast %scan3A_145 : i32 to index
      %swap3A_295 = arith.constant 80 : index
      %swap3A_296 = tpu.vector_load %arg6[%swap3A_293, %swap3A_294, %swap3A_295] {strides = array<i32>} : memref<5x26x128xi32, #tpu.memory_space<vmem>>, vector<16xi32>,
      tpu.vector_store %arg6[%swap3A_293, %swap3A_294, %swap3A_295], %add3A_291 {strides = array<i32>} : memref<5x26x128xi32, #tpu.memory_space<vmem>>, vector<16xi32>,
      %get3A_297 = arith.constant 0 : i32
      %get3A_298 = arith.index_cast %get3A_297 : i32 to index
      %get3A_299 = arith.index_cast %scan3A_145 : i32 to index
      %get3A_300 = arith.constant 96 : index
      %get3A_301 = tpu.vector_load %arg6[%get3A_298, %get3A_299, %get3A_300] {strides = array<i32>} : memref<5x26x128xi32, #tpu.memory_space<vmem>>, vector<16xi32>,
      %add3A_302 = arith.addi %get3A_301, %gather3A : vector<16xi32>
      %and3A_303 = arith.constant 16383 : i32
      %and3A_304 = vector.broadcast %and3A_303 : i32 to vector<16xi32>
      %and3A_305 = arith.andi %add3A_302, %and3A_304 : vector<16xi32>
      %sub3A_306 = arith.subi %add3A_302, %and3A_305 : vector<16xi32>
      %and3A_307 = arith.constant 4095 : i32
      %and3A_308 = vector.broadcast %and3A_307 : i32 to vector<16xi32>
      %and3A_309 = arith.andi %and3A_305, %and3A_308 : vector<16xi32>
      %shift_left3A_310 = arith.constant 2 : i32
      %shift_left3A_311 = vector.broadcast %shift_left3A_310 : i32 to vector<16xi32>
      %shift_left3A_312 = arith.shli %and3A_309, %shift_left3A_311 : vector<16xi32>
      %add3A_313 = arith.addi %sub3A_306, %shift_left3A_312 : vector<16xi32>
      %shift_right_arithmetic3A_314 = arith.constant 12 : i32
      %shift_right_arithmetic3A_315 = vector.broadcast %shift_right_arithmetic3A_314 : i32 to vector<16xi32>
      %shift_right_arithmetic3A_316 = arith.shrsi %and3A_305, %shift_right_arithmetic3A_315 : vector<16xi32>
      %add3A_317 = arith.addi %add3A_313, %shift_right_arithmetic3A_316 : vector<16xi32>
      %swap3A_318 = arith.constant 0 : i32
      %swap3A_319 = arith.index_cast %swap3A_318 : i32 to index
      %swap3A_320 = arith.index_cast %scan3A_145 : i32 to index
      %swap3A_321 = arith.constant 96 : index
      %swap3A_322 = tpu.vector_load %arg6[%swap3A_319, %swap3A_320, %swap3A_321] {strides = array<i32>} : memref<5x26x128xi32, #tpu.memory_space<vmem>>, vector<16xi32>,
      tpu.vector_store %arg6[%swap3A_319, %swap3A_320, %swap3A_321], %add3A_317 {strides = array<i32>} : memref<5x26x128xi32, #tpu.memory_space<vmem>>, vector<16xi32>,
      %get3A_323 = arith.constant 0 : i32
      %get3A_324 = arith.index_cast %get3A_323 : i32 to index
      %get3A_325 = arith.index_cast %scan3A_145 : i32 to index
      %get3A_326 = arith.constant 112 : index
      %get3A_327 = tpu.vector_load %arg6[%get3A_324, %get3A_325, %get3A_326] {strides = array<i32>} : memref<5x26x128xi32, #tpu.memory_space<vmem>>, vector<16xi32>,
      %add3A_328 = arith.addi %get3A_327, %gather3A : vector<16xi32>
      %and3A_329 = arith.constant 16383 : i32
      %and3A_330 = vector.broadcast %and3A_329 : i32 to vector<16xi32>
      %and3A_331 = arith.andi %add3A_328, %and3A_330 : vector<16xi32>
      %sub3A_332 = arith.subi %add3A_328, %and3A_331 : vector<16xi32>
      %and3A_333 = arith.constant 4095 : i32
      %and3A_334 = vector.broadcast %and3A_333 : i32 to vector<16xi32>
      %and3A_335 = arith.andi %and3A_331, %and3A_334 : vector<16xi32>
      %shift_left3A_336 = arith.constant 2 : i32
      %shift_left3A_337 = vector.broadcast %shift_left3A_336 : i32 to vector<16xi32>
      %shift_left3A_338 = arith.shli %and3A_335, %shift_left3A_337 : vector<16xi32>
      %add3A_339 = arith.addi %sub3A_332, %shift_left3A_338 : vector<16xi32>
      %shift_right_arithmetic3A_340 = arith.constant 12 : i32
      %shift_right_arithmetic3A_341 = vector.broadcast %shift_right_arithmetic3A_340 : i32 to vector<16xi32>
      %shift_right_arithmetic3A_342 = arith.shrsi %and3A_331, %shift_right_arithmetic3A_341 : vector<16xi32>
      %add3A_343 = arith.addi %add3A_339, %shift_right_arithmetic3A_342 : vector<16xi32>
      %swap3A_344 = arith.constant 0 : i32
      %swap3A_345 = arith.index_cast %swap3A_344 : i32 to index
      %swap3A_346 = arith.index_cast %scan3A_145 : i32 to index
      %swap3A_347 = arith.constant 112 : index
      %swap3A_348 = tpu.vector_load %arg6[%swap3A_345, %swap3A_346, %swap3A_347] {strides = array<i32>} : memref<5x26x128xi32, #tpu.memory_space<vmem>>, vector<16xi32>,
      tpu.vector_store %arg6[%swap3A_345, %swap3A_346, %swap3A_347], %add3A_343 {strides = array<i32>} : memref<5x26x128xi32, #tpu.memory_space<vmem>>, vector<16xi32>,
      %get3A_349 = arith.constant 1 : i32
      %get3A_350 = arith.index_cast %get3A_349 : i32 to index
      %get3A_351 = arith.index_cast %scan3A_145 : i32 to index
      %get3A_352 = arith.constant 0 : index
      %get3A_353 = tpu.vector_load %arg6[%get3A_350, %get3A_351, %get3A_352] {strides = array<i32>} : memref<5x26x128xi32, #tpu.memory_space<vmem>>, vector<16xi32>,
      %add3A_354 = arith.addi %get3A_353, %gather3A : vector<16xi32>
      %and3A_355 = arith.constant 16383 : i32
      %and3A_356 = vector.broadcast %and3A_355 : i32 to vector<16xi32>
      %and3A_357 = arith.andi %add3A_354, %and3A_356 : vector<16xi32>
      %sub3A_358 = arith.subi %add3A_354, %and3A_357 : vector<16xi32>
      %and3A_359 = arith.constant 4095 : i32
      %and3A_360 = vector.broadcast %and3A_359 : i32 to vector<16xi32>
      %and3A_361 = arith.andi %and3A_357, %and3A_360 : vector<16xi32>
      %shift_left3A_362 = arith.constant 2 : i32
      %shift_left3A_363 = vector.broadcast %shift_left3A_362 : i32 to vector<16xi32>
      %shift_left3A_364 = arith.shli %and3A_361, %shift_left3A_363 : vector<16xi32>
      %add3A_365 = arith.addi %sub3A_358, %shift_left3A_364 : vector<16xi32>
      %shift_right_arithmetic3A_366 = arith.constant 12 : i32
      %shift_right_arithmetic3A_367 = vector.broadcast %shift_right_arithmetic3A_366 : i32 to vector<16xi32>
      %shift_right_arithmetic3A_368 = arith.shrsi %and3A_357, %shift_right_arithmetic3A_367 : vector<16xi32>
      %add3A_369 = arith.addi %add3A_365, %shift_right_arithmetic3A_368 : vector<16xi32>
      %swap3A_370 = arith.constant 1 : i32
      %swap3A_371 = arith.index_cast %swap3A_370 : i32 to index
      %swap3A_372 = arith.index_cast %scan3A_145 : i32 to index
      %swap3A_373 = arith.constant 0 : index
      %swap3A_374 = tpu.vector_load %arg6[%swap3A_371, %swap3A_372, %swap3A_373] {strides = array<i32>} : memref<5x26x128xi32, #tpu.memory_space<vmem>>, vector<16xi32>,
      tpu.vector_store %arg6[%swap3A_371, %swap3A_372, %swap3A_373], %add3A_369 {strides = array<i32>} : memref<5x26x128xi32, #tpu.memory_space<vmem>>, vector<16xi32>,
      %get3A_375 = arith.constant 1 : i32
      %get3A_376 = arith.index_cast %get3A_375 : i32 to index
      %get3A_377 = arith.index_cast %scan3A_145 : i32 to index
      %get3A_378 = arith.constant 16 : index
      %get3A_379 = tpu.vector_load %arg6[%get3A_376, %get3A_377, %get3A_378] {strides = array<i32>} : memref<5x26x128xi32, #tpu.memory_space<vmem>>, vector<16xi32>,
      %add3A_380 = arith.addi %get3A_379, %gather3A : vector<16xi32>
      %and3A_381 = arith.constant 16383 : i32
      %and3A_382 = vector.broadcast %and3A_381 : i32 to vector<16xi32>
      %and3A_383 = arith.andi %add3A_380, %and3A_382 : vector<16xi32>
      %sub3A_384 = arith.subi %add3A_380, %and3A_383 : vector<16xi32>
      %and3A_385 = arith.constant 4095 : i32
      %and3A_386 = vector.broadcast %and3A_385 : i32 to vector<16xi32>
      %and3A_387 = arith.andi %and3A_383, %and3A_386 : vector<16xi32>
      %shift_left3A_388 = arith.constant 2 : i32
      %shift_left3A_389 = vector.broadcast %shift_left3A_388 : i32 to vector<16xi32>
      %shift_left3A_390 = arith.shli %and3A_387, %shift_left3A_389 : vector<16xi32>
      %add3A_391 = arith.addi %sub3A_384, %shift_left3A_390 : vector<16xi32>
      %shift_right_arithmetic3A_392 = arith.constant 12 : i32
      %shift_right_arithmetic3A_393 = vector.broadcast %shift_right_arithmetic3A_392 : i32 to vector<16xi32>
      %shift_right_arithmetic3A_394 = arith.shrsi %and3A_383, %shift_right_arithmetic3A_393 : vector<16xi32>
      %add3A_395 = arith.addi %add3A_391, %shift_right_arithmetic3A_394 : vector<16xi32>
      %swap3A_396 = arith.constant 1 : i32
      %swap3A_397 = arith.index_cast %swap3A_396 : i32 to index
      %swap3A_398 = arith.index_cast %scan3A_145 : i32 to index
      %swap3A_399 = arith.constant 16 : index
      %swap3A_400 = tpu.vector_load %arg6[%swap3A_397, %swap3A_398, %swap3A_399] {strides = array<i32>} : memref<5x26x128xi32, #tpu.memory_space<vmem>>, vector<16xi32>,
      tpu.vector_store %arg6[%swap3A_397, %swap3A_398, %swap3A_399], %add3A_395 {strides = array<i32>} : memref<5x26x128xi32, #tpu.memory_space<vmem>>, vector<16xi32>,
      %get3A_401 = arith.constant 1 : i32
      %get3A_402 = arith.index_cast %get3A_401 : i32 to index
      %get3A_403 = arith.index_cast %scan3A_145 : i32 to index
      %get3A_404 = arith.constant 32 : index
      %get3A_405 = tpu.vector_load %arg6[%get3A_402, %get3A_403, %get3A_404] {strides = array<i32>} : memref<5x26x128xi32, #tpu.memory_space<vmem>>, vector<16xi32>,
      %add3A_406 = arith.addi %get3A_405, %gather3A : vector<16xi32>
      %and3A_407 = arith.constant 16383 : i32
      %and3A_408 = vector.broadcast %and3A_407 : i32 to vector<16xi32>
      %and3A_409 = arith.andi %add3A_406, %and3A_408 : vector<16xi32>
      %sub3A_410 = arith.subi %add3A_406, %and3A_409 : vector<16xi32>
      %and3A_411 = arith.constant 4095 : i32
      %and3A_412 = vector.broadcast %and3A_411 : i32 to vector<16xi32>
      %and3A_413 = arith.andi %and3A_409, %and3A_412 : vector<16xi32>
      %shift_left3A_414 = arith.constant 2 : i32
      %shift_left3A_415 = vector.broadcast %shift_left3A_414 : i32 to vector<16xi32>
      %shift_left3A_416 = arith.shli %and3A_413, %shift_left3A_415 : vector<16xi32>
      %add3A_417 = arith.addi %sub3A_410, %shift_left3A_416 : vector<16xi32>
      %shift_right_arithmetic3A_418 = arith.constant 12 : i32
      %shift_right_arithmetic3A_419 = vector.broadcast %shift_right_arithmetic3A_418 : i32 to vector<16xi32>
      %shift_right_arithmetic3A_420 = arith.shrsi %and3A_409, %shift_right_arithmetic3A_419 : vector<16xi32>
      %add3A_421 = arith.addi %add3A_417, %shift_right_arithmetic3A_420 : vector<16xi32>
      %swap3A_422 = arith.constant 1 : i32
      %swap3A_423 = arith.index_cast %swap3A_422 : i32 to index
      %swap3A_424 = arith.index_cast %scan3A_145 : i32 to index
      %swap3A_425 = arith.constant 32 : index
      %swap3A_426 = tpu.vector_load %arg6[%swap3A_423, %swap3A_424, %swap3A_425] {strides = array<i32>} : memref<5x26x128xi32, #tpu.memory_space<vmem>>, vector<16xi32>,
      tpu.vector_store %arg6[%swap3A_423, %swap3A_424, %swap3A_425], %add3A_421 {strides = array<i32>} : memref<5x26x128xi32, #tpu.memory_space<vmem>>, vector<16xi32>,
      %get3A_427 = arith.constant 1 : i32
      %get3A_428 = arith.index_cast %get3A_427 : i32 to index
      %get3A_429 = arith.index_cast %scan3A_145 : i32 to index
      %get3A_430 = arith.constant 48 : index
      %get3A_431 = tpu.vector_load %arg6[%get3A_428, %get3A_429, %get3A_430] {strides = array<i32>} : memref<5x26x128xi32, #tpu.memory_space<vmem>>, vector<16xi32>,
      %add3A_432 = arith.addi %get3A_431, %gather3A : vector<16xi32>
      %and3A_433 = arith.constant 16383 : i32
      %and3A_434 = vector.broadcast %and3A_433 : i32 to vector<16xi32>
      %and3A_435 = arith.andi %add3A_432, %and3A_434 : vector<16xi32>
      %sub3A_436 = arith.subi %add3A_432, %and3A_435 : vector<16xi32>
      %and3A_437 = arith.constant 4095 : i32
      %and3A_438 = vector.broadcast %and3A_437 : i32 to vector<16xi32>
      %and3A_439 = arith.andi %and3A_435, %and3A_438 : vector<16xi32>
      %shift_left3A_440 = arith.constant 2 : i32
      %shift_left3A_441 = vector.broadcast %shift_left3A_440 : i32 to vector<16xi32>
      %shift_left3A_442 = arith.shli %and3A_439, %shift_left3A_441 : vector<16xi32>
      %add3A_443 = arith.addi %sub3A_436, %shift_left3A_442 : vector<16xi32>
      %shift_right_arithmetic3A_444 = arith.constant 12 : i32
      %shift_right_arithmetic3A_445 = vector.broadcast %shift_right_arithmetic3A_444 : i32 to vector<16xi32>
      %shift_right_arithmetic3A_446 = arith.shrsi %and3A_435, %shift_right_arithmetic3A_445 : vector<16xi32>
      %add3A_447 = arith.addi %add3A_443, %shift_right_arithmetic3A_446 : vector<16xi32>
      %swap3A_448 = arith.constant 1 : i32
      %swap3A_449 = arith.index_cast %swap3A_448 : i32 to index
      %swap3A_450 = arith.index_cast %scan3A_145 : i32 to index
      %swap3A_451 = arith.constant 48 : index
      %swap3A_452 = tpu.vector_load %arg6[%swap3A_449, %swap3A_450, %swap3A_451] {strides = array<i32>} : memref<5x26x128xi32, #tpu.memory_space<vmem>>, vector<16xi32>,
      tpu.vector_store %arg6[%swap3A_449, %swap3A_450, %swap3A_451], %add3A_447 {strides = array<i32>} : memref<5x26x128xi32, #tpu.memory_space<vmem>>, vector<16xi32>,
      %get3A_453 = arith.constant 1 : i32
      %get3A_454 = arith.index_cast %get3A_453 : i32 to index
      %get3A_455 = arith.index_cast %scan3A_145 : i32 to index
      %get3A_456 = arith.constant 64 : index
      %get3A_457 = tpu.vector_load %arg6[%get3A_454, %get3A_455, %get3A_456] {strides = array<i32>} : memref<5x26x128xi32, #tpu.memory_space<vmem>>, vector<16xi32>,
      %add3A_458 = arith.addi %get3A_457, %gather3A : vector<16xi32>
      %and3A_459 = arith.constant 16383 : i32
      %and3A_460 = vector.broadcast %and3A_459 : i32 to vector<16xi32>
      %and3A_461 = arith.andi %add3A_458, %and3A_460 : vector<16xi32>
      %sub3A_462 = arith.subi %add3A_458, %and3A_461 : vector<16xi32>
      %and3A_463 = arith.constant 4095 : i32
      %and3A_464 = vector.broadcast %and3A_463 : i32 to vector<16xi32>
      %and3A_465 = arith.andi %and3A_461, %and3A_464 : vector<16xi32>
      %shift_left3A_466 = arith.constant 2 : i32
      %shift_left3A_467 = vector.broadcast %shift_left3A_466 : i32 to vector<16xi32>
      %shift_left3A_468 = arith.shli %and3A_465, %shift_left3A_467 : vector<16xi32>
      %add3A_469 = arith.addi %sub3A_462, %shift_left3A_468 : vector<16xi32>
      %shift_right_arithmetic3A_470 = arith.constant 12 : i32
      %shift_right_arithmetic3A_471 = vector.broadcast %shift_right_arithmetic3A_470 : i32 to vector<16xi32>
      %shift_right_arithmetic3A_472 = arith.shrsi %and3A_461, %shift_right_arithmetic3A_471 : vector<16xi32>
      %add3A_473 = arith.addi %add3A_469, %shift_right_arithmetic3A_472 : vector<16xi32>
      %swap3A_474 = arith.constant 1 : i32
      %swap3A_475 = arith.index_cast %swap3A_474 : i32 to index
      %swap3A_476 = arith.index_cast %scan3A_145 : i32 to index
      %swap3A_477 = arith.constant 64 : index
      %swap3A_478 = tpu.vector_load %arg6[%swap3A_475, %swap3A_476, %swap3A_477] {strides = array<i32>} : memref<5x26x128xi32, #tpu.memory_space<vmem>>, vector<16xi32>,
      tpu.vector_store %arg6[%swap3A_475, %swap3A_476, %swap3A_477], %add3A_473 {strides = array<i32>} : memref<5x26x128xi32, #tpu.memory_space<vmem>>, vector<16xi32>,
      %get3A_479 = arith.constant 1 : i32
      %get3A_480 = arith.index_cast %get3A_479 : i32 to index
      %get3A_481 = arith.index_cast %scan3A_145 : i32 to index
      %get3A_482 = arith.constant 80 : index
      %get3A_483 = tpu.vector_load %arg6[%get3A_480, %get3A_481, %get3A_482] {strides = array<i32>} : memref<5x26x128xi32, #tpu.memory_space<vmem>>, vector<16xi32>,
      %add3A_484 = arith.addi %get3A_483, %gather3A : vector<16xi32>
      %and3A_485 = arith.constant 16383 : i32
      %and3A_486 = vector.broadcast %and3A_485 : i32 to vector<16xi32>
      %and3A_487 = arith.andi %add3A_484, %and3A_486 : vector<16xi32>
      %sub3A_488 = arith.subi %add3A_484, %and3A_487 : vector<16xi32>
      %and3A_489 = arith.constant 4095 : i32
      %and3A_490 = vector.broadcast %and3A_489 : i32 to vector<16xi32>
      %and3A_491 = arith.andi %and3A_487, %and3A_490 : vector<16xi32>
      %shift_left3A_492 = arith.constant 2 : i32
      %shift_left3A_493 = vector.broadcast %shift_left3A_492 : i32 to vector<16xi32>
      %shift_left3A_494 = arith.shli %and3A_491, %shift_left3A_493 : vector<16xi32>
      %add3A_495 = arith.addi %sub3A_488, %shift_left3A_494 : vector<16xi32>
      %shift_right_arithmetic3A_496 = arith.constant 12 : i32
      %shift_right_arithmetic3A_497 = vector.broadcast %shift_right_arithmetic3A_496 : i32 to vector<16xi32>
      %shift_right_arithmetic3A_498 = arith.shrsi %and3A_487, %shift_right_arithmetic3A_497 : vector<16xi32>
      %add3A_499 = arith.addi %add3A_495, %shift_right_arithmetic3A_498 : vector<16xi32>
      %swap3A_500 = arith.constant 1 : i32
      %swap3A_501 = arith.index_cast %swap3A_500 : i32 to index
      %swap3A_502 = arith.index_cast %scan3A_145 : i32 to index
      %swap3A_503 = arith.constant 80 : index
      %swap3A_504 = tpu.vector_load %arg6[%swap3A_501, %swap3A_502, %swap3A_503] {strides = array<i32>} : memref<5x26x128xi32, #tpu.memory_space<vmem>>, vector<16xi32>,
      tpu.vector_store %arg6[%swap3A_501, %swap3A_502, %swap3A_503], %add3A_499 {strides = array<i32>} : memref<5x26x128xi32, #tpu.memory_space<vmem>>, vector<16xi32>,
      %get3A_505 = arith.constant 1 : i32
      %get3A_506 = arith.index_cast %get3A_505 : i32 to index
      %get3A_507 = arith.index_cast %scan3A_145 : i32 to index
      %get3A_508 = arith.constant 96 : index
      %get3A_509 = tpu.vector_load %arg6[%get3A_506, %get3A_507, %get3A_508] {strides = array<i32>} : memref<5x26x128xi32, #tpu.memory_space<vmem>>, vector<16xi32>,
      %add3A_510 = arith.addi %get3A_509, %gather3A : vector<16xi32>
      %and3A_511 = arith.constant 16383 : i32
      %and3A_512 = vector.broadcast %and3A_511 : i32 to vector<16xi32>
      %and3A_513 = arith.andi %add3A_510, %and3A_512 : vector<16xi32>
      %sub3A_514 = arith.subi %add3A_510, %and3A_513 : vector<16xi32>
      %and3A_515 = arith.constant 4095 : i32
      %and3A_516 = vector.broadcast %and3A_515 : i32 to vector<16xi32>
      %and3A_517 = arith.andi %and3A_513, %and3A_516 : vector<16xi32>
      %shift_left3A_518 = arith.constant 2 : i32
      %shift_left3A_519 = vector.broadcast %shift_left3A_518 : i32 to vector<16xi32>
      %shift_left3A_520 = arith.shli %and3A_517, %shift_left3A_519 : vector<16xi32>
      %add3A_521 = arith.addi %sub3A_514, %shift_left3A_520 : vector<16xi32>
      %shift_right_arithmetic3A_522 = arith.constant 12 : i32
      %shift_right_arithmetic3A_523 = vector.broadcast %shift_right_arithmetic3A_522 : i32 to vector<16xi32>
      %shift_right_arithmetic3A_524 = arith.shrsi %and3A_513, %shift_right_arithmetic3A_523 : vector<16xi32>
      %add3A_525 = arith.addi %add3A_521, %shift_right_arithmetic3A_524 : vector<16xi32>
      %swap3A_526 = arith.constant 1 : i32
      %swap3A_527 = arith.index_cast %swap3A_526 : i32 to index
      %swap3A_528 = arith.index_cast %scan3A_145 : i32 to index
      %swap3A_529 = arith.constant 96 : index
      %swap3A_530 = tpu.vector_load %arg6[%swap3A_527, %swap3A_528, %swap3A_529] {strides = array<i32>} : memref<5x26x128xi32, #tpu.memory_space<vmem>>, vector<16xi32>,
      tpu.vector_store %arg6[%swap3A_527, %swap3A_528, %swap3A_529], %add3A_525 {strides = array<i32>} : memref<5x26x128xi32, #tpu.memory_space<vmem>>, vector<16xi32>,
      %get3A_531 = arith.constant 1 : i32
      %get3A_532 = arith.index_cast %get3A_531 : i32 to index
      %get3A_533 = arith.index_cast %scan3A_145 : i32 to index
      %get3A_534 = arith.constant 112 : index
      %get3A_535 = tpu.vector_load %arg6[%get3A_532, %get3A_533, %get3A_534] {strides = array<i32>} : memref<5x26x128xi32, #tpu.memory_space<vmem>>, vector<16xi32>,
      %add3A_536 = arith.addi %get3A_535, %gather3A : vector<16xi32>
      %and3A_537 = arith.constant 16383 : i32
      %and3A_538 = vector.broadcast %and3A_537 : i32 to vector<16xi32>
      %and3A_539 = arith.andi %add3A_536, %and3A_538 : vector<16xi32>
      %sub3A_540 = arith.subi %add3A_536, %and3A_539 : vector<16xi32>
      %and3A_541 = arith.constant 4095 : i32
      %and3A_542 = vector.broadcast %and3A_541 : i32 to vector<16xi32>
      %and3A_543 = arith.andi %and3A_539, %and3A_542 : vector<16xi32>
      %shift_left3A_544 = arith.constant 2 : i32
      %shift_left3A_545 = vector.broadcast %shift_left3A_544 : i32 to vector<16xi32>
      %shift_left3A_546 = arith.shli %and3A_543, %shift_left3A_545 : vector<16xi32>
      %add3A_547 = arith.addi %sub3A_540, %shift_left3A_546 : vector<16xi32>
      %shift_right_arithmetic3A_548 = arith.constant 12 : i32
      %shift_right_arithmetic3A_549 = vector.broadcast %shift_right_arithmetic3A_548 : i32 to vector<16xi32>
      %shift_right_arithmetic3A_550 = arith.shrsi %and3A_539, %shift_right_arithmetic3A_549 : vector<16xi32>
      %add3A_551 = arith.addi %add3A_547, %shift_right_arithmetic3A_550 : vector<16xi32>
      %swap3A_552 = arith.constant 1 : i32
      %swap3A_553 = arith.index_cast %swap3A_552 : i32 to index
      %swap3A_554 = arith.index_cast %scan3A_145 : i32 to index
      %swap3A_555 = arith.constant 112 : index
      %swap3A_556 = tpu.vector_load %arg6[%swap3A_553, %swap3A_554, %swap3A_555] {strides = array<i32>} : memref<5x26x128xi32, #tpu.memory_space<vmem>>, vector<16xi32>,
      tpu.vector_store %arg6[%swap3A_553, %swap3A_554, %swap3A_555], %add3A_551 {strides = array<i32>} : memref<5x26x128xi32, #tpu.memory_space<vmem>>, vector<16xi32>,
      %get3A_557 = arith.constant 2 : i32
      %get3A_558 = arith.index_cast %get3A_557 : i32 to index
      %get3A_559 = arith.index_cast %scan3A_145 : i32 to index
      %get3A_560 = arith.constant 0 : index
      %get3A_561 = tpu.vector_load %arg6[%get3A_558, %get3A_559, %get3A_560] {strides = array<i32>} : memref<5x26x128xi32, #tpu.memory_space<vmem>>, vector<16xi32>,
      %add3A_562 = arith.addi %get3A_561, %gather3A : vector<16xi32>
      %and3A_563 = arith.constant 16383 : i32
      %and3A_564 = vector.broadcast %and3A_563 : i32 to vector<16xi32>
      %and3A_565 = arith.andi %add3A_562, %and3A_564 : vector<16xi32>
      %sub3A_566 = arith.subi %add3A_562, %and3A_565 : vector<16xi32>
      %and3A_567 = arith.constant 4095 : i32
      %and3A_568 = vector.broadcast %and3A_567 : i32 to vector<16xi32>
      %and3A_569 = arith.andi %and3A_565, %and3A_568 : vector<16xi32>
      %shift_left3A_570 = arith.constant 2 : i32
      %shift_left3A_571 = vector.broadcast %shift_left3A_570 : i32 to vector<16xi32>
      %shift_left3A_572 = arith.shli %and3A_569, %shift_left3A_571 : vector<16xi32>
      %add3A_573 = arith.addi %sub3A_566, %shift_left3A_572 : vector<16xi32>
      %shift_right_arithmetic3A_574 = arith.constant 12 : i32
      %shift_right_arithmetic3A_575 = vector.broadcast %shift_right_arithmetic3A_574 : i32 to vector<16xi32>
      %shift_right_arithmetic3A_576 = arith.shrsi %and3A_565, %shift_right_arithmetic3A_575 : vector<16xi32>
      %add3A_577 = arith.addi %add3A_573, %shift_right_arithmetic3A_576 : vector<16xi32>
      %swap3A_578 = arith.constant 2 : i32
      %swap3A_579 = arith.index_cast %swap3A_578 : i32 to index
      %swap3A_580 = arith.index_cast %scan3A_145 : i32 to index
      %swap3A_581 = arith.constant 0 : index
      %swap3A_582 = tpu.vector_load %arg6[%swap3A_579, %swap3A_580, %swap3A_581] {strides = array<i32>} : memref<5x26x128xi32, #tpu.memory_space<vmem>>, vector<16xi32>,
      tpu.vector_store %arg6[%swap3A_579, %swap3A_580, %swap3A_581], %add3A_577 {strides = array<i32>} : memref<5x26x128xi32, #tpu.memory_space<vmem>>, vector<16xi32>,
      %get3A_583 = arith.constant 2 : i32
      %get3A_584 = arith.index_cast %get3A_583 : i32 to index
      %get3A_585 = arith.index_cast %scan3A_145 : i32 to index
      %get3A_586 = arith.constant 16 : index
      %get3A_587 = tpu.vector_load %arg6[%get3A_584, %get3A_585, %get3A_586] {strides = array<i32>} : memref<5x26x128xi32, #tpu.memory_space<vmem>>, vector<16xi32>,
      %add3A_588 = arith.addi %get3A_587, %gather3A : vector<16xi32>
      %and3A_589 = arith.constant 16383 : i32
      %and3A_590 = vector.broadcast %and3A_589 : i32 to vector<16xi32>
      %and3A_591 = arith.andi %add3A_588, %and3A_590 : vector<16xi32>
      %sub3A_592 = arith.subi %add3A_588, %and3A_591 : vector<16xi32>
      %and3A_593 = arith.constant 4095 : i32
      %and3A_594 = vector.broadcast %and3A_593 : i32 to vector<16xi32>
      %and3A_595 = arith.andi %and3A_591, %and3A_594 : vector<16xi32>
      %shift_left3A_596 = arith.constant 2 : i32
      %shift_left3A_597 = vector.broadcast %shift_left3A_596 : i32 to vector<16xi32>
      %shift_left3A_598 = arith.shli %and3A_595, %shift_left3A_597 : vector<16xi32>
      %add3A_599 = arith.addi %sub3A_592, %shift_left3A_598 : vector<16xi32>
      %shift_right_arithmetic3A_600 = arith.constant 12 : i32
      %shift_right_arithmetic3A_601 = vector.broadcast %shift_right_arithmetic3A_600 : i32 to vector<16xi32>
      %shift_right_arithmetic3A_602 = arith.shrsi %and3A_591, %shift_right_arithmetic3A_601 : vector<16xi32>
      %add3A_603 = arith.addi %add3A_599, %shift_right_arithmetic3A_602 : vector<16xi32>
      %swap3A_604 = arith.constant 2 : i32
      %swap3A_605 = arith.index_cast %swap3A_604 : i32 to index
      %swap3A_606 = arith.index_cast %scan3A_145 : i32 to index
      %swap3A_607 = arith.constant 16 : index
      %swap3A_608 = tpu.vector_load %arg6[%swap3A_605, %swap3A_606, %swap3A_607] {strides = array<i32>} : memref<5x26x128xi32, #tpu.memory_space<vmem>>, vector<16xi32>,
      tpu.vector_store %arg6[%swap3A_605, %swap3A_606, %swap3A_607], %add3A_603 {strides = array<i32>} : memref<5x26x128xi32, #tpu.memory_space<vmem>>, vector<16xi32>,
      %get3A_609 = arith.constant 2 : i32
      %get3A_610 = arith.index_cast %get3A_609 : i32 to index
      %get3A_611 = arith.index_cast %scan3A_145 : i32 to index
      %get3A_612 = arith.constant 32 : index
      %get3A_613 = tpu.vector_load %arg6[%get3A_610, %get3A_611, %get3A_612] {strides = array<i32>} : memref<5x26x128xi32, #tpu.memory_space<vmem>>, vector<16xi32>,
      %add3A_614 = arith.addi %get3A_613, %gather3A : vector<16xi32>
      %and3A_615 = arith.constant 16383 : i32
      %and3A_616 = vector.broadcast %and3A_615 : i32 to vector<16xi32>
      %and3A_617 = arith.andi %add3A_614, %and3A_616 : vector<16xi32>
      %sub3A_618 = arith.subi %add3A_614, %and3A_617 : vector<16xi32>
      %and3A_619 = arith.constant 4095 : i32
      %and3A_620 = vector.broadcast %and3A_619 : i32 to vector<16xi32>
      %and3A_621 = arith.andi %and3A_617, %and3A_620 : vector<16xi32>
      %shift_left3A_622 = arith.constant 2 : i32
      %shift_left3A_623 = vector.broadcast %shift_left3A_622 : i32 to vector<16xi32>
      %shift_left3A_624 = arith.shli %and3A_621, %shift_left3A_623 : vector<16xi32>
      %add3A_625 = arith.addi %sub3A_618, %shift_left3A_624 : vector<16xi32>
      %shift_right_arithmetic3A_626 = arith.constant 12 : i32
      %shift_right_arithmetic3A_627 = vector.broadcast %shift_right_arithmetic3A_626 : i32 to vector<16xi32>
      %shift_right_arithmetic3A_628 = arith.shrsi %and3A_617, %shift_right_arithmetic3A_627 : vector<16xi32>
      %add3A_629 = arith.addi %add3A_625, %shift_right_arithmetic3A_628 : vector<16xi32>
      %swap3A_630 = arith.constant 2 : i32
      %swap3A_631 = arith.index_cast %swap3A_630 : i32 to index
      %swap3A_632 = arith.index_cast %scan3A_145 : i32 to index
      %swap3A_633 = arith.constant 32 : index
      %swap3A_634 = tpu.vector_load %arg6[%swap3A_631, %swap3A_632, %swap3A_633] {strides = array<i32>} : memref<5x26x128xi32, #tpu.memory_space<vmem>>, vector<16xi32>,
      tpu.vector_store %arg6[%swap3A_631, %swap3A_632, %swap3A_633], %add3A_629 {strides = array<i32>} : memref<5x26x128xi32, #tpu.memory_space<vmem>>, vector<16xi32>,
      %get3A_635 = arith.constant 2 : i32
      %get3A_636 = arith.index_cast %get3A_635 : i32 to index
      %get3A_637 = arith.index_cast %scan3A_145 : i32 to index
      %get3A_638 = arith.constant 48 : index
      %get3A_639 = tpu.vector_load %arg6[%get3A_636, %get3A_637, %get3A_638] {strides = array<i32>} : memref<5x26x128xi32, #tpu.memory_space<vmem>>, vector<16xi32>,
      %add3A_640 = arith.addi %get3A_639, %gather3A : vector<16xi32>
      %and3A_641 = arith.constant 16383 : i32
      %and3A_642 = vector.broadcast %and3A_641 : i32 to vector<16xi32>
      %and3A_643 = arith.andi %add3A_640, %and3A_642 : vector<16xi32>
      %sub3A_644 = arith.subi %add3A_640, %and3A_643 : vector<16xi32>
      %and3A_645 = arith.constant 4095 : i32
      %and3A_646 = vector.broadcast %and3A_645 : i32 to vector<16xi32>
      %and3A_647 = arith.andi %and3A_643, %and3A_646 : vector<16xi32>
      %shift_left3A_648 = arith.constant 2 : i32
      %shift_left3A_649 = vector.broadcast %shift_left3A_648 : i32 to vector<16xi32>
      %shift_left3A_650 = arith.shli %and3A_647, %shift_left3A_649 : vector<16xi32>
      %add3A_651 = arith.addi %sub3A_644, %shift_left3A_650 : vector<16xi32>
      %shift_right_arithmetic3A_652 = arith.constant 12 : i32
      %shift_right_arithmetic3A_653 = vector.broadcast %shift_right_arithmetic3A_652 : i32 to vector<16xi32>
      %shift_right_arithmetic3A_654 = arith.shrsi %and3A_643, %shift_right_arithmetic3A_653 : vector<16xi32>
      %add3A_655 = arith.addi %add3A_651, %shift_right_arithmetic3A_654 : vector<16xi32>
      %swap3A_656 = arith.constant 2 : i32
      %swap3A_657 = arith.index_cast %swap3A_656 : i32 to index
      %swap3A_658 = arith.index_cast %scan3A_145 : i32 to index
      %swap3A_659 = arith.constant 48 : index
      %swap3A_660 = tpu.vector_load %arg6[%swap3A_657, %swap3A_658, %swap3A_659] {strides = array<i32>} : memref<5x26x128xi32, #tpu.memory_space<vmem>>, vector<16xi32>,
      tpu.vector_store %arg6[%swap3A_657, %swap3A_658, %swap3A_659], %add3A_655 {strides = array<i32>} : memref<5x26x128xi32, #tpu.memory_space<vmem>>, vector<16xi32>,
      %get3A_661 = arith.constant 2 : i32
      %get3A_662 = arith.index_cast %get3A_661 : i32 to index
      %get3A_663 = arith.index_cast %scan3A_145 : i32 to index
      %get3A_664 = arith.constant 64 : index
      %get3A_665 = tpu.vector_load %arg6[%get3A_662, %get3A_663, %get3A_664] {strides = array<i32>} : memref<5x26x128xi32, #tpu.memory_space<vmem>>, vector<16xi32>,
      %add3A_666 = arith.addi %get3A_665, %gather3A : vector<16xi32>
      %and3A_667 = arith.constant 16383 : i32
      %and3A_668 = vector.broadcast %and3A_667 : i32 to vector<16xi32>
      %and3A_669 = arith.andi %add3A_666, %and3A_668 : vector<16xi32>
      %sub3A_670 = arith.subi %add3A_666, %and3A_669 : vector<16xi32>
      %and3A_671 = arith.constant 4095 : i32
      %and3A_672 = vector.broadcast %and3A_671 : i32 to vector<16xi32>
      %and3A_673 = arith.andi %and3A_669, %and3A_672 : vector<16xi32>
      %shift_left3A_674 = arith.constant 2 : i32
      %shift_left3A_675 = vector.broadcast %shift_left3A_674 : i32 to vector<16xi32>
      %shift_left3A_676 = arith.shli %and3A_673, %shift_left3A_675 : vector<16xi32>
      %add3A_677 = arith.addi %sub3A_670, %shift_left3A_676 : vector<16xi32>
      %shift_right_arithmetic3A_678 = arith.constant 12 : i32
      %shift_right_arithmetic3A_679 = vector.broadcast %shift_right_arithmetic3A_678 : i32 to vector<16xi32>
      %shift_right_arithmetic3A_680 = arith.shrsi %and3A_669, %shift_right_arithmetic3A_679 : vector<16xi32>
      %add3A_681 = arith.addi %add3A_677, %shift_right_arithmetic3A_680 : vector<16xi32>
      %swap3A_682 = arith.constant 2 : i32
      %swap3A_683 = arith.index_cast %swap3A_682 : i32 to index
      %swap3A_684 = arith.index_cast %scan3A_145 : i32 to index
      %swap3A_685 = arith.constant 64 : index
      %swap3A_686 = tpu.vector_load %arg6[%swap3A_683, %swap3A_684, %swap3A_685] {strides = array<i32>} : memref<5x26x128xi32, #tpu.memory_space<vmem>>, vector<16xi32>,
      tpu.vector_store %arg6[%swap3A_683, %swap3A_684, %swap3A_685], %add3A_681 {strides = array<i32>} : memref<5x26x128xi32, #tpu.memory_space<vmem>>, vector<16xi32>,
      %get3A_687 = arith.constant 2 : i32
      %get3A_688 = arith.index_cast %get3A_687 : i32 to index
      %get3A_689 = arith.index_cast %scan3A_145 : i32 to index
      %get3A_690 = arith.constant 80 : index
      %get3A_691 = tpu.vector_load %arg6[%get3A_688, %get3A_689, %get3A_690] {strides = array<i32>} : memref<5x26x128xi32, #tpu.memory_space<vmem>>, vector<16xi32>,
      %add3A_692 = arith.addi %get3A_691, %gather3A : vector<16xi32>
      %and3A_693 = arith.constant 16383 : i32
      %and3A_694 = vector.broadcast %and3A_693 : i32 to vector<16xi32>
      %and3A_695 = arith.andi %add3A_692, %and3A_694 : vector<16xi32>
      %sub3A_696 = arith.subi %add3A_692, %and3A_695 : vector<16xi32>
      %and3A_697 = arith.constant 4095 : i32
      %and3A_698 = vector.broadcast %and3A_697 : i32 to vector<16xi32>
      %and3A_699 = arith.andi %and3A_695, %and3A_698 : vector<16xi32>
      %shift_left3A_700 = arith.constant 2 : i32
      %shift_left3A_701 = vector.broadcast %shift_left3A_700 : i32 to vector<16xi32>
      %shift_left3A_702 = arith.shli %and3A_699, %shift_left3A_701 : vector<16xi32>
      %add3A_703 = arith.addi %sub3A_696, %shift_left3A_702 : vector<16xi32>
      %shift_right_arithmetic3A_704 = arith.constant 12 : i32
      %shift_right_arithmetic3A_705 = vector.broadcast %shift_right_arithmetic3A_704 : i32 to vector<16xi32>
      %shift_right_arithmetic3A_706 = arith.shrsi %and3A_695, %shift_right_arithmetic3A_705 : vector<16xi32>
      %add3A_707 = arith.addi %add3A_703, %shift_right_arithmetic3A_706 : vector<16xi32>
      %swap3A_708 = arith.constant 2 : i32
      %swap3A_709 = arith.index_cast %swap3A_708 : i32 to index
      %swap3A_710 = arith.index_cast %scan3A_145 : i32 to index
      %swap3A_711 = arith.constant 80 : index
      %swap3A_712 = tpu.vector_load %arg6[%swap3A_709, %swap3A_710, %swap3A_711] {strides = array<i32>} : memref<5x26x128xi32, #tpu.memory_space<vmem>>, vector<16xi32>,
      tpu.vector_store %arg6[%swap3A_709, %swap3A_710, %swap3A_711], %add3A_707 {strides = array<i32>} : memref<5x26x128xi32, #tpu.memory_space<vmem>>, vector<16xi32>,
      %get3A_713 = arith.constant 2 : i32
      %get3A_714 = arith.index_cast %get3A_713 : i32 to index
      %get3A_715 = arith.index_cast %scan3A_145 : i32 to index
      %get3A_716 = arith.constant 96 : index
      %get3A_717 = tpu.vector_load %arg6[%get3A_714, %get3A_715, %get3A_716] {strides = array<i32>} : memref<5x26x128xi32, #tpu.memory_space<vmem>>, vector<16xi32>,
      %add3A_718 = arith.addi %get3A_717, %gather3A : vector<16xi32>
      %and3A_719 = arith.constant 16383 : i32
      %and3A_720 = vector.broadcast %and3A_719 : i32 to vector<16xi32>
      %and3A_721 = arith.andi %add3A_718, %and3A_720 : vector<16xi32>
      %sub3A_722 = arith.subi %add3A_718, %and3A_721 : vector<16xi32>
      %and3A_723 = arith.constant 4095 : i32
      %and3A_724 = vector.broadcast %and3A_723 : i32 to vector<16xi32>
      %and3A_725 = arith.andi %and3A_721, %and3A_724 : vector<16xi32>
      %shift_left3A_726 = arith.constant 2 : i32
      %shift_left3A_727 = vector.broadcast %shift_left3A_726 : i32 to vector<16xi32>
      %shift_left3A_728 = arith.shli %and3A_725, %shift_left3A_727 : vector<16xi32>
      %add3A_729 = arith.addi %sub3A_722, %shift_left3A_728 : vector<16xi32>
      %shift_right_arithmetic3A_730 = arith.constant 12 : i32
      %shift_right_arithmetic3A_731 = vector.broadcast %shift_right_arithmetic3A_730 : i32 to vector<16xi32>
      %shift_right_arithmetic3A_732 = arith.shrsi %and3A_721, %shift_right_arithmetic3A_731 : vector<16xi32>
      %add3A_733 = arith.addi %add3A_729, %shift_right_arithmetic3A_732 : vector<16xi32>
      %swap3A_734 = arith.constant 2 : i32
      %swap3A_735 = arith.index_cast %swap3A_734 : i32 to index
      %swap3A_736 = arith.index_cast %scan3A_145 : i32 to index
      %swap3A_737 = arith.constant 96 : index
      %swap3A_738 = tpu.vector_load %arg6[%swap3A_735, %swap3A_736, %swap3A_737] {strides = array<i32>} : memref<5x26x128xi32, #tpu.memory_space<vmem>>, vector<16xi32>,
      tpu.vector_store %arg6[%swap3A_735, %swap3A_736, %swap3A_737], %add3A_733 {strides = array<i32>} : memref<5x26x128xi32, #tpu.memory_space<vmem>>, vector<16xi32>,
      %get3A_739 = arith.constant 2 : i32
      %get3A_740 = arith.index_cast %get3A_739 : i32 to index
      %get3A_741 = arith.index_cast %scan3A_145 : i32 to index
      %get3A_742 = arith.constant 112 : index
      %get3A_743 = tpu.vector_load %arg6[%get3A_740, %get3A_741, %get3A_742] {strides = array<i32>} : memref<5x26x128xi32, #tpu.memory_space<vmem>>, vector<16xi32>,
      %add3A_744 = arith.addi %get3A_743, %gather3A : vector<16xi32>
      %and3A_745 = arith.constant 16383 : i32
      %and3A_746 = vector.broadcast %and3A_745 : i32 to vector<16xi32>
      %and3A_747 = arith.andi %add3A_744, %and3A_746 : vector<16xi32>
      %sub3A_748 = arith.subi %add3A_744, %and3A_747 : vector<16xi32>
      %and3A_749 = arith.constant 4095 : i32
      %and3A_750 = vector.broadcast %and3A_749 : i32 to vector<16xi32>
      %and3A_751 = arith.andi %and3A_747, %and3A_750 : vector<16xi32>
      %shift_left3A_752 = arith.constant 2 : i32
      %shift_left3A_753 = vector.broadcast %shift_left3A_752 : i32 to vector<16xi32>
      %shift_left3A_754 = arith.shli %and3A_751, %shift_left3A_753 : vector<16xi32>
      %add3A_755 = arith.addi %sub3A_748, %shift_left3A_754 : vector<16xi32>
      %shift_right_arithmetic3A_756 = arith.constant 12 : i32
      %shift_right_arithmetic3A_757 = vector.broadcast %shift_right_arithmetic3A_756 : i32 to vector<16xi32>
      %shift_right_arithmetic3A_758 = arith.shrsi %and3A_747, %shift_right_arithmetic3A_757 : vector<16xi32>
      %add3A_759 = arith.addi %add3A_755, %shift_right_arithmetic3A_758 : vector<16xi32>
      %swap3A_760 = arith.constant 2 : i32
      %swap3A_761 = arith.index_cast %swap3A_760 : i32 to index
      %swap3A_762 = arith.index_cast %scan3A_145 : i32 to index
      %swap3A_763 = arith.constant 112 : index
      %swap3A_764 = tpu.vector_load %arg6[%swap3A_761, %swap3A_762, %swap3A_763] {strides = array<i32>} : memref<5x26x128xi32, #tpu.memory_space<vmem>>, vector<16xi32>,
      tpu.vector_store %arg6[%swap3A_761, %swap3A_762, %swap3A_763], %add3A_759 {strides = array<i32>} : memref<5x26x128xi32, #tpu.memory_space<vmem>>, vector<16xi32>,
      %get3A_765 = arith.constant 3 : i32
      %get3A_766 = arith.index_cast %get3A_765 : i32 to index
      %get3A_767 = arith.index_cast %scan3A_145 : i32 to index
      %get3A_768 = arith.constant 0 : index
      %get3A_769 = tpu.vector_load %arg6[%get3A_766, %get3A_767, %get3A_768] {strides = array<i32>} : memref<5x26x128xi32, #tpu.memory_space<vmem>>, vector<16xi32>,
      %add3A_770 = arith.addi %get3A_769, %gather3A : vector<16xi32>
      %and3A_771 = arith.constant 16383 : i32
      %and3A_772 = vector.broadcast %and3A_771 : i32 to vector<16xi32>
      %and3A_773 = arith.andi %add3A_770, %and3A_772 : vector<16xi32>
      %sub3A_774 = arith.subi %add3A_770, %and3A_773 : vector<16xi32>
      %and3A_775 = arith.constant 4095 : i32
      %and3A_776 = vector.broadcast %and3A_775 : i32 to vector<16xi32>
      %and3A_777 = arith.andi %and3A_773, %and3A_776 : vector<16xi32>
      %shift_left3A_778 = arith.constant 2 : i32
      %shift_left3A_779 = vector.broadcast %shift_left3A_778 : i32 to vector<16xi32>
      %shift_left3A_780 = arith.shli %and3A_777, %shift_left3A_779 : vector<16xi32>
      %add3A_781 = arith.addi %sub3A_774, %shift_left3A_780 : vector<16xi32>
      %shift_right_arithmetic3A_782 = arith.constant 12 : i32
      %shift_right_arithmetic3A_783 = vector.broadcast %shift_right_arithmetic3A_782 : i32 to vector<16xi32>
      %shift_right_arithmetic3A_784 = arith.shrsi %and3A_773, %shift_right_arithmetic3A_783 : vector<16xi32>
      %add3A_785 = arith.addi %add3A_781, %shift_right_arithmetic3A_784 : vector<16xi32>
      %swap3A_786 = arith.constant 3 : i32
      %swap3A_787 = arith.index_cast %swap3A_786 : i32 to index
      %swap3A_788 = arith.index_cast %scan3A_145 : i32 to index
      %swap3A_789 = arith.constant 0 : index
      %swap3A_790 = tpu.vector_load %arg6[%swap3A_787, %swap3A_788, %swap3A_789] {strides = array<i32>} : memref<5x26x128xi32, #tpu.memory_space<vmem>>, vector<16xi32>,
      tpu.vector_store %arg6[%swap3A_787, %swap3A_788, %swap3A_789], %add3A_785 {strides = array<i32>} : memref<5x26x128xi32, #tpu.memory_space<vmem>>, vector<16xi32>,
      %get3A_791 = arith.constant 3 : i32
      %get3A_792 = arith.index_cast %get3A_791 : i32 to index
      %get3A_793 = arith.index_cast %scan3A_145 : i32 to index
      %get3A_794 = arith.constant 16 : index
      %get3A_795 = tpu.vector_load %arg6[%get3A_792, %get3A_793, %get3A_794] {strides = array<i32>} : memref<5x26x128xi32, #tpu.memory_space<vmem>>, vector<16xi32>,
      %add3A_796 = arith.addi %get3A_795, %gather3A : vector<16xi32>
      %and3A_797 = arith.constant 16383 : i32
      %and3A_798 = vector.broadcast %and3A_797 : i32 to vector<16xi32>
      %and3A_799 = arith.andi %add3A_796, %and3A_798 : vector<16xi32>
      %sub3A_800 = arith.subi %add3A_796, %and3A_799 : vector<16xi32>
      %and3A_801 = arith.constant 4095 : i32
      %and3A_802 = vector.broadcast %and3A_801 : i32 to vector<16xi32>
      %and3A_803 = arith.andi %and3A_799, %and3A_802 : vector<16xi32>
      %shift_left3A_804 = arith.constant 2 : i32
      %shift_left3A_805 = vector.broadcast %shift_left3A_804 : i32 to vector<16xi32>
      %shift_left3A_806 = arith.shli %and3A_803, %shift_left3A_805 : vector<16xi32>
      %add3A_807 = arith.addi %sub3A_800, %shift_left3A_806 : vector<16xi32>
      %shift_right_arithmetic3A_808 = arith.constant 12 : i32
      %shift_right_arithmetic3A_809 = vector.broadcast %shift_right_arithmetic3A_808 : i32 to vector<16xi32>
      %shift_right_arithmetic3A_810 = arith.shrsi %and3A_799, %shift_right_arithmetic3A_809 : vector<16xi32>
      %add3A_811 = arith.addi %add3A_807, %shift_right_arithmetic3A_810 : vector<16xi32>
      %swap3A_812 = arith.constant 3 : i32
      %swap3A_813 = arith.index_cast %swap3A_812 : i32 to index
      %swap3A_814 = arith.index_cast %scan3A_145 : i32 to index
      %swap3A_815 = arith.constant 16 : index
      %swap3A_816 = tpu.vector_load %arg6[%swap3A_813, %swap3A_814, %swap3A_815] {strides = array<i32>} : memref<5x26x128xi32, #tpu.memory_space<vmem>>, vector<16xi32>,
      tpu.vector_store %arg6[%swap3A_813, %swap3A_814, %swap3A_815], %add3A_811 {strides = array<i32>} : memref<5x26x128xi32, #tpu.memory_space<vmem>>, vector<16xi32>,
      %get3A_817 = arith.constant 3 : i32
      %get3A_818 = arith.index_cast %get3A_817 : i32 to index
      %get3A_819 = arith.index_cast %scan3A_145 : i32 to index
      %get3A_820 = arith.constant 32 : index
      %get3A_821 = tpu.vector_load %arg6[%get3A_818, %get3A_819, %get3A_820] {strides = array<i32>} : memref<5x26x128xi32, #tpu.memory_space<vmem>>, vector<16xi32>,
      %add3A_822 = arith.addi %get3A_821, %gather3A : vector<16xi32>
      %and3A_823 = arith.constant 16383 : i32
      %and3A_824 = vector.broadcast %and3A_823 : i32 to vector<16xi32>
      %and3A_825 = arith.andi %add3A_822, %and3A_824 : vector<16xi32>
      %sub3A_826 = arith.subi %add3A_822, %and3A_825 : vector<16xi32>
      %and3A_827 = arith.constant 4095 : i32
      %and3A_828 = vector.broadcast %and3A_827 : i32 to vector<16xi32>
      %and3A_829 = arith.andi %and3A_825, %and3A_828 : vector<16xi32>
      %shift_left3A_830 = arith.constant 2 : i32
      %shift_left3A_831 = vector.broadcast %shift_left3A_830 : i32 to vector<16xi32>
      %shift_left3A_832 = arith.shli %and3A_829, %shift_left3A_831 : vector<16xi32>
      %add3A_833 = arith.addi %sub3A_826, %shift_left3A_832 : vector<16xi32>
      %shift_right_arithmetic3A_834 = arith.constant 12 : i32
      %shift_right_arithmetic3A_835 = vector.broadcast %shift_right_arithmetic3A_834 : i32 to vector<16xi32>
      %shift_right_arithmetic3A_836 = arith.shrsi %and3A_825, %shift_right_arithmetic3A_835 : vector<16xi32>
      %add3A_837 = arith.addi %add3A_833, %shift_right_arithmetic3A_836 : vector<16xi32>
      %swap3A_838 = arith.constant 3 : i32
      %swap3A_839 = arith.index_cast %swap3A_838 : i32 to index
      %swap3A_840 = arith.index_cast %scan3A_145 : i32 to index
      %swap3A_841 = arith.constant 32 : index
      %swap3A_842 = tpu.vector_load %arg6[%swap3A_839, %swap3A_840, %swap3A_841] {strides = array<i32>} : memref<5x26x128xi32, #tpu.memory_space<vmem>>, vector<16xi32>,
      tpu.vector_store %arg6[%swap3A_839, %swap3A_840, %swap3A_841], %add3A_837 {strides = array<i32>} : memref<5x26x128xi32, #tpu.memory_space<vmem>>, vector<16xi32>,
      %get3A_843 = arith.constant 3 : i32
      %get3A_844 = arith.index_cast %get3A_843 : i32 to index
      %get3A_845 = arith.index_cast %scan3A_145 : i32 to index
      %get3A_846 = arith.constant 48 : index
      %get3A_847 = tpu.vector_load %arg6[%get3A_844, %get3A_845, %get3A_846] {strides = array<i32>} : memref<5x26x128xi32, #tpu.memory_space<vmem>>, vector<16xi32>,
      %add3A_848 = arith.addi %get3A_847, %gather3A : vector<16xi32>
      %and3A_849 = arith.constant 16383 : i32
      %and3A_850 = vector.broadcast %and3A_849 : i32 to vector<16xi32>
      %and3A_851 = arith.andi %add3A_848, %and3A_850 : vector<16xi32>
      %sub3A_852 = arith.subi %add3A_848, %and3A_851 : vector<16xi32>
      %and3A_853 = arith.constant 4095 : i32
      %and3A_854 = vector.broadcast %and3A_853 : i32 to vector<16xi32>
      %and3A_855 = arith.andi %and3A_851, %and3A_854 : vector<16xi32>
      %shift_left3A_856 = arith.constant 2 : i32
      %shift_left3A_857 = vector.broadcast %shift_left3A_856 : i32 to vector<16xi32>
      %shift_left3A_858 = arith.shli %and3A_855, %shift_left3A_857 : vector<16xi32>
      %add3A_859 = arith.addi %sub3A_852, %shift_left3A_858 : vector<16xi32>
      %shift_right_arithmetic3A_860 = arith.constant 12 : i32
      %shift_right_arithmetic3A_861 = vector.broadcast %shift_right_arithmetic3A_860 : i32 to vector<16xi32>
      %shift_right_arithmetic3A_862 = arith.shrsi %and3A_851, %shift_right_arithmetic3A_861 : vector<16xi32>
      %add3A_863 = arith.addi %add3A_859, %shift_right_arithmetic3A_862 : vector<16xi32>
      %swap3A_864 = arith.constant 3 : i32
      %swap3A_865 = arith.index_cast %swap3A_864 : i32 to index
      %swap3A_866 = arith.index_cast %scan3A_145 : i32 to index
      %swap3A_867 = arith.constant 48 : index
      %swap3A_868 = tpu.vector_load %arg6[%swap3A_865, %swap3A_866, %swap3A_867] {strides = array<i32>} : memref<5x26x128xi32, #tpu.memory_space<vmem>>, vector<16xi32>,
      tpu.vector_store %arg6[%swap3A_865, %swap3A_866, %swap3A_867], %add3A_863 {strides = array<i32>} : memref<5x26x128xi32, #tpu.memory_space<vmem>>, vector<16xi32>,
      %get3A_869 = arith.constant 3 : i32
      %get3A_870 = arith.index_cast %get3A_869 : i32 to index
      %get3A_871 = arith.index_cast %scan3A_145 : i32 to index
      %get3A_872 = arith.constant 64 : index
      %get3A_873 = tpu.vector_load %arg6[%get3A_870, %get3A_871, %get3A_872] {strides = array<i32>} : memref<5x26x128xi32, #tpu.memory_space<vmem>>, vector<16xi32>,
      %add3A_874 = arith.addi %get3A_873, %gather3A : vector<16xi32>
      %and3A_875 = arith.constant 16383 : i32
      %and3A_876 = vector.broadcast %and3A_875 : i32 to vector<16xi32>
      %and3A_877 = arith.andi %add3A_874, %and3A_876 : vector<16xi32>
      %sub3A_878 = arith.subi %add3A_874, %and3A_877 : vector<16xi32>
      %and3A_879 = arith.constant 4095 : i32
      %and3A_880 = vector.broadcast %and3A_879 : i32 to vector<16xi32>
      %and3A_881 = arith.andi %and3A_877, %and3A_880 : vector<16xi32>
      %shift_left3A_882 = arith.constant 2 : i32
      %shift_left3A_883 = vector.broadcast %shift_left3A_882 : i32 to vector<16xi32>
      %shift_left3A_884 = arith.shli %and3A_881, %shift_left3A_883 : vector<16xi32>
      %add3A_885 = arith.addi %sub3A_878, %shift_left3A_884 : vector<16xi32>
      %shift_right_arithmetic3A_886 = arith.constant 12 : i32
      %shift_right_arithmetic3A_887 = vector.broadcast %shift_right_arithmetic3A_886 : i32 to vector<16xi32>
      %shift_right_arithmetic3A_888 = arith.shrsi %and3A_877, %shift_right_arithmetic3A_887 : vector<16xi32>
      %add3A_889 = arith.addi %add3A_885, %shift_right_arithmetic3A_888 : vector<16xi32>
      %swap3A_890 = arith.constant 3 : i32
      %swap3A_891 = arith.index_cast %swap3A_890 : i32 to index
      %swap3A_892 = arith.index_cast %scan3A_145 : i32 to index
      %swap3A_893 = arith.constant 64 : index
      %swap3A_894 = tpu.vector_load %arg6[%swap3A_891, %swap3A_892, %swap3A_893] {strides = array<i32>} : memref<5x26x128xi32, #tpu.memory_space<vmem>>, vector<16xi32>,
      tpu.vector_store %arg6[%swap3A_891, %swap3A_892, %swap3A_893], %add3A_889 {strides = array<i32>} : memref<5x26x128xi32, #tpu.memory_space<vmem>>, vector<16xi32>,
      %get3A_895 = arith.constant 3 : i32
      %get3A_896 = arith.index_cast %get3A_895 : i32 to index
      %get3A_897 = arith.index_cast %scan3A_145 : i32 to index
      %get3A_898 = arith.constant 80 : index
      %get3A_899 = tpu.vector_load %arg6[%get3A_896, %get3A_897, %get3A_898] {strides = array<i32>} : memref<5x26x128xi32, #tpu.memory_space<vmem>>, vector<16xi32>,
      %add3A_900 = arith.addi %get3A_899, %gather3A : vector<16xi32>
      %and3A_901 = arith.constant 16383 : i32
      %and3A_902 = vector.broadcast %and3A_901 : i32 to vector<16xi32>
      %and3A_903 = arith.andi %add3A_900, %and3A_902 : vector<16xi32>
      %sub3A_904 = arith.subi %add3A_900, %and3A_903 : vector<16xi32>
      %and3A_905 = arith.constant 4095 : i32
      %and3A_906 = vector.broadcast %and3A_905 : i32 to vector<16xi32>
      %and3A_907 = arith.andi %and3A_903, %and3A_906 : vector<16xi32>
      %shift_left3A_908 = arith.constant 2 : i32
      %shift_left3A_909 = vector.broadcast %shift_left3A_908 : i32 to vector<16xi32>
      %shift_left3A_910 = arith.shli %and3A_907, %shift_left3A_909 : vector<16xi32>
      %add3A_911 = arith.addi %sub3A_904, %shift_left3A_910 : vector<16xi32>
      %shift_right_arithmetic3A_912 = arith.constant 12 : i32
      %shift_right_arithmetic3A_913 = vector.broadcast %shift_right_arithmetic3A_912 : i32 to vector<16xi32>
      %shift_right_arithmetic3A_914 = arith.shrsi %and3A_903, %shift_right_arithmetic3A_913 : vector<16xi32>
      %add3A_915 = arith.addi %add3A_911, %shift_right_arithmetic3A_914 : vector<16xi32>
      %swap3A_916 = arith.constant 3 : i32
      %swap3A_917 = arith.index_cast %swap3A_916 : i32 to index
      %swap3A_918 = arith.index_cast %scan3A_145 : i32 to index
      %swap3A_919 = arith.constant 80 : index
      %swap3A_920 = tpu.vector_load %arg6[%swap3A_917, %swap3A_918, %swap3A_919] {strides = array<i32>} : memref<5x26x128xi32, #tpu.memory_space<vmem>>, vector<16xi32>,
      tpu.vector_store %arg6[%swap3A_917, %swap3A_918, %swap3A_919], %add3A_915 {strides = array<i32>} : memref<5x26x128xi32, #tpu.memory_space<vmem>>, vector<16xi32>,
      %get3A_921 = arith.constant 3 : i32
      %get3A_922 = arith.index_cast %get3A_921 : i32 to index
      %get3A_923 = arith.index_cast %scan3A_145 : i32 to index
      %get3A_924 = arith.constant 96 : index
      %get3A_925 = tpu.vector_load %arg6[%get3A_922, %get3A_923, %get3A_924] {strides = array<i32>} : memref<5x26x128xi32, #tpu.memory_space<vmem>>, vector<16xi32>,
      %add3A_926 = arith.addi %get3A_925, %gather3A : vector<16xi32>
      %and3A_927 = arith.constant 16383 : i32
      %and3A_928 = vector.broadcast %and3A_927 : i32 to vector<16xi32>
      %and3A_929 = arith.andi %add3A_926, %and3A_928 : vector<16xi32>
      %sub3A_930 = arith.subi %add3A_926, %and3A_929 : vector<16xi32>
      %and3A_931 = arith.constant 4095 : i32
      %and3A_932 = vector.broadcast %and3A_931 : i32 to vector<16xi32>
      %and3A_933 = arith.andi %and3A_929, %and3A_932 : vector<16xi32>
      %shift_left3A_934 = arith.constant 2 : i32
      %shift_left3A_935 = vector.broadcast %shift_left3A_934 : i32 to vector<16xi32>
      %shift_left3A_936 = arith.shli %and3A_933, %shift_left3A_935 : vector<16xi32>
      %add3A_937 = arith.addi %sub3A_930, %shift_left3A_936 : vector<16xi32>
      %shift_right_arithmetic3A_938 = arith.constant 12 : i32
      %shift_right_arithmetic3A_939 = vector.broadcast %shift_right_arithmetic3A_938 : i32 to vector<16xi32>
      %shift_right_arithmetic3A_940 = arith.shrsi %and3A_929, %shift_right_arithmetic3A_939 : vector<16xi32>
      %add3A_941 = arith.addi %add3A_937, %shift_right_arithmetic3A_940 : vector<16xi32>
      %swap3A_942 = arith.constant 3 : i32
      %swap3A_943 = arith.index_cast %swap3A_942 : i32 to index
      %swap3A_944 = arith.index_cast %scan3A_145 : i32 to index
      %swap3A_945 = arith.constant 96 : index
      %swap3A_946 = tpu.vector_load %arg6[%swap3A_943, %swap3A_944, %swap3A_945] {strides = array<i32>} : memref<5x26x128xi32, #tpu.memory_space<vmem>>, vector<16xi32>,
      tpu.vector_store %arg6[%swap3A_943, %swap3A_944, %swap3A_945], %add3A_941 {strides = array<i32>} : memref<5x26x128xi32, #tpu.memory_space<vmem>>, vector<16xi32>,
      %get3A_947 = arith.constant 3 : i32
      %get3A_948 = arith.index_cast %get3A_947 : i32 to index
      %get3A_949 = arith.index_cast %scan3A_145 : i32 to index
      %get3A_950 = arith.constant 112 : index
      %get3A_951 = tpu.vector_load %arg6[%get3A_948, %get3A_949, %get3A_950] {strides = array<i32>} : memref<5x26x128xi32, #tpu.memory_space<vmem>>, vector<16xi32>,
      %add3A_952 = arith.addi %get3A_951, %gather3A : vector<16xi32>
      %and3A_953 = arith.constant 16383 : i32
      %and3A_954 = vector.broadcast %and3A_953 : i32 to vector<16xi32>
      %and3A_955 = arith.andi %add3A_952, %and3A_954 : vector<16xi32>
      %sub3A_956 = arith.subi %add3A_952, %and3A_955 : vector<16xi32>
      %and3A_957 = arith.constant 4095 : i32
      %and3A_958 = vector.broadcast %and3A_957 : i32 to vector<16xi32>
      %and3A_959 = arith.andi %and3A_955, %and3A_958 : vector<16xi32>
      %shift_left3A_960 = arith.constant 2 : i32
      %shift_left3A_961 = vector.broadcast %shift_left3A_960 : i32 to vector<16xi32>
      %shift_left3A_962 = arith.shli %and3A_959, %shift_left3A_961 : vector<16xi32>
      %add3A_963 = arith.addi %sub3A_956, %shift_left3A_962 : vector<16xi32>
      %shift_right_arithmetic3A_964 = arith.constant 12 : i32
      %shift_right_arithmetic3A_965 = vector.broadcast %shift_right_arithmetic3A_964 : i32 to vector<16xi32>
      %shift_right_arithmetic3A_966 = arith.shrsi %and3A_955, %shift_right_arithmetic3A_965 : vector<16xi32>
      %add3A_967 = arith.addi %add3A_963, %shift_right_arithmetic3A_966 : vector<16xi32>
      %swap3A_968 = arith.constant 3 : i32
      %swap3A_969 = arith.index_cast %swap3A_968 : i32 to index
      %swap3A_970 = arith.index_cast %scan3A_145 : i32 to index
      %swap3A_971 = arith.constant 112 : index
      %swap3A_972 = tpu.vector_load %arg6[%swap3A_969, %swap3A_970, %swap3A_971] {strides = array<i32>} : memref<5x26x128xi32, #tpu.memory_space<vmem>>, vector<16xi32>,
      tpu.vector_store %arg6[%swap3A_969, %swap3A_970, %swap3A_971], %add3A_967 {strides = array<i32>} : memref<5x26x128xi32, #tpu.memory_space<vmem>>, vector<16xi32>,
      %get3A_973 = arith.constant 4 : i32
      %get3A_974 = arith.index_cast %get3A_973 : i32 to index
      %get3A_975 = arith.index_cast %scan3A_145 : i32 to index
      %get3A_976 = arith.constant 0 : index
      %get3A_977 = tpu.vector_load %arg6[%get3A_974, %get3A_975, %get3A_976] {strides = array<i32>} : memref<5x26x128xi32, #tpu.memory_space<vmem>>, vector<16xi32>,
      %add3A_978 = arith.addi %get3A_977, %gather3A : vector<16xi32>
      %and3A_979 = arith.constant 16383 : i32
      %and3A_980 = vector.broadcast %and3A_979 : i32 to vector<16xi32>
      %and3A_981 = arith.andi %add3A_978, %and3A_980 : vector<16xi32>
      %sub3A_982 = arith.subi %add3A_978, %and3A_981 : vector<16xi32>
      %and3A_983 = arith.constant 4095 : i32
      %and3A_984 = vector.broadcast %and3A_983 : i32 to vector<16xi32>
      %and3A_985 = arith.andi %and3A_981, %and3A_984 : vector<16xi32>
      %shift_left3A_986 = arith.constant 2 : i32
      %shift_left3A_987 = vector.broadcast %shift_left3A_986 : i32 to vector<16xi32>
      %shift_left3A_988 = arith.shli %and3A_985, %shift_left3A_987 : vector<16xi32>
      %add3A_989 = arith.addi %sub3A_982, %shift_left3A_988 : vector<16xi32>
      %shift_right_arithmetic3A_990 = arith.constant 12 : i32
      %shift_right_arithmetic3A_991 = vector.broadcast %shift_right_arithmetic3A_990 : i32 to vector<16xi32>
      %shift_right_arithmetic3A_992 = arith.shrsi %and3A_981, %shift_right_arithmetic3A_991 : vector<16xi32>
      %add3A_993 = arith.addi %add3A_989, %shift_right_arithmetic3A_992 : vector<16xi32>
      %swap3A_994 = arith.constant 4 : i32
      %swap3A_995 = arith.index_cast %swap3A_994 : i32 to index
      %swap3A_996 = arith.index_cast %scan3A_145 : i32 to index
      %swap3A_997 = arith.constant 0 : index
      %swap3A_998 = tpu.vector_load %arg6[%swap3A_995, %swap3A_996, %swap3A_997] {strides = array<i32>} : memref<5x26x128xi32, #tpu.memory_space<vmem>>, vector<16xi32>,
      tpu.vector_store %arg6[%swap3A_995, %swap3A_996, %swap3A_997], %add3A_993 {strides = array<i32>} : memref<5x26x128xi32, #tpu.memory_space<vmem>>, vector<16xi32>,
      %get3A_999 = arith.constant 4 : i32
      %get3A_1000 = arith.index_cast %get3A_999 : i32 to index
      %get3A_1001 = arith.index_cast %scan3A_145 : i32 to index
      %get3A_1002 = arith.constant 16 : index
      %get3A_1003 = tpu.vector_load %arg6[%get3A_1000, %get3A_1001, %get3A_1002] {strides = array<i32>} : memref<5x26x128xi32, #tpu.memory_space<vmem>>, vector<16xi32>,
      %add3A_1004 = arith.addi %get3A_1003, %gather3A : vector<16xi32>
      %and3A_1005 = arith.constant 16383 : i32
      %and3A_1006 = vector.broadcast %and3A_1005 : i32 to vector<16xi32>
      %and3A_1007 = arith.andi %add3A_1004, %and3A_1006 : vector<16xi32>
      %sub3A_1008 = arith.subi %add3A_1004, %and3A_1007 : vector<16xi32>
      %and3A_1009 = arith.constant 4095 : i32
      %and3A_1010 = vector.broadcast %and3A_1009 : i32 to vector<16xi32>
      %and3A_1011 = arith.andi %and3A_1007, %and3A_1010 : vector<16xi32>
      %shift_left3A_1012 = arith.constant 2 : i32
      %shift_left3A_1013 = vector.broadcast %shift_left3A_1012 : i32 to vector<16xi32>
      %shift_left3A_1014 = arith.shli %and3A_1011, %shift_left3A_1013 : vector<16xi32>
      %add3A_1015 = arith.addi %sub3A_1008, %shift_left3A_1014 : vector<16xi32>
      %shift_right_arithmetic3A_1016 = arith.constant 12 : i32
      %shift_right_arithmetic3A_1017 = vector.broadcast %shift_right_arithmetic3A_1016 : i32 to vector<16xi32>
      %shift_right_arithmetic3A_1018 = arith.shrsi %and3A_1007, %shift_right_arithmetic3A_1017 : vector<16xi32>
      %add3A_1019 = arith.addi %add3A_1015, %shift_right_arithmetic3A_1018 : vector<16xi32>
      %swap3A_1020 = arith.constant 4 : i32
      %swap3A_1021 = arith.index_cast %swap3A_1020 : i32 to index
      %swap3A_1022 = arith.index_cast %scan3A_145 : i32 to index
      %swap3A_1023 = arith.constant 16 : index
      %swap3A_1024 = tpu.vector_load %arg6[%swap3A_1021, %swap3A_1022, %swap3A_1023] {strides = array<i32>} : memref<5x26x128xi32, #tpu.memory_space<vmem>>, vector<16xi32>,
      tpu.vector_store %arg6[%swap3A_1021, %swap3A_1022, %swap3A_1023], %add3A_1019 {strides = array<i32>} : memref<5x26x128xi32, #tpu.memory_space<vmem>>, vector<16xi32>,
      %get3A_1025 = arith.constant 4 : i32
      %get3A_1026 = arith.index_cast %get3A_1025 : i32 to index
      %get3A_1027 = arith.index_cast %scan3A_145 : i32 to index
      %get3A_1028 = arith.constant 32 : index
      %get3A_1029 = tpu.vector_load %arg6[%get3A_1026, %get3A_1027, %get3A_1028] {strides = array<i32>} : memref<5x26x128xi32, #tpu.memory_space<vmem>>, vector<16xi32>,
      %add3A_1030 = arith.addi %get3A_1029, %gather3A : vector<16xi32>
      %and3A_1031 = arith.constant 16383 : i32
      %and3A_1032 = vector.broadcast %and3A_1031 : i32 to vector<16xi32>
      %and3A_1033 = arith.andi %add3A_1030, %and3A_1032 : vector<16xi32>
      %sub3A_1034 = arith.subi %add3A_1030, %and3A_1033 : vector<16xi32>
      %and3A_1035 = arith.constant 4095 : i32
      %and3A_1036 = vector.broadcast %and3A_1035 : i32 to vector<16xi32>
      %and3A_1037 = arith.andi %and3A_1033, %and3A_1036 : vector<16xi32>
      %shift_left3A_1038 = arith.constant 2 : i32
      %shift_left3A_1039 = vector.broadcast %shift_left3A_1038 : i32 to vector<16xi32>
      %shift_left3A_1040 = arith.shli %and3A_1037, %shift_left3A_1039 : vector<16xi32>
      %add3A_1041 = arith.addi %sub3A_1034, %shift_left3A_1040 : vector<16xi32>
      %shift_right_arithmetic3A_1042 = arith.constant 12 : i32
      %shift_right_arithmetic3A_1043 = vector.broadcast %shift_right_arithmetic3A_1042 : i32 to vector<16xi32>
      %shift_right_arithmetic3A_1044 = arith.shrsi %and3A_1033, %shift_right_arithmetic3A_1043 : vector<16xi32>
      %add3A_1045 = arith.addi %add3A_1041, %shift_right_arithmetic3A_1044 : vector<16xi32>
      %swap3A_1046 = arith.constant 4 : i32
      %swap3A_1047 = arith.index_cast %swap3A_1046 : i32 to index
      %swap3A_1048 = arith.index_cast %scan3A_145 : i32 to index
      %swap3A_1049 = arith.constant 32 : index
      %swap3A_1050 = tpu.vector_load %arg6[%swap3A_1047, %swap3A_1048, %swap3A_1049] {strides = array<i32>} : memref<5x26x128xi32, #tpu.memory_space<vmem>>, vector<16xi32>,
      tpu.vector_store %arg6[%swap3A_1047, %swap3A_1048, %swap3A_1049], %add3A_1045 {strides = array<i32>} : memref<5x26x128xi32, #tpu.memory_space<vmem>>, vector<16xi32>,
      %get3A_1051 = arith.constant 4 : i32
      %get3A_1052 = arith.index_cast %get3A_1051 : i32 to index
      %get3A_1053 = arith.index_cast %scan3A_145 : i32 to index
      %get3A_1054 = arith.constant 48 : index
      %get3A_1055 = tpu.vector_load %arg6[%get3A_1052, %get3A_1053, %get3A_1054] {strides = array<i32>} : memref<5x26x128xi32, #tpu.memory_space<vmem>>, vector<16xi32>,
      %add3A_1056 = arith.addi %get3A_1055, %gather3A : vector<16xi32>
      %and3A_1057 = arith.constant 16383 : i32
      %and3A_1058 = vector.broadcast %and3A_1057 : i32 to vector<16xi32>
      %and3A_1059 = arith.andi %add3A_1056, %and3A_1058 : vector<16xi32>
      %sub3A_1060 = arith.subi %add3A_1056, %and3A_1059 : vector<16xi32>
      %and3A_1061 = arith.constant 4095 : i32
      %and3A_1062 = vector.broadcast %and3A_1061 : i32 to vector<16xi32>
      %and3A_1063 = arith.andi %and3A_1059, %and3A_1062 : vector<16xi32>
      %shift_left3A_1064 = arith.constant 2 : i32
      %shift_left3A_1065 = vector.broadcast %shift_left3A_1064 : i32 to vector<16xi32>
      %shift_left3A_1066 = arith.shli %and3A_1063, %shift_left3A_1065 : vector<16xi32>
      %add3A_1067 = arith.addi %sub3A_1060, %shift_left3A_1066 : vector<16xi32>
      %shift_right_arithmetic3A_1068 = arith.constant 12 : i32
      %shift_right_arithmetic3A_1069 = vector.broadcast %shift_right_arithmetic3A_1068 : i32 to vector<16xi32>
      %shift_right_arithmetic3A_1070 = arith.shrsi %and3A_1059, %shift_right_arithmetic3A_1069 : vector<16xi32>
      %add3A_1071 = arith.addi %add3A_1067, %shift_right_arithmetic3A_1070 : vector<16xi32>
      %swap3A_1072 = arith.constant 4 : i32
      %swap3A_1073 = arith.index_cast %swap3A_1072 : i32 to index
      %swap3A_1074 = arith.index_cast %scan3A_145 : i32 to index
      %swap3A_1075 = arith.constant 48 : index
      %swap3A_1076 = tpu.vector_load %arg6[%swap3A_1073, %swap3A_1074, %swap3A_1075] {strides = array<i32>} : memref<5x26x128xi32, #tpu.memory_space<vmem>>, vector<16xi32>,
      tpu.vector_store %arg6[%swap3A_1073, %swap3A_1074, %swap3A_1075], %add3A_1071 {strides = array<i32>} : memref<5x26x128xi32, #tpu.memory_space<vmem>>, vector<16xi32>,
      %get3A_1077 = arith.constant 4 : i32
      %get3A_1078 = arith.index_cast %get3A_1077 : i32 to index
      %get3A_1079 = arith.index_cast %scan3A_145 : i32 to index
      %get3A_1080 = arith.constant 64 : index
      %get3A_1081 = tpu.vector_load %arg6[%get3A_1078, %get3A_1079, %get3A_1080] {strides = array<i32>} : memref<5x26x128xi32, #tpu.memory_space<vmem>>, vector<16xi32>,
      %add3A_1082 = arith.addi %get3A_1081, %gather3A : vector<16xi32>
      %and3A_1083 = arith.constant 16383 : i32
      %and3A_1084 = vector.broadcast %and3A_1083 : i32 to vector<16xi32>
      %and3A_1085 = arith.andi %add3A_1082, %and3A_1084 : vector<16xi32>
      %sub3A_1086 = arith.subi %add3A_1082, %and3A_1085 : vector<16xi32>
      %and3A_1087 = arith.constant 4095 : i32
      %and3A_1088 = vector.broadcast %and3A_1087 : i32 to vector<16xi32>
      %and3A_1089 = arith.andi %and3A_1085, %and3A_1088 : vector<16xi32>
      %shift_left3A_1090 = arith.constant 2 : i32
      %shift_left3A_1091 = vector.broadcast %shift_left3A_1090 : i32 to vector<16xi32>
      %shift_left3A_1092 = arith.shli %and3A_1089, %shift_left3A_1091 : vector<16xi32>
      %add3A_1093 = arith.addi %sub3A_1086, %shift_left3A_1092 : vector<16xi32>
      %shift_right_arithmetic3A_1094 = arith.constant 12 : i32
      %shift_right_arithmetic3A_1095 = vector.broadcast %shift_right_arithmetic3A_1094 : i32 to vector<16xi32>
      %shift_right_arithmetic3A_1096 = arith.shrsi %and3A_1085, %shift_right_arithmetic3A_1095 : vector<16xi32>
      %add3A_1097 = arith.addi %add3A_1093, %shift_right_arithmetic3A_1096 : vector<16xi32>
      %swap3A_1098 = arith.constant 4 : i32
      %swap3A_1099 = arith.index_cast %swap3A_1098 : i32 to index
      %swap3A_1100 = arith.index_cast %scan3A_145 : i32 to index
      %swap3A_1101 = arith.constant 64 : index
      %swap3A_1102 = tpu.vector_load %arg6[%swap3A_1099, %swap3A_1100, %swap3A_1101] {strides = array<i32>} : memref<5x26x128xi32, #tpu.memory_space<vmem>>, vector<16xi32>,
      tpu.vector_store %arg6[%swap3A_1099, %swap3A_1100, %swap3A_1101], %add3A_1097 {strides = array<i32>} : memref<5x26x128xi32, #tpu.memory_space<vmem>>, vector<16xi32>,
      %get3A_1103 = arith.constant 4 : i32
      %get3A_1104 = arith.index_cast %get3A_1103 : i32 to index
      %get3A_1105 = arith.index_cast %scan3A_145 : i32 to index
      %get3A_1106 = arith.constant 80 : index
      %get3A_1107 = tpu.vector_load %arg6[%get3A_1104, %get3A_1105, %get3A_1106] {strides = array<i32>} : memref<5x26x128xi32, #tpu.memory_space<vmem>>, vector<16xi32>,
      %add3A_1108 = arith.addi %get3A_1107, %gather3A : vector<16xi32>
      %and3A_1109 = arith.constant 16383 : i32
      %and3A_1110 = vector.broadcast %and3A_1109 : i32 to vector<16xi32>
      %and3A_1111 = arith.andi %add3A_1108, %and3A_1110 : vector<16xi32>
      %sub3A_1112 = arith.subi %add3A_1108, %and3A_1111 : vector<16xi32>
      %and3A_1113 = arith.constant 4095 : i32
      %and3A_1114 = vector.broadcast %and3A_1113 : i32 to vector<16xi32>
      %and3A_1115 = arith.andi %and3A_1111, %and3A_1114 : vector<16xi32>
      %shift_left3A_1116 = arith.constant 2 : i32
      %shift_left3A_1117 = vector.broadcast %shift_left3A_1116 : i32 to vector<16xi32>
      %shift_left3A_1118 = arith.shli %and3A_1115, %shift_left3A_1117 : vector<16xi32>
      %add3A_1119 = arith.addi %sub3A_1112, %shift_left3A_1118 : vector<16xi32>
      %shift_right_arithmetic3A_1120 = arith.constant 12 : i32
      %shift_right_arithmetic3A_1121 = vector.broadcast %shift_right_arithmetic3A_1120 : i32 to vector<16xi32>
      %shift_right_arithmetic3A_1122 = arith.shrsi %and3A_1111, %shift_right_arithmetic3A_1121 : vector<16xi32>
      %add3A_1123 = arith.addi %add3A_1119, %shift_right_arithmetic3A_1122 : vector<16xi32>
      %swap3A_1124 = arith.constant 4 : i32
      %swap3A_1125 = arith.index_cast %swap3A_1124 : i32 to index
      %swap3A_1126 = arith.index_cast %scan3A_145 : i32 to index
      %swap3A_1127 = arith.constant 80 : index
      %swap3A_1128 = tpu.vector_load %arg6[%swap3A_1125, %swap3A_1126, %swap3A_1127] {strides = array<i32>} : memref<5x26x128xi32, #tpu.memory_space<vmem>>, vector<16xi32>,
      tpu.vector_store %arg6[%swap3A_1125, %swap3A_1126, %swap3A_1127], %add3A_1123 {strides = array<i32>} : memref<5x26x128xi32, #tpu.memory_space<vmem>>, vector<16xi32>,
      %get3A_1129 = arith.constant 4 : i32
      %get3A_1130 = arith.index_cast %get3A_1129 : i32 to index
      %get3A_1131 = arith.index_cast %scan3A_145 : i32 to index
      %get3A_1132 = arith.constant 96 : index
      %get3A_1133 = tpu.vector_load %arg6[%get3A_1130, %get3A_1131, %get3A_1132] {strides = array<i32>} : memref<5x26x128xi32, #tpu.memory_space<vmem>>, vector<16xi32>,
      %add3A_1134 = arith.addi %get3A_1133, %gather3A : vector<16xi32>
      %and3A_1135 = arith.constant 16383 : i32
      %and3A_1136 = vector.broadcast %and3A_1135 : i32 to vector<16xi32>
      %and3A_1137 = arith.andi %add3A_1134, %and3A_1136 : vector<16xi32>
      %sub3A_1138 = arith.subi %add3A_1134, %and3A_1137 : vector<16xi32>
      %and3A_1139 = arith.constant 4095 : i32
      %and3A_1140 = vector.broadcast %and3A_1139 : i32 to vector<16xi32>
      %and3A_1141 = arith.andi %and3A_1137, %and3A_1140 : vector<16xi32>
      %shift_left3A_1142 = arith.constant 2 : i32
      %shift_left3A_1143 = vector.broadcast %shift_left3A_1142 : i32 to vector<16xi32>
      %shift_left3A_1144 = arith.shli %and3A_1141, %shift_left3A_1143 : vector<16xi32>
      %add3A_1145 = arith.addi %sub3A_1138, %shift_left3A_1144 : vector<16xi32>
      %shift_right_arithmetic3A_1146 = arith.constant 12 : i32
      %shift_right_arithmetic3A_1147 = vector.broadcast %shift_right_arithmetic3A_1146 : i32 to vector<16xi32>
      %shift_right_arithmetic3A_1148 = arith.shrsi %and3A_1137, %shift_right_arithmetic3A_1147 : vector<16xi32>
      %add3A_1149 = arith.addi %add3A_1145, %shift_right_arithmetic3A_1148 : vector<16xi32>
      %swap3A_1150 = arith.constant 4 : i32
      %swap3A_1151 = arith.index_cast %swap3A_1150 : i32 to index
      %swap3A_1152 = arith.index_cast %scan3A_145 : i32 to index
      %swap3A_1153 = arith.constant 96 : index
      %swap3A_1154 = tpu.vector_load %arg6[%swap3A_1151, %swap3A_1152, %swap3A_1153] {strides = array<i32>} : memref<5x26x128xi32, #tpu.memory_space<vmem>>, vector<16xi32>,
      tpu.vector_store %arg6[%swap3A_1151, %swap3A_1152, %swap3A_1153], %add3A_1149 {strides = array<i32>} : memref<5x26x128xi32, #tpu.memory_space<vmem>>, vector<16xi32>,
      %get3A_1155 = arith.constant 4 : i32
      %get3A_1156 = arith.index_cast %get3A_1155 : i32 to index
      %get3A_1157 = arith.index_cast %scan3A_145 : i32 to index
      %get3A_1158 = arith.constant 112 : index
      %get3A_1159 = tpu.vector_load %arg6[%get3A_1156, %get3A_1157, %get3A_1158] {strides = array<i32>} : memref<5x26x128xi32, #tpu.memory_space<vmem>>, vector<16xi32>,
      %add3A_1160 = arith.addi %get3A_1159, %gather3A : vector<16xi32>
      %and3A_1161 = arith.constant 16383 : i32
      %and3A_1162 = vector.broadcast %and3A_1161 : i32 to vector<16xi32>
      %and3A_1163 = arith.andi %add3A_1160, %and3A_1162 : vector<16xi32>
      %sub3A_1164 = arith.subi %add3A_1160, %and3A_1163 : vector<16xi32>
      %and3A_1165 = arith.constant 4095 : i32
      %and3A_1166 = vector.broadcast %and3A_1165 : i32 to vector<16xi32>
      %and3A_1167 = arith.andi %and3A_1163, %and3A_1166 : vector<16xi32>
      %shift_left3A_1168 = arith.constant 2 : i32
      %shift_left3A_1169 = vector.broadcast %shift_left3A_1168 : i32 to vector<16xi32>
      %shift_left3A_1170 = arith.shli %and3A_1167, %shift_left3A_1169 : vector<16xi32>
      %add3A_1171 = arith.addi %sub3A_1164, %shift_left3A_1170 : vector<16xi32>
      %shift_right_arithmetic3A_1172 = arith.constant 12 : i32
      %shift_right_arithmetic3A_1173 = vector.broadcast %shift_right_arithmetic3A_1172 : i32 to vector<16xi32>
      %shift_right_arithmetic3A_1174 = arith.shrsi %and3A_1163, %shift_right_arithmetic3A_1173 : vector<16xi32>
      %add3A_1175 = arith.addi %add3A_1171, %shift_right_arithmetic3A_1174 : vector<16xi32>
      %swap3A_1176 = arith.constant 4 : i32
      %swap3A_1177 = arith.index_cast %swap3A_1176 : i32 to index
      %swap3A_1178 = arith.index_cast %scan3A_145 : i32 to index
      %swap3A_1179 = arith.constant 112 : index
      %swap3A_1180 = tpu.vector_load %arg6[%swap3A_1177, %swap3A_1178, %swap3A_1179] {strides = array<i32>} : memref<5x26x128xi32, #tpu.memory_space<vmem>>, vector<16xi32>,
      tpu.vector_store %arg6[%swap3A_1177, %swap3A_1178, %swap3A_1179], %add3A_1175 {strides = array<i32>} : memref<5x26x128xi32, #tpu.memory_space<vmem>>, vector<16xi32>,
      %scan3A_1181 = arith.constant 0 : i32
      scf.yield %scan3A_1181 : i32
    }
    %scan3A_8 = arith.constant 26 : i32
    %dma_start3A = arith.constant 0 : i32
    %dma_start3A_9 = arith.constant 0 : i32
    %dma_start3A_10 = arith.constant 0 : i32
    %dma_start3A_11 = arith.constant 0 : i32
    %dma_start3A_12 = arith.constant 0 : i32
    %dma_start3A_13 = tpu.memref_slice %arg7[%dma_start3A_10, %dma_start3A_11, %dma_start3A_12] : memref<2x640x32xf32, #tpu.memory_space<vmem>> -> memref<1x128x32xf32, #tpu.memory_space<vmem>>
    %dma_start3A_14 = tpu.memref_squeeze %dma_start3A_13 : memref<1x128x32xf32, #tpu.memory_space<vmem>> -> memref<128x32xf32, #tpu.memory_space<vmem>>
    %dma_start3A_15 = arith.constant 0 : i32
    %dma_start3A_16 = tpu.memref_slice %arg6[%dma_start3A, %dma_start3A_9, %dma_start3A_15] : memref<5x26x128xi32, #tpu.memory_space<vmem>> -> memref<1x1x128xi32, #tpu.memory_space<vmem>>
    %dma_start3A_17 = tpu.memref_squeeze %dma_start3A_16 : memref<1x1x128xi32, #tpu.memory_space<vmem>> -> memref<128xi32, #tpu.memory_space<vmem>>
    %dma_start3A_18 = arith.constant 0 : i32
    %dma_start3A_19 = arith.constant 0 : i32
    %dma_start3A_20 = tpu.memref_slice %arg4[%dma_start3A_18, %dma_start3A_19] : memref<2605056x32xf32, #tpu.memory_space<hbm>> -> memref<2605056x32xf32, #tpu.memory_space<hbm>>
    tpu.enqueue_indirect_dma source(%dma_start3A_20 : memref<2605056x32xf32, #tpu.memory_space<hbm>>) target(%dma_start3A_14 : memref<128x32xf32, #tpu.memory_space<vmem>>) offsets(%dma_start3A_17 : memref<128xi32, #tpu.memory_space<vmem>>) semaphore(%arg9 : memref<!tpu.dma_semaphore, #tpu.memory_space<semaphore_mem>>)
    %dma_start3A_21 = arith.constant 1 : i32
    %dma_start3A_22 = arith.constant 0 : i32
    %dma_start3A_23 = arith.constant 0 : i32
    %dma_start3A_24 = arith.constant 128 : i32
    %dma_start3A_25 = arith.constant 0 : i32
    %dma_start3A_26 = tpu.memref_slice %arg7[%dma_start3A_23, %dma_start3A_24, %dma_start3A_25] : memref<2x640x32xf32, #tpu.memory_space<vmem>> -> memref<1x128x32xf32, #tpu.memory_space<vmem>>
    %dma_start3A_27 = tpu.memref_squeeze %dma_start3A_26 : memref<1x128x32xf32, #tpu.memory_space<vmem>> -> memref<128x32xf32, #tpu.memory_space<vmem>>
    %dma_start3A_28 = arith.constant 0 : i32
    %dma_start3A_29 = tpu.memref_slice %arg6[%dma_start3A_21, %dma_start3A_22, %dma_start3A_28] : memref<5x26x128xi32, #tpu.memory_space<vmem>> -> memref<1x1x128xi32, #tpu.memory_space<vmem>>
    %dma_start3A_30 = tpu.memref_squeeze %dma_start3A_29 : memref<1x1x128xi32, #tpu.memory_space<vmem>> -> memref<128xi32, #tpu.memory_space<vmem>>
    %dma_start3A_31 = arith.constant 0 : i32
    %dma_start3A_32 = arith.constant 0 : i32
    %dma_start3A_33 = tpu.memref_slice %arg4[%dma_start3A_31, %dma_start3A_32] : memref<2605056x32xf32, #tpu.memory_space<hbm>> -> memref<2605056x32xf32, #tpu.memory_space<hbm>>
    tpu.enqueue_indirect_dma source(%dma_start3A_33 : memref<2605056x32xf32, #tpu.memory_space<hbm>>) target(%dma_start3A_27 : memref<128x32xf32, #tpu.memory_space<vmem>>) offsets(%dma_start3A_30 : memref<128xi32, #tpu.memory_space<vmem>>) semaphore(%arg9 : memref<!tpu.dma_semaphore, #tpu.memory_space<semaphore_mem>>)
    %dma_start3A_34 = arith.constant 2 : i32
    %dma_start3A_35 = arith.constant 0 : i32
    %dma_start3A_36 = arith.constant 0 : i32
    %dma_start3A_37 = arith.constant 256 : i32
    %dma_start3A_38 = arith.constant 0 : i32
    %dma_start3A_39 = tpu.memref_slice %arg7[%dma_start3A_36, %dma_start3A_37, %dma_start3A_38] : memref<2x640x32xf32, #tpu.memory_space<vmem>> -> memref<1x128x32xf32, #tpu.memory_space<vmem>>
    %dma_start3A_40 = tpu.memref_squeeze %dma_start3A_39 : memref<1x128x32xf32, #tpu.memory_space<vmem>> -> memref<128x32xf32, #tpu.memory_space<vmem>>
    %dma_start3A_41 = arith.constant 0 : i32
    %dma_start3A_42 = tpu.memref_slice %arg6[%dma_start3A_34, %dma_start3A_35, %dma_start3A_41] : memref<5x26x128xi32, #tpu.memory_space<vmem>> -> memref<1x1x128xi32, #tpu.memory_space<vmem>>
    %dma_start3A_43 = tpu.memref_squeeze %dma_start3A_42 : memref<1x1x128xi32, #tpu.memory_space<vmem>> -> memref<128xi32, #tpu.memory_space<vmem>>
    %dma_start3A_44 = arith.constant 0 : i32
    %dma_start3A_45 = arith.constant 0 : i32
    %dma_start3A_46 = tpu.memref_slice %arg4[%dma_start3A_44, %dma_start3A_45] : memref<2605056x32xf32, #tpu.memory_space<hbm>> -> memref<2605056x32xf32, #tpu.memory_space<hbm>>
    tpu.enqueue_indirect_dma source(%dma_start3A_46 : memref<2605056x32xf32, #tpu.memory_space<hbm>>) target(%dma_start3A_40 : memref<128x32xf32, #tpu.memory_space<vmem>>) offsets(%dma_start3A_43 : memref<128xi32, #tpu.memory_space<vmem>>) semaphore(%arg9 : memref<!tpu.dma_semaphore, #tpu.memory_space<semaphore_mem>>)
    %dma_start3A_47 = arith.constant 3 : i32
    %dma_start3A_48 = arith.constant 0 : i32
    %dma_start3A_49 = arith.constant 0 : i32
    %dma_start3A_50 = arith.constant 384 : i32
    %dma_start3A_51 = arith.constant 0 : i32
    %dma_start3A_52 = tpu.memref_slice %arg7[%dma_start3A_49, %dma_start3A_50, %dma_start3A_51] : memref<2x640x32xf32, #tpu.memory_space<vmem>> -> memref<1x128x32xf32, #tpu.memory_space<vmem>>
    %dma_start3A_53 = tpu.memref_squeeze %dma_start3A_52 : memref<1x128x32xf32, #tpu.memory_space<vmem>> -> memref<128x32xf32, #tpu.memory_space<vmem>>
    %dma_start3A_54 = arith.constant 0 : i32
    %dma_start3A_55 = tpu.memref_slice %arg6[%dma_start3A_47, %dma_start3A_48, %dma_start3A_54] : memref<5x26x128xi32, #tpu.memory_space<vmem>> -> memref<1x1x128xi32, #tpu.memory_space<vmem>>
    %dma_start3A_56 = tpu.memref_squeeze %dma_start3A_55 : memref<1x1x128xi32, #tpu.memory_space<vmem>> -> memref<128xi32, #tpu.memory_space<vmem>>
    %dma_start3A_57 = arith.constant 0 : i32
    %dma_start3A_58 = arith.constant 0 : i32
    %dma_start3A_59 = tpu.memref_slice %arg4[%dma_start3A_57, %dma_start3A_58] : memref<2605056x32xf32, #tpu.memory_space<hbm>> -> memref<2605056x32xf32, #tpu.memory_space<hbm>>
    tpu.enqueue_indirect_dma source(%dma_start3A_59 : memref<2605056x32xf32, #tpu.memory_space<hbm>>) target(%dma_start3A_53 : memref<128x32xf32, #tpu.memory_space<vmem>>) offsets(%dma_start3A_56 : memref<128xi32, #tpu.memory_space<vmem>>) semaphore(%arg9 : memref<!tpu.dma_semaphore, #tpu.memory_space<semaphore_mem>>)
    %dma_start3A_60 = arith.constant 4 : i32
    %dma_start3A_61 = arith.constant 0 : i32
    %dma_start3A_62 = arith.constant 0 : i32
    %dma_start3A_63 = arith.constant 512 : i32
    %dma_start3A_64 = arith.constant 0 : i32
    %dma_start3A_65 = tpu.memref_slice %arg7[%dma_start3A_62, %dma_start3A_63, %dma_start3A_64] : memref<2x640x32xf32, #tpu.memory_space<vmem>> -> memref<1x128x32xf32, #tpu.memory_space<vmem>>
    %dma_start3A_66 = tpu.memref_squeeze %dma_start3A_65 : memref<1x128x32xf32, #tpu.memory_space<vmem>> -> memref<128x32xf32, #tpu.memory_space<vmem>>
    %dma_start3A_67 = arith.constant 0 : i32
    %dma_start3A_68 = tpu.memref_slice %arg6[%dma_start3A_60, %dma_start3A_61, %dma_start3A_67] : memref<5x26x128xi32, #tpu.memory_space<vmem>> -> memref<1x1x128xi32, #tpu.memory_space<vmem>>
    %dma_start3A_69 = tpu.memref_squeeze %dma_start3A_68 : memref<1x1x128xi32, #tpu.memory_space<vmem>> -> memref<128xi32, #tpu.memory_space<vmem>>
    %dma_start3A_70 = arith.constant 0 : i32
    %dma_start3A_71 = arith.constant 0 : i32
    %dma_start3A_72 = tpu.memref_slice %arg4[%dma_start3A_70, %dma_start3A_71] : memref<2605056x32xf32, #tpu.memory_space<hbm>> -> memref<2605056x32xf32, #tpu.memory_space<hbm>>
    tpu.enqueue_indirect_dma source(%dma_start3A_72 : memref<2605056x32xf32, #tpu.memory_space<hbm>>) target(%dma_start3A_66 : memref<128x32xf32, #tpu.memory_space<vmem>>) offsets(%dma_start3A_69 : memref<128xi32, #tpu.memory_space<vmem>>) semaphore(%arg9 : memref<!tpu.dma_semaphore, #tpu.memory_space<semaphore_mem>>)
    %dma_start3A_73 = arith.constant 0 : i32
    %dma_start3A_74 = arith.constant 1 : i32
    %dma_start3A_75 = arith.constant 1 : i32
    %dma_start3A_76 = arith.constant 0 : i32
    %dma_start3A_77 = arith.constant 0 : i32
    %dma_start3A_78 = tpu.memref_slice %arg7[%dma_start3A_75, %dma_start3A_76, %dma_start3A_77] : memref<2x640x32xf32, #tpu.memory_space<vmem>> -> memref<1x128x32xf32, #tpu.memory_space<vmem>>
    %dma_start3A_79 = tpu.memref_squeeze %dma_start3A_78 : memref<1x128x32xf32, #tpu.memory_space<vmem>> -> memref<128x32xf32, #tpu.memory_space<vmem>>
    %dma_start3A_80 = arith.constant 0 : i32
    %dma_start3A_81 = tpu.memref_slice %arg6[%dma_start3A_73, %dma_start3A_74, %dma_start3A_80] : memref<5x26x128xi32, #tpu.memory_space<vmem>> -> memref<1x1x128xi32, #tpu.memory_space<vmem>>
    %dma_start3A_82 = tpu.memref_squeeze %dma_start3A_81 : memref<1x1x128xi32, #tpu.memory_space<vmem>> -> memref<128xi32, #tpu.memory_space<vmem>>
    %dma_start3A_83 = arith.constant 0 : i32
    %dma_start3A_84 = arith.constant 0 : i32
    %dma_start3A_85 = tpu.memref_slice %arg4[%dma_start3A_83, %dma_start3A_84] : memref<2605056x32xf32, #tpu.memory_space<hbm>> -> memref<2605056x32xf32, #tpu.memory_space<hbm>>
    tpu.enqueue_indirect_dma source(%dma_start3A_85 : memref<2605056x32xf32, #tpu.memory_space<hbm>>) target(%dma_start3A_79 : memref<128x32xf32, #tpu.memory_space<vmem>>) offsets(%dma_start3A_82 : memref<128xi32, #tpu.memory_space<vmem>>) semaphore(%arg10 : memref<!tpu.dma_semaphore, #tpu.memory_space<semaphore_mem>>)
    %dma_start3A_86 = arith.constant 1 : i32
    %dma_start3A_87 = arith.constant 1 : i32
    %dma_start3A_88 = arith.constant 1 : i32
    %dma_start3A_89 = arith.constant 128 : i32
    %dma_start3A_90 = arith.constant 0 : i32
    %dma_start3A_91 = tpu.memref_slice %arg7[%dma_start3A_88, %dma_start3A_89, %dma_start3A_90] : memref<2x640x32xf32, #tpu.memory_space<vmem>> -> memref<1x128x32xf32, #tpu.memory_space<vmem>>
    %dma_start3A_92 = tpu.memref_squeeze %dma_start3A_91 : memref<1x128x32xf32, #tpu.memory_space<vmem>> -> memref<128x32xf32, #tpu.memory_space<vmem>>
    %dma_start3A_93 = arith.constant 0 : i32
    %dma_start3A_94 = tpu.memref_slice %arg6[%dma_start3A_86, %dma_start3A_87, %dma_start3A_93] : memref<5x26x128xi32, #tpu.memory_space<vmem>> -> memref<1x1x128xi32, #tpu.memory_space<vmem>>
    %dma_start3A_95 = tpu.memref_squeeze %dma_start3A_94 : memref<1x1x128xi32, #tpu.memory_space<vmem>> -> memref<128xi32, #tpu.memory_space<vmem>>
    %dma_start3A_96 = arith.constant 0 : i32
    %dma_start3A_97 = arith.constant 0 : i32
    %dma_start3A_98 = tpu.memref_slice %arg4[%dma_start3A_96, %dma_start3A_97] : memref<2605056x32xf32, #tpu.memory_space<hbm>> -> memref<2605056x32xf32, #tpu.memory_space<hbm>>
    tpu.enqueue_indirect_dma source(%dma_start3A_98 : memref<2605056x32xf32, #tpu.memory_space<hbm>>) target(%dma_start3A_92 : memref<128x32xf32, #tpu.memory_space<vmem>>) offsets(%dma_start3A_95 : memref<128xi32, #tpu.memory_space<vmem>>) semaphore(%arg10 : memref<!tpu.dma_semaphore, #tpu.memory_space<semaphore_mem>>)
    %dma_start3A_99 = arith.constant 2 : i32
    %dma_start3A_100 = arith.constant 1 : i32
    %dma_start3A_101 = arith.constant 1 : i32
    %dma_start3A_102 = arith.constant 256 : i32
    %dma_start3A_103 = arith.constant 0 : i32
    %dma_start3A_104 = tpu.memref_slice %arg7[%dma_start3A_101, %dma_start3A_102, %dma_start3A_103] : memref<2x640x32xf32, #tpu.memory_space<vmem>> -> memref<1x128x32xf32, #tpu.memory_space<vmem>>
    %dma_start3A_105 = tpu.memref_squeeze %dma_start3A_104 : memref<1x128x32xf32, #tpu.memory_space<vmem>> -> memref<128x32xf32, #tpu.memory_space<vmem>>
    %dma_start3A_106 = arith.constant 0 : i32
    %dma_start3A_107 = tpu.memref_slice %arg6[%dma_start3A_99, %dma_start3A_100, %dma_start3A_106] : memref<5x26x128xi32, #tpu.memory_space<vmem>> -> memref<1x1x128xi32, #tpu.memory_space<vmem>>
    %dma_start3A_108 = tpu.memref_squeeze %dma_start3A_107 : memref<1x1x128xi32, #tpu.memory_space<vmem>> -> memref<128xi32, #tpu.memory_space<vmem>>
    %dma_start3A_109 = arith.constant 0 : i32
    %dma_start3A_110 = arith.constant 0 : i32
    %dma_start3A_111 = tpu.memref_slice %arg4[%dma_start3A_109, %dma_start3A_110] : memref<2605056x32xf32, #tpu.memory_space<hbm>> -> memref<2605056x32xf32, #tpu.memory_space<hbm>>
    tpu.enqueue_indirect_dma source(%dma_start3A_111 : memref<2605056x32xf32, #tpu.memory_space<hbm>>) target(%dma_start3A_105 : memref<128x32xf32, #tpu.memory_space<vmem>>) offsets(%dma_start3A_108 : memref<128xi32, #tpu.memory_space<vmem>>) semaphore(%arg10 : memref<!tpu.dma_semaphore, #tpu.memory_space<semaphore_mem>>)
    %dma_start3A_112 = arith.constant 3 : i32
    %dma_start3A_113 = arith.constant 1 : i32
    %dma_start3A_114 = arith.constant 1 : i32
    %dma_start3A_115 = arith.constant 384 : i32
    %dma_start3A_116 = arith.constant 0 : i32
    %dma_start3A_117 = tpu.memref_slice %arg7[%dma_start3A_114, %dma_start3A_115, %dma_start3A_116] : memref<2x640x32xf32, #tpu.memory_space<vmem>> -> memref<1x128x32xf32, #tpu.memory_space<vmem>>
    %dma_start3A_118 = tpu.memref_squeeze %dma_start3A_117 : memref<1x128x32xf32, #tpu.memory_space<vmem>> -> memref<128x32xf32, #tpu.memory_space<vmem>>
    %dma_start3A_119 = arith.constant 0 : i32
    %dma_start3A_120 = tpu.memref_slice %arg6[%dma_start3A_112, %dma_start3A_113, %dma_start3A_119] : memref<5x26x128xi32, #tpu.memory_space<vmem>> -> memref<1x1x128xi32, #tpu.memory_space<vmem>>
    %dma_start3A_121 = tpu.memref_squeeze %dma_start3A_120 : memref<1x1x128xi32, #tpu.memory_space<vmem>> -> memref<128xi32, #tpu.memory_space<vmem>>
    %dma_start3A_122 = arith.constant 0 : i32
    %dma_start3A_123 = arith.constant 0 : i32
    %dma_start3A_124 = tpu.memref_slice %arg4[%dma_start3A_122, %dma_start3A_123] : memref<2605056x32xf32, #tpu.memory_space<hbm>> -> memref<2605056x32xf32, #tpu.memory_space<hbm>>
    tpu.enqueue_indirect_dma source(%dma_start3A_124 : memref<2605056x32xf32, #tpu.memory_space<hbm>>) target(%dma_start3A_118 : memref<128x32xf32, #tpu.memory_space<vmem>>) offsets(%dma_start3A_121 : memref<128xi32, #tpu.memory_space<vmem>>) semaphore(%arg10 : memref<!tpu.dma_semaphore, #tpu.memory_space<semaphore_mem>>)
    %dma_start3A_125 = arith.constant 4 : i32
    %dma_start3A_126 = arith.constant 1 : i32
    %dma_start3A_127 = arith.constant 1 : i32
    %dma_start3A_128 = arith.constant 512 : i32
    %dma_start3A_129 = arith.constant 0 : i32
    %dma_start3A_130 = tpu.memref_slice %arg7[%dma_start3A_127, %dma_start3A_128, %dma_start3A_129] : memref<2x640x32xf32, #tpu.memory_space<vmem>> -> memref<1x128x32xf32, #tpu.memory_space<vmem>>
    %dma_start3A_131 = tpu.memref_squeeze %dma_start3A_130 : memref<1x128x32xf32, #tpu.memory_space<vmem>> -> memref<128x32xf32, #tpu.memory_space<vmem>>
    %dma_start3A_132 = arith.constant 0 : i32
    %dma_start3A_133 = tpu.memref_slice %arg6[%dma_start3A_125, %dma_start3A_126, %dma_start3A_132] : memref<5x26x128xi32, #tpu.memory_space<vmem>> -> memref<1x1x128xi32, #tpu.memory_space<vmem>>
    %dma_start3A_134 = tpu.memref_squeeze %dma_start3A_133 : memref<1x1x128xi32, #tpu.memory_space<vmem>> -> memref<128xi32, #tpu.memory_space<vmem>>
    %dma_start3A_135 = arith.constant 0 : i32
    %dma_start3A_136 = arith.constant 0 : i32
    %dma_start3A_137 = tpu.memref_slice %arg4[%dma_start3A_135, %dma_start3A_136] : memref<2605056x32xf32, #tpu.memory_space<hbm>> -> memref<2605056x32xf32, #tpu.memory_space<hbm>>
    tpu.enqueue_indirect_dma source(%dma_start3A_137 : memref<2605056x32xf32, #tpu.memory_space<hbm>>) target(%dma_start3A_131 : memref<128x32xf32, #tpu.memory_space<vmem>>) offsets(%dma_start3A_134 : memref<128xi32, #tpu.memory_space<vmem>>) semaphore(%arg10 : memref<!tpu.dma_semaphore, #tpu.memory_space<semaphore_mem>>)
    %scan3A_138 = arith.constant 0 : i32
    %scan3A_139 = arith.constant 0 : i32
    %scan3A_140 = arith.constant 13 : i32
    %scan3A_141 = arith.addi %scan3A_139, %scan3A_140 : i32
    %scan3A_142 = arith.constant 1 : i32
    %scan3A_143 = scf.for %scan3A_145 = %scan3A_139 to %scan3A_141 step %scan3A_142 iter_args(%scan3A_146 = %scan3A_138) -> (i32)  : i32 {
      %mul3A_147 = arith.constant 2 : i32
      %mul3A_148 = arith.muli %scan3A_145, %mul3A_147 : i32
      %add3A_149 = arith.constant 0 : i32
      %add3A_150 = arith.addi %mul3A_148, %add3A_149 : i32
      %dma_wait3A = arith.constant 0 : i32
      %dma_wait3A_151 = arith.constant 0 : i32
      %dma_wait3A_152 = arith.constant 0 : i32
      %dma_wait3A_153 = tpu.memref_slice %arg7[%dma_wait3A, %dma_wait3A_151, %dma_wait3A_152] : memref<2x640x32xf32, #tpu.memory_space<vmem>> -> memref<1x640x32xf32, #tpu.memory_space<vmem>>
      %dma_wait3A_154 = tpu.memref_squeeze %dma_wait3A_153 : memref<1x640x32xf32, #tpu.memory_space<vmem>> -> memref<640x32xf32, #tpu.memory_space<vmem>>
      %dma_wait3A_155 = arith.constant 0 : i32
      %dma_wait3A_156 = arith.constant 0 : i32
      %dma_wait3A_157 = tpu.memref_slice %arg4[%dma_wait3A_155, %dma_wait3A_156] : memref<2605056x32xf32, #tpu.memory_space<hbm>> -> memref<640x32xf32, #tpu.memory_space<hbm>>
      %dma_wait3A_158 = arith.constant 0 : i32
      %dma_wait3A_159 = arith.constant 0 : i32
      %dma_wait3A_160 = tpu.memref_slice %arg7[%dma_wait3A, %dma_wait3A_158, %dma_wait3A_159] : memref<2x640x32xf32, #tpu.memory_space<vmem>> -> memref<1x640x32xf32, #tpu.memory_space<vmem>>
      %dma_wait3A_161 = tpu.memref_squeeze %dma_wait3A_160 : memref<1x640x32xf32, #tpu.memory_space<vmem>> -> memref<640x32xf32, #tpu.memory_space<vmem>>
      %dma_wait3A_162 = arith.constant 0 : i32
      %dma_wait3A_163 = arith.constant 0 : i32
      %dma_wait3A_164 = tpu.memref_slice %arg4[%dma_wait3A_162, %dma_wait3A_163] : memref<2605056x32xf32, #tpu.memory_space<hbm>> -> memref<640x32xf32, #tpu.memory_space<hbm>>
      tpu.wait_dma2 semaphore(%arg9 : memref<!tpu.dma_semaphore, #tpu.memory_space<semaphore_mem>>) src(%dma_wait3A_164 : memref<640x32xf32, #tpu.memory_space<hbm>>) dst(%dma_wait3A_161 : memref<640x32xf32, #tpu.memory_space<vmem>>)
      %mul3A_165 = arith.constant 640 : i32
      %mul3A_166 = arith.muli %add3A, %mul3A_165 : i32
      %mul3A_167 = arith.constant 32 : i32
      %mul3A_168 = arith.muli %add3A_150, %mul3A_167 : i32
      %run_scoped3A = arith.constant 0 : i32
      "tpu.region"() ({
        %run_scoped3A_205 = tpu.sem_alloc : memref<!tpu.dma_semaphore, #tpu.memory_space<semaphore_mem>>
        %dma_start3A_206 = arith.constant 0 : i32
        %dma_start3A_207 = arith.constant 0 : i32
        %dma_start3A_208 = tpu.memref_slice %arg7[%run_scoped3A, %dma_start3A_206, %dma_start3A_207] : memref<2x640x32xf32, #tpu.memory_space<vmem>> -> memref<1x640x32xf32, #tpu.memory_space<vmem>>
        %dma_start3A_209 = tpu.memref_squeeze %dma_start3A_208 : memref<1x640x32xf32, #tpu.memory_space<vmem>> -> memref<640x32xf32, #tpu.memory_space<vmem>>
        %dma_start3A_210 = tpu.memref_slice %arg5[%mul3A_166, %mul3A_168] : memref<20480x832xf32, #tpu.memory_space<hbm>> -> memref<640x32xf32, #tpu.memory_space<hbm>>
        %dma_start3A_211 = tpu.memref_slice %arg5[%mul3A_166, %mul3A_168] : memref<20480x832xf32, #tpu.memory_space<hbm>> -> memref<640x32xf32, #tpu.memory_space<hbm>>
        %dma_start3A_212 = arith.constant 0 : i32
        %dma_start3A_213 = arith.constant 0 : i32
        %dma_start3A_214 = tpu.memref_slice %arg7[%run_scoped3A, %dma_start3A_212, %dma_start3A_213] : memref<2x640x32xf32, #tpu.memory_space<vmem>> -> memref<1x640x32xf32, #tpu.memory_space<vmem>>
        %dma_start3A_215 = tpu.memref_squeeze %dma_start3A_214 : memref<1x640x32xf32, #tpu.memory_space<vmem>> -> memref<640x32xf32, #tpu.memory_space<vmem>>
        tpu.enqueue_dma source(%dma_start3A_215 : memref<640x32xf32, #tpu.memory_space<vmem>>) target(%dma_start3A_211 : memref<640x32xf32, #tpu.memory_space<hbm>>) target_semaphore(%run_scoped3A_205 : memref<!tpu.dma_semaphore, #tpu.memory_space<semaphore_mem>>)
        %dma_wait3A_216 = arith.constant 0 : i32
        %dma_wait3A_217 = arith.constant 0 : i32
        %dma_wait3A_218 = tpu.memref_slice %arg7[%run_scoped3A, %dma_wait3A_216, %dma_wait3A_217] : memref<2x640x32xf32, #tpu.memory_space<vmem>> -> memref<1x640x32xf32, #tpu.memory_space<vmem>>
        %dma_wait3A_219 = tpu.memref_squeeze %dma_wait3A_218 : memref<1x640x32xf32, #tpu.memory_space<vmem>> -> memref<640x32xf32, #tpu.memory_space<vmem>>
        %dma_wait3A_220 = tpu.memref_slice %arg5[%mul3A_166, %mul3A_168] : memref<20480x832xf32, #tpu.memory_space<hbm>> -> memref<640x32xf32, #tpu.memory_space<hbm>>
        %dma_wait3A_221 = tpu.memref_slice %arg5[%mul3A_166, %mul3A_168] : memref<20480x832xf32, #tpu.memory_space<hbm>> -> memref<640x32xf32, #tpu.memory_space<hbm>>
        %dma_wait3A_222 = arith.constant 0 : i32
        %dma_wait3A_223 = arith.constant 0 : i32
        %dma_wait3A_224 = tpu.memref_slice %arg7[%run_scoped3A, %dma_wait3A_222, %dma_wait3A_223] : memref<2x640x32xf32, #tpu.memory_space<vmem>> -> memref<1x640x32xf32, #tpu.memory_space<vmem>>
        %dma_wait3A_225 = tpu.memref_squeeze %dma_wait3A_224 : memref<1x640x32xf32, #tpu.memory_space<vmem>> -> memref<640x32xf32, #tpu.memory_space<vmem>>
        tpu.wait_dma2 semaphore(%run_scoped3A_205 : memref<!tpu.dma_semaphore, #tpu.memory_space<semaphore_mem>>) src(%dma_wait3A_225 : memref<640x32xf32, #tpu.memory_space<vmem>>) dst(%dma_wait3A_221 : memref<640x32xf32, #tpu.memory_space<hbm>>)
        tpu.yield
      }) : () -> ()
      %add3A_169 = arith.constant 2 : i32
      %add3A_170 = arith.addi %add3A_150, %add3A_169 : i32
      %lt3A = arith.constant 26 : i32
      %lt3A_171 = arith.cmpi slt, %add3A_170, %lt3A : i32
      %convert_element_type3A = arith.extui %lt3A_171 : i1 to i32
      %cond3A = arith.constant 0 : i32
      %cond3A_172 = arith.cmpi ne, %convert_element_type3A, %cond3A : i32
      scf.if %cond3A_172 {
        %add3A_205 = arith.constant 2 : i32
        %add3A_206 = arith.addi %add3A_150, %add3A_205 : i32
        %dma_start3A_207 = arith.constant 0 : i32
        %dma_start3A_208 = arith.constant 0 : i32
        %dma_start3A_209 = arith.constant 0 : i32
        %dma_start3A_210 = arith.constant 0 : i32
        %dma_start3A_211 = tpu.memref_slice %arg7[%dma_start3A_208, %dma_start3A_209, %dma_start3A_210] : memref<2x640x32xf32, #tpu.memory_space<vmem>> -> memref<1x128x32xf32, #tpu.memory_space<vmem>>
        %dma_start3A_212 = tpu.memref_squeeze %dma_start3A_211 : memref<1x128x32xf32, #tpu.memory_space<vmem>> -> memref<128x32xf32, #tpu.memory_space<vmem>>
        %dma_start3A_213 = arith.constant 0 : i32
        %dma_start3A_214 = tpu.memref_slice %arg6[%dma_start3A_207, %add3A_206, %dma_start3A_213] : memref<5x26x128xi32, #tpu.memory_space<vmem>> -> memref<1x1x128xi32, #tpu.memory_space<vmem>>
        %dma_start3A_215 = tpu.memref_squeeze %dma_start3A_214 : memref<1x1x128xi32, #tpu.memory_space<vmem>> -> memref<128xi32, #tpu.memory_space<vmem>>
        %dma_start3A_216 = arith.constant 0 : i32
        %dma_start3A_217 = arith.constant 0 : i32
        %dma_start3A_218 = tpu.memref_slice %arg4[%dma_start3A_216, %dma_start3A_217] : memref<2605056x32xf32, #tpu.memory_space<hbm>> -> memref<2605056x32xf32, #tpu.memory_space<hbm>>
        tpu.enqueue_indirect_dma source(%dma_start3A_218 : memref<2605056x32xf32, #tpu.memory_space<hbm>>) target(%dma_start3A_212 : memref<128x32xf32, #tpu.memory_space<vmem>>) offsets(%dma_start3A_215 : memref<128xi32, #tpu.memory_space<vmem>>) semaphore(%arg9 : memref<!tpu.dma_semaphore, #tpu.memory_space<semaphore_mem>>)
        %dma_start3A_219 = arith.constant 1 : i32
        %dma_start3A_220 = arith.constant 0 : i32
        %dma_start3A_221 = arith.constant 128 : i32
        %dma_start3A_222 = arith.constant 0 : i32
        %dma_start3A_223 = tpu.memref_slice %arg7[%dma_start3A_220, %dma_start3A_221, %dma_start3A_222] : memref<2x640x32xf32, #tpu.memory_space<vmem>> -> memref<1x128x32xf32, #tpu.memory_space<vmem>>
        %dma_start3A_224 = tpu.memref_squeeze %dma_start3A_223 : memref<1x128x32xf32, #tpu.memory_space<vmem>> -> memref<128x32xf32, #tpu.memory_space<vmem>>
        %dma_start3A_225 = arith.constant 0 : i32
        %dma_start3A_226 = tpu.memref_slice %arg6[%dma_start3A_219, %add3A_206, %dma_start3A_225] : memref<5x26x128xi32, #tpu.memory_space<vmem>> -> memref<1x1x128xi32, #tpu.memory_space<vmem>>
        %dma_start3A_227 = tpu.memref_squeeze %dma_start3A_226 : memref<1x1x128xi32, #tpu.memory_space<vmem>> -> memref<128xi32, #tpu.memory_space<vmem>>
        %dma_start3A_228 = arith.constant 0 : i32
        %dma_start3A_229 = arith.constant 0 : i32
        %dma_start3A_230 = tpu.memref_slice %arg4[%dma_start3A_228, %dma_start3A_229] : memref<2605056x32xf32, #tpu.memory_space<hbm>> -> memref<2605056x32xf32, #tpu.memory_space<hbm>>
        tpu.enqueue_indirect_dma source(%dma_start3A_230 : memref<2605056x32xf32, #tpu.memory_space<hbm>>) target(%dma_start3A_224 : memref<128x32xf32, #tpu.memory_space<vmem>>) offsets(%dma_start3A_227 : memref<128xi32, #tpu.memory_space<vmem>>) semaphore(%arg9 : memref<!tpu.dma_semaphore, #tpu.memory_space<semaphore_mem>>)
        %dma_start3A_231 = arith.constant 2 : i32
        %dma_start3A_232 = arith.constant 0 : i32
        %dma_start3A_233 = arith.constant 256 : i32
        %dma_start3A_234 = arith.constant 0 : i32
        %dma_start3A_235 = tpu.memref_slice %arg7[%dma_start3A_232, %dma_start3A_233, %dma_start3A_234] : memref<2x640x32xf32, #tpu.memory_space<vmem>> -> memref<1x128x32xf32, #tpu.memory_space<vmem>>
        %dma_start3A_236 = tpu.memref_squeeze %dma_start3A_235 : memref<1x128x32xf32, #tpu.memory_space<vmem>> -> memref<128x32xf32, #tpu.memory_space<vmem>>
        %dma_start3A_237 = arith.constant 0 : i32
        %dma_start3A_238 = tpu.memref_slice %arg6[%dma_start3A_231, %add3A_206, %dma_start3A_237] : memref<5x26x128xi32, #tpu.memory_space<vmem>> -> memref<1x1x128xi32, #tpu.memory_space<vmem>>
        %dma_start3A_239 = tpu.memref_squeeze %dma_start3A_238 : memref<1x1x128xi32, #tpu.memory_space<vmem>> -> memref<128xi32, #tpu.memory_space<vmem>>
        %dma_start3A_240 = arith.constant 0 : i32
        %dma_start3A_241 = arith.constant 0 : i32
        %dma_start3A_242 = tpu.memref_slice %arg4[%dma_start3A_240, %dma_start3A_241] : memref<2605056x32xf32, #tpu.memory_space<hbm>> -> memref<2605056x32xf32, #tpu.memory_space<hbm>>
        tpu.enqueue_indirect_dma source(%dma_start3A_242 : memref<2605056x32xf32, #tpu.memory_space<hbm>>) target(%dma_start3A_236 : memref<128x32xf32, #tpu.memory_space<vmem>>) offsets(%dma_start3A_239 : memref<128xi32, #tpu.memory_space<vmem>>) semaphore(%arg9 : memref<!tpu.dma_semaphore, #tpu.memory_space<semaphore_mem>>)
        %dma_start3A_243 = arith.constant 3 : i32
        %dma_start3A_244 = arith.constant 0 : i32
        %dma_start3A_245 = arith.constant 384 : i32
        %dma_start3A_246 = arith.constant 0 : i32
        %dma_start3A_247 = tpu.memref_slice %arg7[%dma_start3A_244, %dma_start3A_245, %dma_start3A_246] : memref<2x640x32xf32, #tpu.memory_space<vmem>> -> memref<1x128x32xf32, #tpu.memory_space<vmem>>
        %dma_start3A_248 = tpu.memref_squeeze %dma_start3A_247 : memref<1x128x32xf32, #tpu.memory_space<vmem>> -> memref<128x32xf32, #tpu.memory_space<vmem>>
        %dma_start3A_249 = arith.constant 0 : i32
        %dma_start3A_250 = tpu.memref_slice %arg6[%dma_start3A_243, %add3A_206, %dma_start3A_249] : memref<5x26x128xi32, #tpu.memory_space<vmem>> -> memref<1x1x128xi32, #tpu.memory_space<vmem>>
        %dma_start3A_251 = tpu.memref_squeeze %dma_start3A_250 : memref<1x1x128xi32, #tpu.memory_space<vmem>> -> memref<128xi32, #tpu.memory_space<vmem>>
        %dma_start3A_252 = arith.constant 0 : i32
        %dma_start3A_253 = arith.constant 0 : i32
        %dma_start3A_254 = tpu.memref_slice %arg4[%dma_start3A_252, %dma_start3A_253] : memref<2605056x32xf32, #tpu.memory_space<hbm>> -> memref<2605056x32xf32, #tpu.memory_space<hbm>>
        tpu.enqueue_indirect_dma source(%dma_start3A_254 : memref<2605056x32xf32, #tpu.memory_space<hbm>>) target(%dma_start3A_248 : memref<128x32xf32, #tpu.memory_space<vmem>>) offsets(%dma_start3A_251 : memref<128xi32, #tpu.memory_space<vmem>>) semaphore(%arg9 : memref<!tpu.dma_semaphore, #tpu.memory_space<semaphore_mem>>)
        %dma_start3A_255 = arith.constant 4 : i32
        %dma_start3A_256 = arith.constant 0 : i32
        %dma_start3A_257 = arith.constant 512 : i32
        %dma_start3A_258 = arith.constant 0 : i32
        %dma_start3A_259 = tpu.memref_slice %arg7[%dma_start3A_256, %dma_start3A_257, %dma_start3A_258] : memref<2x640x32xf32, #tpu.memory_space<vmem>> -> memref<1x128x32xf32, #tpu.memory_space<vmem>>
        %dma_start3A_260 = tpu.memref_squeeze %dma_start3A_259 : memref<1x128x32xf32, #tpu.memory_space<vmem>> -> memref<128x32xf32, #tpu.memory_space<vmem>>
        %dma_start3A_261 = arith.constant 0 : i32
        %dma_start3A_262 = tpu.memref_slice %arg6[%dma_start3A_255, %add3A_206, %dma_start3A_261] : memref<5x26x128xi32, #tpu.memory_space<vmem>> -> memref<1x1x128xi32, #tpu.memory_space<vmem>>
        %dma_start3A_263 = tpu.memref_squeeze %dma_start3A_262 : memref<1x1x128xi32, #tpu.memory_space<vmem>> -> memref<128xi32, #tpu.memory_space<vmem>>
        %dma_start3A_264 = arith.constant 0 : i32
        %dma_start3A_265 = arith.constant 0 : i32
        %dma_start3A_266 = tpu.memref_slice %arg4[%dma_start3A_264, %dma_start3A_265] : memref<2605056x32xf32, #tpu.memory_space<hbm>> -> memref<2605056x32xf32, #tpu.memory_space<hbm>>
        tpu.enqueue_indirect_dma source(%dma_start3A_266 : memref<2605056x32xf32, #tpu.memory_space<hbm>>) target(%dma_start3A_260 : memref<128x32xf32, #tpu.memory_space<vmem>>) offsets(%dma_start3A_263 : memref<128xi32, #tpu.memory_space<vmem>>) semaphore(%arg9 : memref<!tpu.dma_semaphore, #tpu.memory_space<semaphore_mem>>)
      } else {
      }
      %mul3A_173 = arith.constant 2 : i32
      %mul3A_174 = arith.muli %scan3A_145, %mul3A_173 : i32
      %add3A_175 = arith.constant 1 : i32
      %add3A_176 = arith.addi %mul3A_174, %add3A_175 : i32
      %dma_wait3A_177 = arith.constant 1 : i32
      %dma_wait3A_178 = arith.constant 0 : i32
      %dma_wait3A_179 = arith.constant 0 : i32
      %dma_wait3A_180 = tpu.memref_slice %arg7[%dma_wait3A_177, %dma_wait3A_178, %dma_wait3A_179] : memref<2x640x32xf32, #tpu.memory_space<vmem>> -> memref<1x640x32xf32, #tpu.memory_space<vmem>>
      %dma_wait3A_181 = tpu.memref_squeeze %dma_wait3A_180 : memref<1x640x32xf32, #tpu.memory_space<vmem>> -> memref<640x32xf32, #tpu.memory_space<vmem>>
      %dma_wait3A_182 = arith.constant 0 : i32
      %dma_wait3A_183 = arith.constant 0 : i32
      %dma_wait3A_184 = tpu.memref_slice %arg4[%dma_wait3A_182, %dma_wait3A_183] : memref<2605056x32xf32, #tpu.memory_space<hbm>> -> memref<640x32xf32, #tpu.memory_space<hbm>>
      %dma_wait3A_185 = arith.constant 0 : i32
      %dma_wait3A_186 = arith.constant 0 : i32
      %dma_wait3A_187 = tpu.memref_slice %arg7[%dma_wait3A_177, %dma_wait3A_185, %dma_wait3A_186] : memref<2x640x32xf32, #tpu.memory_space<vmem>> -> memref<1x640x32xf32, #tpu.memory_space<vmem>>
      %dma_wait3A_188 = tpu.memref_squeeze %dma_wait3A_187 : memref<1x640x32xf32, #tpu.memory_space<vmem>> -> memref<640x32xf32, #tpu.memory_space<vmem>>
      %dma_wait3A_189 = arith.constant 0 : i32
      %dma_wait3A_190 = arith.constant 0 : i32
      %dma_wait3A_191 = tpu.memref_slice %arg4[%dma_wait3A_189, %dma_wait3A_190] : memref<2605056x32xf32, #tpu.memory_space<hbm>> -> memref<640x32xf32, #tpu.memory_space<hbm>>
      tpu.wait_dma2 semaphore(%arg10 : memref<!tpu.dma_semaphore, #tpu.memory_space<semaphore_mem>>) src(%dma_wait3A_191 : memref<640x32xf32, #tpu.memory_space<hbm>>) dst(%dma_wait3A_188 : memref<640x32xf32, #tpu.memory_space<vmem>>)
      %mul3A_192 = arith.constant 640 : i32
      %mul3A_193 = arith.muli %add3A, %mul3A_192 : i32
      %mul3A_194 = arith.constant 32 : i32
      %mul3A_195 = arith.muli %add3A_176, %mul3A_194 : i32
      %run_scoped3A_196 = arith.constant 1 : i32
      "tpu.region"() ({
        %run_scoped3A_205 = tpu.sem_alloc : memref<!tpu.dma_semaphore, #tpu.memory_space<semaphore_mem>>
        %dma_start3A_206 = arith.constant 0 : i32
        %dma_start3A_207 = arith.constant 0 : i32
        %dma_start3A_208 = tpu.memref_slice %arg7[%run_scoped3A_196, %dma_start3A_206, %dma_start3A_207] : memref<2x640x32xf32, #tpu.memory_space<vmem>> -> memref<1x640x32xf32, #tpu.memory_space<vmem>>
        %dma_start3A_209 = tpu.memref_squeeze %dma_start3A_208 : memref<1x640x32xf32, #tpu.memory_space<vmem>> -> memref<640x32xf32, #tpu.memory_space<vmem>>
        %dma_start3A_210 = tpu.memref_slice %arg5[%mul3A_193, %mul3A_195] : memref<20480x832xf32, #tpu.memory_space<hbm>> -> memref<640x32xf32, #tpu.memory_space<hbm>>
        %dma_start3A_211 = tpu.memref_slice %arg5[%mul3A_193, %mul3A_195] : memref<20480x832xf32, #tpu.memory_space<hbm>> -> memref<640x32xf32, #tpu.memory_space<hbm>>
        %dma_start3A_212 = arith.constant 0 : i32
        %dma_start3A_213 = arith.constant 0 : i32
        %dma_start3A_214 = tpu.memref_slice %arg7[%run_scoped3A_196, %dma_start3A_212, %dma_start3A_213] : memref<2x640x32xf32, #tpu.memory_space<vmem>> -> memref<1x640x32xf32, #tpu.memory_space<vmem>>
        %dma_start3A_215 = tpu.memref_squeeze %dma_start3A_214 : memref<1x640x32xf32, #tpu.memory_space<vmem>> -> memref<640x32xf32, #tpu.memory_space<vmem>>
        tpu.enqueue_dma source(%dma_start3A_215 : memref<640x32xf32, #tpu.memory_space<vmem>>) target(%dma_start3A_211 : memref<640x32xf32, #tpu.memory_space<hbm>>) target_semaphore(%run_scoped3A_205 : memref<!tpu.dma_semaphore, #tpu.memory_space<semaphore_mem>>)
        %dma_wait3A_216 = arith.constant 0 : i32
        %dma_wait3A_217 = arith.constant 0 : i32
        %dma_wait3A_218 = tpu.memref_slice %arg7[%run_scoped3A_196, %dma_wait3A_216, %dma_wait3A_217] : memref<2x640x32xf32, #tpu.memory_space<vmem>> -> memref<1x640x32xf32, #tpu.memory_space<vmem>>
        %dma_wait3A_219 = tpu.memref_squeeze %dma_wait3A_218 : memref<1x640x32xf32, #tpu.memory_space<vmem>> -> memref<640x32xf32, #tpu.memory_space<vmem>>
        %dma_wait3A_220 = tpu.memref_slice %arg5[%mul3A_193, %mul3A_195] : memref<20480x832xf32, #tpu.memory_space<hbm>> -> memref<640x32xf32, #tpu.memory_space<hbm>>
        %dma_wait3A_221 = tpu.memref_slice %arg5[%mul3A_193, %mul3A_195] : memref<20480x832xf32, #tpu.memory_space<hbm>> -> memref<640x32xf32, #tpu.memory_space<hbm>>
        %dma_wait3A_222 = arith.constant 0 : i32
        %dma_wait3A_223 = arith.constant 0 : i32
        %dma_wait3A_224 = tpu.memref_slice %arg7[%run_scoped3A_196, %dma_wait3A_222, %dma_wait3A_223] : memref<2x640x32xf32, #tpu.memory_space<vmem>> -> memref<1x640x32xf32, #tpu.memory_space<vmem>>
        %dma_wait3A_225 = tpu.memref_squeeze %dma_wait3A_224 : memref<1x640x32xf32, #tpu.memory_space<vmem>> -> memref<640x32xf32, #tpu.memory_space<vmem>>
        tpu.wait_dma2 semaphore(%run_scoped3A_205 : memref<!tpu.dma_semaphore, #tpu.memory_space<semaphore_mem>>) src(%dma_wait3A_225 : memref<640x32xf32, #tpu.memory_space<vmem>>) dst(%dma_wait3A_221 : memref<640x32xf32, #tpu.memory_space<hbm>>)
        tpu.yield
      }) : () -> ()
      %add3A_197 = arith.constant 2 : i32
      %add3A_198 = arith.addi %add3A_176, %add3A_197 : i32
      %lt3A_199 = arith.constant 26 : i32
      %lt3A_200 = arith.cmpi slt, %add3A_198, %lt3A_199 : i32
      %convert_element_type3A_201 = arith.extui %lt3A_200 : i1 to i32
      %cond3A_202 = arith.constant 0 : i32
      %cond3A_203 = arith.cmpi ne, %convert_element_type3A_201, %cond3A_202 : i32
      scf.if %cond3A_203 {
        %add3A_205 = arith.constant 2 : i32
        %add3A_206 = arith.addi %add3A_176, %add3A_205 : i32
        %dma_start3A_207 = arith.constant 0 : i32
        %dma_start3A_208 = arith.constant 1 : i32
        %dma_start3A_209 = arith.constant 0 : i32
        %dma_start3A_210 = arith.constant 0 : i32
        %dma_start3A_211 = tpu.memref_slice %arg7[%dma_start3A_208, %dma_start3A_209, %dma_start3A_210] : memref<2x640x32xf32, #tpu.memory_space<vmem>> -> memref<1x128x32xf32, #tpu.memory_space<vmem>>
        %dma_start3A_212 = tpu.memref_squeeze %dma_start3A_211 : memref<1x128x32xf32, #tpu.memory_space<vmem>> -> memref<128x32xf32, #tpu.memory_space<vmem>>
        %dma_start3A_213 = arith.constant 0 : i32
        %dma_start3A_214 = tpu.memref_slice %arg6[%dma_start3A_207, %add3A_206, %dma_start3A_213] : memref<5x26x128xi32, #tpu.memory_space<vmem>> -> memref<1x1x128xi32, #tpu.memory_space<vmem>>
        %dma_start3A_215 = tpu.memref_squeeze %dma_start3A_214 : memref<1x1x128xi32, #tpu.memory_space<vmem>> -> memref<128xi32, #tpu.memory_space<vmem>>
        %dma_start3A_216 = arith.constant 0 : i32
        %dma_start3A_217 = arith.constant 0 : i32
        %dma_start3A_218 = tpu.memref_slice %arg4[%dma_start3A_216, %dma_start3A_217] : memref<2605056x32xf32, #tpu.memory_space<hbm>> -> memref<2605056x32xf32, #tpu.memory_space<hbm>>
        tpu.enqueue_indirect_dma source(%dma_start3A_218 : memref<2605056x32xf32, #tpu.memory_space<hbm>>) target(%dma_start3A_212 : memref<128x32xf32, #tpu.memory_space<vmem>>) offsets(%dma_start3A_215 : memref<128xi32, #tpu.memory_space<vmem>>) semaphore(%arg10 : memref<!tpu.dma_semaphore, #tpu.memory_space<semaphore_mem>>)
        %dma_start3A_219 = arith.constant 1 : i32
        %dma_start3A_220 = arith.constant 1 : i32
        %dma_start3A_221 = arith.constant 128 : i32
        %dma_start3A_222 = arith.constant 0 : i32
        %dma_start3A_223 = tpu.memref_slice %arg7[%dma_start3A_220, %dma_start3A_221, %dma_start3A_222] : memref<2x640x32xf32, #tpu.memory_space<vmem>> -> memref<1x128x32xf32, #tpu.memory_space<vmem>>
        %dma_start3A_224 = tpu.memref_squeeze %dma_start3A_223 : memref<1x128x32xf32, #tpu.memory_space<vmem>> -> memref<128x32xf32, #tpu.memory_space<vmem>>
        %dma_start3A_225 = arith.constant 0 : i32
        %dma_start3A_226 = tpu.memref_slice %arg6[%dma_start3A_219, %add3A_206, %dma_start3A_225] : memref<5x26x128xi32, #tpu.memory_space<vmem>> -> memref<1x1x128xi32, #tpu.memory_space<vmem>>
        %dma_start3A_227 = tpu.memref_squeeze %dma_start3A_226 : memref<1x1x128xi32, #tpu.memory_space<vmem>> -> memref<128xi32, #tpu.memory_space<vmem>>
        %dma_start3A_228 = arith.constant 0 : i32
        %dma_start3A_229 = arith.constant 0 : i32
        %dma_start3A_230 = tpu.memref_slice %arg4[%dma_start3A_228, %dma_start3A_229] : memref<2605056x32xf32, #tpu.memory_space<hbm>> -> memref<2605056x32xf32, #tpu.memory_space<hbm>>
        tpu.enqueue_indirect_dma source(%dma_start3A_230 : memref<2605056x32xf32, #tpu.memory_space<hbm>>) target(%dma_start3A_224 : memref<128x32xf32, #tpu.memory_space<vmem>>) offsets(%dma_start3A_227 : memref<128xi32, #tpu.memory_space<vmem>>) semaphore(%arg10 : memref<!tpu.dma_semaphore, #tpu.memory_space<semaphore_mem>>)
        %dma_start3A_231 = arith.constant 2 : i32
        %dma_start3A_232 = arith.constant 1 : i32
        %dma_start3A_233 = arith.constant 256 : i32
        %dma_start3A_234 = arith.constant 0 : i32
        %dma_start3A_235 = tpu.memref_slice %arg7[%dma_start3A_232, %dma_start3A_233, %dma_start3A_234] : memref<2x640x32xf32, #tpu.memory_space<vmem>> -> memref<1x128x32xf32, #tpu.memory_space<vmem>>
        %dma_start3A_236 = tpu.memref_squeeze %dma_start3A_235 : memref<1x128x32xf32, #tpu.memory_space<vmem>> -> memref<128x32xf32, #tpu.memory_space<vmem>>
        %dma_start3A_237 = arith.constant 0 : i32
        %dma_start3A_238 = tpu.memref_slice %arg6[%dma_start3A_231, %add3A_206, %dma_start3A_237] : memref<5x26x128xi32, #tpu.memory_space<vmem>> -> memref<1x1x128xi32, #tpu.memory_space<vmem>>
        %dma_start3A_239 = tpu.memref_squeeze %dma_start3A_238 : memref<1x1x128xi32, #tpu.memory_space<vmem>> -> memref<128xi32, #tpu.memory_space<vmem>>
        %dma_start3A_240 = arith.constant 0 : i32
        %dma_start3A_241 = arith.constant 0 : i32
        %dma_start3A_242 = tpu.memref_slice %arg4[%dma_start3A_240, %dma_start3A_241] : memref<2605056x32xf32, #tpu.memory_space<hbm>> -> memref<2605056x32xf32, #tpu.memory_space<hbm>>
        tpu.enqueue_indirect_dma source(%dma_start3A_242 : memref<2605056x32xf32, #tpu.memory_space<hbm>>) target(%dma_start3A_236 : memref<128x32xf32, #tpu.memory_space<vmem>>) offsets(%dma_start3A_239 : memref<128xi32, #tpu.memory_space<vmem>>) semaphore(%arg10 : memref<!tpu.dma_semaphore, #tpu.memory_space<semaphore_mem>>)
        %dma_start3A_243 = arith.constant 3 : i32
        %dma_start3A_244 = arith.constant 1 : i32
        %dma_start3A_245 = arith.constant 384 : i32
        %dma_start3A_246 = arith.constant 0 : i32
        %dma_start3A_247 = tpu.memref_slice %arg7[%dma_start3A_244, %dma_start3A_245, %dma_start3A_246] : memref<2x640x32xf32, #tpu.memory_space<vmem>> -> memref<1x128x32xf32, #tpu.memory_space<vmem>>
        %dma_start3A_248 = tpu.memref_squeeze %dma_start3A_247 : memref<1x128x32xf32, #tpu.memory_space<vmem>> -> memref<128x32xf32, #tpu.memory_space<vmem>>
        %dma_start3A_249 = arith.constant 0 : i32
        %dma_start3A_250 = tpu.memref_slice %arg6[%dma_start3A_243, %add3A_206, %dma_start3A_249] : memref<5x26x128xi32, #tpu.memory_space<vmem>> -> memref<1x1x128xi32, #tpu.memory_space<vmem>>
        %dma_start3A_251 = tpu.memref_squeeze %dma_start3A_250 : memref<1x1x128xi32, #tpu.memory_space<vmem>> -> memref<128xi32, #tpu.memory_space<vmem>>
        %dma_start3A_252 = arith.constant 0 : i32
        %dma_start3A_253 = arith.constant 0 : i32
        %dma_start3A_254 = tpu.memref_slice %arg4[%dma_start3A_252, %dma_start3A_253] : memref<2605056x32xf32, #tpu.memory_space<hbm>> -> memref<2605056x32xf32, #tpu.memory_space<hbm>>
        tpu.enqueue_indirect_dma source(%dma_start3A_254 : memref<2605056x32xf32, #tpu.memory_space<hbm>>) target(%dma_start3A_248 : memref<128x32xf32, #tpu.memory_space<vmem>>) offsets(%dma_start3A_251 : memref<128xi32, #tpu.memory_space<vmem>>) semaphore(%arg10 : memref<!tpu.dma_semaphore, #tpu.memory_space<semaphore_mem>>)
        %dma_start3A_255 = arith.constant 4 : i32
        %dma_start3A_256 = arith.constant 1 : i32
        %dma_start3A_257 = arith.constant 512 : i32
        %dma_start3A_258 = arith.constant 0 : i32
        %dma_start3A_259 = tpu.memref_slice %arg7[%dma_start3A_256, %dma_start3A_257, %dma_start3A_258] : memref<2x640x32xf32, #tpu.memory_space<vmem>> -> memref<1x128x32xf32, #tpu.memory_space<vmem>>
        %dma_start3A_260 = tpu.memref_squeeze %dma_start3A_259 : memref<1x128x32xf32, #tpu.memory_space<vmem>> -> memref<128x32xf32, #tpu.memory_space<vmem>>
        %dma_start3A_261 = arith.constant 0 : i32
        %dma_start3A_262 = tpu.memref_slice %arg6[%dma_start3A_255, %add3A_206, %dma_start3A_261] : memref<5x26x128xi32, #tpu.memory_space<vmem>> -> memref<1x1x128xi32, #tpu.memory_space<vmem>>
        %dma_start3A_263 = tpu.memref_squeeze %dma_start3A_262 : memref<1x1x128xi32, #tpu.memory_space<vmem>> -> memref<128xi32, #tpu.memory_space<vmem>>
        %dma_start3A_264 = arith.constant 0 : i32
        %dma_start3A_265 = arith.constant 0 : i32
        %dma_start3A_266 = tpu.memref_slice %arg4[%dma_start3A_264, %dma_start3A_265] : memref<2605056x32xf32, #tpu.memory_space<hbm>> -> memref<2605056x32xf32, #tpu.memory_space<hbm>>
        tpu.enqueue_indirect_dma source(%dma_start3A_266 : memref<2605056x32xf32, #tpu.memory_space<hbm>>) target(%dma_start3A_260 : memref<128x32xf32, #tpu.memory_space<vmem>>) offsets(%dma_start3A_263 : memref<128xi32, #tpu.memory_space<vmem>>) semaphore(%arg10 : memref<!tpu.dma_semaphore, #tpu.memory_space<semaphore_mem>>)
      } else {
      }
      %scan3A_204 = arith.constant 0 : i32
      scf.yield %scan3A_204 : i32
    }
    %scan3A_144 = arith.constant 13 : i32
    return
  }
}

module attributes {stable_mosaic.version = 14 : i64} {
  func.func @body(%arg0: i32, %arg1: memref<32x16384xf32, #tpu.memory_space<vmem>>, %arg2: memref<4096x128xf32, #tpu.memory_space<vmem>>) attributes {dimension_semantics = [#tpu.dimension_semantics<arbitrary>], iteration_bounds = array<i64: 159>, scalar_prefetch = 0 : i64, scratch_operands = 0 : i64, tpu.core_type = #tpu.core_type<tc>, window_params = [{transform_indices = @transform_0, window_bounds = array<i64: 32, 16384>}, {transform_indices = @transform_1, window_bounds = array<i64: 4096, 128>}]} {
    %get3A = arith.constant 0 : index
    %get3A_0 = arith.constant 0 : index
    %get3A_1 = vector.load %arg1[%get3A, %get3A_0] : memref<32x16384xf32, #tpu.memory_space<vmem>>, vector<32x16384xf32>
    %transpose3A = tpu.transpose %get3A_1, [1, 0] : vector<32x16384xf32> -> vector<16384x32xf32>
    %slice3A = vector.extract_strided_slice %transpose3A {offsets = [0, 0], sizes = [4096, 32], strides = [1, 1]} : vector<16384x32xf32> to vector<4096x32xf32>
    %swap3A = arith.constant 0 : index
    %swap3A_2 = arith.constant 0 : index
    %swap3A_3 = vector.load %arg2[%swap3A, %swap3A_2] : memref<4096x128xf32, #tpu.memory_space<vmem>>, vector<4096x32xf32>
    tpu.vector_store %arg2[%swap3A, %swap3A_2], %slice3A {strides = array<i32>} : memref<4096x128xf32, #tpu.memory_space<vmem>>, vector<4096x32xf32>,
    %slice3A_4 = vector.extract_strided_slice %transpose3A {offsets = [4096, 0], sizes = [4096, 32], strides = [1, 1]} : vector<16384x32xf32> to vector<4096x32xf32>
    %swap3A_5 = arith.constant 0 : index
    %swap3A_6 = arith.constant 32 : index
    %swap3A_7 = vector.load %arg2[%swap3A_5, %swap3A_6] : memref<4096x128xf32, #tpu.memory_space<vmem>>, vector<4096x32xf32>
    tpu.vector_store %arg2[%swap3A_5, %swap3A_6], %slice3A_4 {strides = array<i32>} : memref<4096x128xf32, #tpu.memory_space<vmem>>, vector<4096x32xf32>,
    %slice3A_8 = vector.extract_strided_slice %transpose3A {offsets = [8192, 0], sizes = [4096, 32], strides = [1, 1]} : vector<16384x32xf32> to vector<4096x32xf32>
    %swap3A_9 = arith.constant 0 : index
    %swap3A_10 = arith.constant 64 : index
    %swap3A_11 = vector.load %arg2[%swap3A_9, %swap3A_10] : memref<4096x128xf32, #tpu.memory_space<vmem>>, vector<4096x32xf32>
    tpu.vector_store %arg2[%swap3A_9, %swap3A_10], %slice3A_8 {strides = array<i32>} : memref<4096x128xf32, #tpu.memory_space<vmem>>, vector<4096x32xf32>,
    %slice3A_12 = vector.extract_strided_slice %transpose3A {offsets = [12288, 0], sizes = [4096, 32], strides = [1, 1]} : vector<16384x32xf32> to vector<4096x32xf32>
    %swap3A_13 = arith.constant 0 : index
    %swap3A_14 = arith.constant 96 : index
    %swap3A_15 = vector.load %arg2[%swap3A_13, %swap3A_14] : memref<4096x128xf32, #tpu.memory_space<vmem>>, vector<4096x32xf32>
    tpu.vector_store %arg2[%swap3A_13, %swap3A_14], %slice3A_12 {strides = array<i32>} : memref<4096x128xf32, #tpu.memory_space<vmem>>, vector<4096x32xf32>,
    return
  }
  func.func @transform_0(%arg0: i32) -> (i32, i32) {
    %c0_i32 = arith.constant 0 : i32
    %c0_i32_0 = arith.constant 0 : i32
    return %c0_i32, %arg0 : i32, i32
  }
  func.func @transform_1(%arg0: i32) -> (i32, i32) {
    %c0_i32 = arith.constant 0 : i32
    %c0_i32_0 = arith.constant 0 : i32
    return %arg0, %c0_i32 : i32, i32
  }
}

</mosaic_0001>

<sc_bundles>
// kernel: kernel.4.cloned.1.call-start
scs
__scs_entry_jumppad:
0x0: {  	(pc) =	sbr.rel $0x88, $3  }
0x1: {  	(tag) =	ssettag $0x0;
	lr =	simm.s32 $0x1  }
0x2: {  	[smem:$0x3F85] =	sst lr;
	_ =	strace $0xD0000000  }
0x3: {  	_ = 	snop  }
0x4: {  	_ = 	snop  }
0x5: {  	_ = 	snop  }
0x6: {  	_ = 	snop  }
0x7: {  	_ = 	snop  }
__scs_overlays_trampoline_lowered:
0x8: {  	[smem:$0x3F94] =	sst s0  }
0x9: {  	[smem:$0x3F95] =	sst s1  }
0xa: {  	[smem:$0x3F96] =	sst s2  }
0xb: {  	[smem:$0x3F97] =	sst s3  }
0xc: {  	[smem:$0x3F98] =	sst s4  }
0xd: {  	[smem:$0x3F99] =	sst s5  }
0xe: {  	[smem:$0x3F9A] =	sst s6  }
0xf: {  	[smem:$0x3F9B] =	sst s7  }
0x10: {  	[smem:$0x3F9C] =	sst s8  }
0x11: {  	[smem:$0x3F9D] =	sst s9;
	s0 =	simm.s32 @!p0 $0x0  }
0x12: {  	s1 =	sld [smem:$0x3F83];
	s0 =	simm.s32 @p0 $0x1  }
0x13: {  	[smem:$0x3F9E] =	sst s0;
	s0 =	simm.s32 @!p1 $0x0  }
0x14: {  	s2 =	sld [smem:$0x3F82];
	s0 =	simm.s32 @p1 $0x1  }
0x15: {  	[smem:$0x3F9F] =	sst s0;
	s0 =	simm.s32 @!p2 $0x0  }
0x16: {  	s3 =	sld [smem:$0x3FDB];
	s0 =	simm.s32 @p2 $0x1  }
0x17: {  	s4 =	simm.s32 $0x1BF5;
	[smem:$0x3FA1] =	sst s0  }
0x18: {  	s0 =	sld [smem:$0x3F84];
	_ =	swait.ge [sflag:s4], $0x0  }
0x19: {  	s7 =	sld [smem:$0x3F85]  }
0x1a: {  	s8 =	sadd.s32 $0xFFFFE003, lr  }
0x1b: {  	s9 =	sadd.s32 $0xFFFFFEF7, lr;
	s5 =	simm.s32 $0xFFFFFFFF;
	p2 =	slt.u32 s8, $0xFFFFF086  }
0x1c: {  	p1 =	slt.u32 s9, $0xF7A;
	s5 =	simm.s32 @!p2 $0x0  }
0x1d: {  	s5 =	simm.s32 @p1 $0x1;
	p0 =	seq.s32 s7, s2  }
0x1e: {  	s7 =	smul.u32 @!p0 $0xF7A, s2;
	p2 =	seq.s32 @!p0 s5, $0x0  }
0x1f: {  	s9 =	smul.u32 $0xF7A, s1;
	s8 =	simm.s32 @!p0 $0x1BF5;
	p2 =	por !p2, p0  }
0x20: {  	[sflag:s8] =	ssyncset.s32 @!p0 $0xFFFFF086;
	s6 =	sadd.s32 @!p0 s3, s7;
	s7 =	simm.s32 @!p0 $0x108  }
0x21: {  	s3 =	sadd.s32 s3, s9;
	s6 =	sadd.s32 @!p0 $0x88, s6;
	s7 =	simm.s32 @p2 $0x1082  }
0x22: {  	[simem:s7], [sflag:s8] =	dma.local @!p0 [hbm:s6], $0xF7A  }
0x23: {  	s9 =	sor.u32 $0xD0000000, s2;
	s6 =	simm.s32 $0x108;
	_ =	swait.ge @!p0 [sflag:s8], $0x0  }
0x24: {  	s3 =	sadd.s32 $0x88, s3;
	s6 =	simm.s32 @!p1 $0x1082;
	[sflag:s4] =	ssyncset.s32 $0xFFFFF086  }
0x25: {  	[simem:s6], [sflag:s4] =	dma.local [hbm:s3], $0xF7A  }
0x26: {  	[smem:$0x3F85] =	sst s1;
	(tag) =	ssettag s2;
	_ =	strace s9  }
0x27: {  	s1 =	sld [smem:$0x3F95]  }
0x28: {  	s2 =	sld [smem:$0x3F96]  }
0x29: {  	s4 =	sld [smem:$0x3F98]  }
0x2a: {  	p0 =	seq.s32 s5, $0x0;
	s5 =	sld [smem:$0x3F99]  }
0x2b: {  	s6 =	sld [smem:$0x3F9A]  }
0x2c: {  	s7 =	sld [smem:$0x3F9B]  }
0x2d: {  	s3 =	simm.s32 $0x108;
	s8 =	sld [smem:$0x3F9C]  }
0x2e: {  	s3 =	simm.s32 @!p0 $0x1082;
	s9 =	sld [smem:$0x3F9D]  }
0x2f: {  	lr =	sadd.s32 s0, s3;
	s0 =	sld [smem:$0x3F94]  }
0x30: {  	s3 =	sld [smem:$0x3F97]  }
0x31: {  	[smem:$0x3FA0] =	sst s10  }
0x32: {  	s10 =	sld [smem:$0x3F9E];
	_ =	sdelay $0x3  }
0x33: {  	p0 =	seq.s32 s10, $0x1;
	s10 =	sld [smem:$0x3FA0];
	_ =	sdelay $0x3  }
0x34: {  	[smem:$0x3FA0] =	sst s10  }
0x35: {  	s10 =	sld [smem:$0x3F9F];
	_ =	sdelay $0x3  }
0x36: {  	p1 =	seq.s32 s10, $0x1;
	s10 =	sld [smem:$0x3FA0];
	_ =	sdelay $0x3  }
0x37: {  	[smem:$0x3FA0] =	sst s10  }
0x38: {  	s10 =	sld [smem:$0x3FA1]  }
0x39: {  	_ = 	snop;
	(pc) =	sbr.ind lr, $3  }
0x3a: {  	_ = 	snop  }
0x3b: {  	_ = 	snop  }
0x3c: {  	p2 =	seq.s32 s10, $0x1;
	s10 =	sld [smem:$0x3FA0]  }
0x3d: {  	_ =	shalt  }
0x3e: {  	_ =	shalt  }
0x3f: {  	_ =	shalt  }
0x40: {  	_ =	shalt  }
0x41: {  	_ =	shalt  }
0x42: {  	_ =	shalt  }
0x43: {  	_ =	shalt  }
0x44: {  	_ =	shalt  }
0x45: {  	_ =	shalt  }
0x46: {  	_ =	shalt  }
0x47: {  	_ =	shalt  }
0x48: {  	_ =	shalt  }
0x49: {  	_ =	shalt  }
0x4a: {  	_ =	shalt  }
0x4b: {  	_ =	shalt  }
0x4c: {  	_ =	shalt  }
0x4d: {  	_ =	shalt  }
0x4e: {  	_ =	shalt  }
0x4f: {  	_ =	shalt  }
0x50: {  	_ =	shalt  }
0x51: {  	_ =	shalt  }
0x52: {  	_ =	shalt  }
0x53: {  	_ =	shalt  }
0x54: {  	_ =	shalt  }
0x55: {  	_ =	shalt  }
0x56: {  	_ =	shalt  }
0x57: {  	_ =	shalt  }
0x58: {  	_ =	shalt  }
0x59: {  	_ =	shalt  }
0x5a: {  	_ =	shalt  }
0x5b: {  	_ =	shalt  }
0x5c: {  	_ =	shalt  }
0x5d: {  	_ =	shalt  }
0x5e: {  	_ =	shalt  }
0x5f: {  	_ =	shalt  }
0x60: {  	_ =	shalt  }
0x61: {  	_ =	shalt  }
0x62: {  	_ =	shalt  }
0x63: {  	_ =	shalt  }
0x64: {  	_ =	shalt  }
0x65: {  	_ =	shalt  }
0x66: {  	_ =	shalt  }
0x67: {  	_ =	shalt  }
0x68: {  	_ =	shalt  }
0x69: {  	_ =	shalt  }
0x6a: {  	_ =	shalt  }
0x6b: {  	_ =	shalt  }
0x6c: {  	_ =	shalt  }
0x6d: {  	_ =	shalt  }
0x6e: {  	_ =	shalt  }
0x6f: {  	_ =	shalt  }
0x70: {  	_ =	shalt  }
0x71: {  	_ =	shalt  }
0x72: {  	_ =	shalt  }
0x73: {  	_ =	shalt  }
0x74: {  	_ =	shalt  }
0x75: {  	_ =	shalt  }
0x76: {  	_ =	shalt  }
0x77: {  	_ =	shalt  }
0x78: {  	_ =	shalt  }
0x79: {  	_ =	shalt  }
0x7a: {  	_ =	shalt  }
0x7b: {  	_ =	shalt  }
0x7c: {  	_ =	shalt  }
0x7d: {  	_ =	shalt  }
0x7e: {  	_ =	shalt  }
0x7f: {  	_ =	shalt  }
0x80: {  	_ =	shalt  }
0x81: {  	_ =	shalt  }
0x82: {  	_ =	shalt  }
0x83: {  	_ =	shalt  }
0x84: {  	_ =	shalt  }
0x85: {  	_ =	shalt  }
0x86: {  	_ =	shalt  }
0x87: {  	_ =	shalt  }
.Lfunc_end0:
.L_simem_size_0:
called_computation.2_lowered:
.L_overlay_start_0:
0x88: {  	s2 =	sld [smem:$0x3FD9]  }
0x89: {  	s3 =	sld [smem:$0x3FFE];
	_ =	sdelay $0x1  }
0x8a: {  	s1 =	srdreg.scid  }
0x8b: {  	s0 =	sand.u32 $0x1, s1  }
0x8c: {  	s17 =	sshll.u32 s0, $0xA;
	s2 =	sadd.s32 s3, s2  }
0x8d: {  	s2 =	sadd.s32 s2, s17  }
0x8e: {  	[smem:$0x3FAC] =	sst s2  }
0x8f: {  	_ = 	snop  }
0x90: {  	s2 =	sld [smem:$0x3FD0];
	(tm) =	ssettm $0x1  }
0x91: {  	s18 =	sld [smem:$0x3FFB];
	_ =	sdelay $0x3  }
0x92: {  	_ =	strace s18  }
0x93: {  	s3 =	sld [smem:$0x3FFC];
	_ =	sdelay $0x3  }
0x94: {  	_ =	strace s3  }
0x95: {  	s3 =	sld [smem:$0x3FFD];
	_ =	sdelay $0x3  }
0x96: {  	_ =	strace s3  }
0x97: {  	_ =	strace $0x8FFFFFFF  }
0x98: {  	s19 =	sld [smem:$0x3FDB];
	_ =	sdelay $0x1  }
0x99: {  	s4 =	simm.s32 $_scs_section_size  }
0x9a: {  	s5 =	simm.s32 $_size__tile_overlayer_lowered;
	s6 =	simm.s32 $_tile_overlayer_lowered  }
0x9b: {  	s22 =	simm.s32 $0x1BFF;
	s21 =	sshll.u32 s6, $0x1;
	s3 =	sadd.s32 s4, s19  }
0x9c: {  	s7 =	simm.s32 $0x0;
	s20 =	sshll.u32 s5, $0x1;
	s5 =	sadd.s32 s21, s3  }
0x9d: {  	[timem:s7], [sflag:s22] =	dma.local [hbm:s5], s20  }
0x9e: {  	_ =	swait.ge [sflag:s22], s20  }
0x9f: {  	s4 =	ssub.s32 $0x0, s20;
	[sflag:s22] =	ssyncset.done $0x0  }
0xa0: {  	[sflag:s22] =	ssyncadd.s32 s4;
	_ =	sdelay $0x1  }
0xa1: {  	s23 =	simm.s32 $0x1B8B  }
0xa2: {  	_ =	swait.ge [sflag:s23], $0x1  }
0xa3: {  	[sflag:s23] =	ssyncset.done $0x0  }
0xa4: {  	s25 =	simm.s32 $0x1B8E;
	s24 =	sld [smem:$0x3FFE];
	[sflag:s23] =	ssyncadd.s32 $0xFFFFFFFF  }
0xa5: {  	s26 =	simm.s32 $execute0_lowered;
	[smem:$0x3FD2] =	sst s25  }
0xa6: {  	s5 =	sshll.u32 s26, $0x1;
	_ =	strace $0x80000046;
	[dreg:$0x1] =	wrdreg $0xFFFFFFFF  }
0xa7: {  	s28 =	simm.s32 $_size_execute0_lowered;
	s3 =	sadd.s32 s3, s5;
	[dreg:$0x0] =	wrdreg $0x0  }
0xa8: {  	s5 =	sshll.u32 s28, $0x1;
	[dreg:$0x2] =	wrdreg s3  }
0xa9: {  	[dreg:$0x3] =	wrdreg s5  }
0xaa: {  	[dreg:$0x4] =	wrdreg $0xC0  }
0xab: {  	_ =	task [dreg:s7], $0x5FFFF  }
0xac: {  	[dreg:$0x1] =	wrdreg $0xFFFFFFFF  }
0xad: {  	[dreg:$0x0] =	wrdreg $0x60  }
0xae: {  	[dreg:$0x2] =	wrdreg s24  }
0xaf: {  	[dreg:$0x3] =	wrdreg s2  }
0xb0: {  	[dreg:$0x4] =	wrdreg $0x9  }
0xb1: {  	_ =	task.clear_ibuf [dreg:s7], $0x5FFFF;
	_ =	strace $0x90000046  }
0xb2: {  	s29 =	simm.s32 $0x9;
	_ =	strace $0x80000048  }
0xb3: {  	_ =	swait.ge [sflag:s29], $0x1  }
0xb4: {  	[sflag:s29] =	ssyncadd.s32 $0xFFFFFFFF  }
0xb5: {  	_ =	strace $0x90000048  }
0xb6: {  	_ =	sfence  }
0xb7: {  	s30 =	sld [smem:$0x0];
	_ =	sdelay $0x2  }
0xb8: {  	s31 =	sshll.u32 s1, $0xD;
	s1 =	sshrl.u32 s1, $0x2  }
0xb9: {  	s3 =	sand.u32 $0x4000, s31;
	s1 =	sadd.s32 s1, s30  }
0xba: {  	s0 =	sor.u32 s3, s0;
	s1 =	sshll.u32 s1, $0x11  }
0xbb: {  	s0 =	sor.u32 s1, s0  }
0xbc: {  	s0 =	sadd.s32 $0x8F2B, s0  }
0xbd: {  	[sflag:s0] =	ssyncadd.remote.s32 $0x1  }
0xbe: {  	_ =	sfence.sel $0xFFFF  }
0xbf: {  	[dreg:$0x0] =	wrdreg $0xFFFFFFFF;
	(pc) =	sbr.abs _section_cstart, $3  }
0xc0: {  	[dreg:$0x1] =	wrdreg $0xFFFFFFFF  }
0xc1: {  	_ =	task.clear_ibuf [dreg:s7], $0x2FFFF;
	_ =	strace $0x9FFFFFFF  }
0xc2: {  	(tm) =	ssettm $0x7FFFFFFF  }
0xc3: {  	_ =	shalt  }
tec
execute0_lowered:
.L_overlay_start_1:
0x0: {  	(tag) =	ssettag $0x1  }
0x1: {  	s0 =	srdreg.scid  }
0x2: {  	s6 =	stileid.u32;
	s1 =	rddreg [dreg:$0x0]  }
0x3: {  	s10 =	rddreg [dreg:$0x1];
	s11 =	simm.s32 $0xE100;
	s12 =	simm.s32 $0x3  }
0x4: {  	s13 =	simm.s32 $0x80;
	s14 =	simm.s32 $0x4100;
	s16 =	simm.s32 $0x5100  }
0x5: {  	s18 =	simm.s32 $0x6100;
	s20 =	simm.s32 $0x7100;
	s22 =	simm.s32 $0x8100  }
0x6: {  	s23 =	simm.s32 $0x9100;
	s28 =	simm.s32 $0xB100;
	s30 =	simm.s32 $0xC100  }
0x7: {  	s15 =	simm.s32 $0x20;
	s17 =	simm.s32 $0x340;
	s19 =	simm.s32 $0x2  }
0x8: {  	s0 =	sand.u32 $0x1, s0;
	s2 =	sshll.u32 s6, $0x1;
	s6 =	smul.u32 $0x104000, s6  }
0x9: {  	s3 =	sor.u32 s0, s2;
	s8 =	ssub.s32 $0x2, s0;
	s0 =	smul.u32 $0x82000, s0  }
0xa: {  	s21 =	simm.s32 $0x0;
	s2 =	simm.s32 $0x0;
	s4 =	smul.u32 $0x820, s3  }
0xb: {  	s25 =	sadd.s32 $0xA02C00, s1;
	[smem:$0x7FF] =	sst s2;
	s5 =	smul.u32 $0x82000, s3  }
0xc: {  	s26 =	sshrl.u32 s8, $0x1;
	_ =	strace $0x80000047;
	[dreg:$0x3] =	wrdreg s25  }
0xd: {  	s0 =	sadd.s32 s0, s6;
	s25 =	simm.s32 $0xA100;
	s7 =	sadd.s32 s4, s1  }
0xe: {  	s4 =	sadd.s32 $0x12C00, s1;
	s1 =	ssub.s32 s8, s26;
	s29 =	sshrl.u32 s5, $0x3  }
0xf: {  	s9 =	sor.u32 $0x20, s0;
	s0 =	sshrl.u32 s0, $0x3;
	s5 =	sadd.s32 $0x2800, s7  }
0x10: {  	s8 =	sadd.s32 s29, s10;
	s6 =	smax.u32 s1, $0x1;
	s31 =	sshrl.u32 s9, $0x3  }
0x11: {  	s1 =	simm.s32 $0xD100;
	s7 =	sadd.s32 $0x60, s8;
	s8 =	sadd.s32 $0x64, s8  }
0x12: {  	s9 =	sadd.s32 s31, s10;
	s10 =	sadd.s32 s0, s10;
	s0 =	simm.s32 $0x1  }
.LBB2_1:
0x13: {  	s3 =	rddreg [dreg:$0x3]  }
0x14: {  	[tilespmem:s11], [sflag:$0x3] =	stream.linear.gather [hbm4b:s3+s2], $0x20, $0x38;
	[tilespmem:$0xE120] =	vst v63  }
0x15: {  	_ =	swait.ge [sflag:s12], $0x20  }
0x16: {  	[sflag:s12] =	ssyncset.done $0x0  }
0x17: {  	[sflag:s12] =	ssyncadd.s32 $0xFFFFFFE0  }
0x18: {  	v0 =	vmov s2;
	[tilespmem:s2], [sflag:$0x3] =	stream.linear.gather [hbm4b:s5+s2], $0x4100, $0x38;
	[tilespmem:$0xE120] =	vst v63  }
0x19: {  	_ =	swait.ge [sflag:s12], $0x4100  }
0x1a: {  	[sflag:s12] =	ssyncset.done $0x0  }
0x1b: {  	s24 =	simm.s32 $0x1A40;
	[sflag:s12] =	ssyncadd.s32 $0xFFFFBF00  }
0x1c: {  	v2 =	vld [tilespmem:s24+$0xFFFFE5E0]  }
0x1d: {  	v1 =	vld.idx.msk [tilespmem:v0+s11+$0x0], $0xffff  }
0x1e: {  	v0 =	vld [tilespmem:s24+$0xFFFFE5C0]  }
0x1f: {  	v3 =	vld [tilespmem:s24+$0xFFFFE5D0]  }
0x20: {  	v7 =	vld [tilespmem:s24+$0xFFFFE5F0];
	_ =	sdelay $0x3  }
0x21: {  	v0 =	vadd.s32 v1, v0  }
0x22: {  	v3 =	vadd.s32 v1, v3;
	v4 =	vadd.s32 v1, v2;
	v7 =	vadd.s32 v1, v7  }
0x23: {  	v2 =	vshll.u32 v0, $0x2;
	v5 =	vand.u32 $0xFFFFC000, v3;
	v6 =	vand.u32 $0xFFFFC000, v0  }
0x24: {  	v8 =	vshll.u32 v3, $0x2;
	v0 =	vshrl.u32 v0, $0xC;
	v3 =	vshrl.u32 v3, $0xC  }
0x25: {  	v54 =	vld [tilespmem:s24+$0xFFFFE620];
	v52 =	vshll.u32 v4, $0x2;
	v53 =	vshll.u32 v7, $0x2;
	v9 =	vand.u32 $0xFFFFC000, v7  }
0x26: {  	v7 =	vshrl.u32 v7, $0xC;
	v2 =	vand.u32 $0x3FFC, v2;
	v0 =	vand.u32 $0x3, v0  }
0x27: {  	v3 =	vand.u32 $0x3, v3;
	v7 =	vand.u32 $0x3, v7;
	v2 =	vor.u32 v6, v2  }
0x28: {  	v56 =	vld [tilespmem:s24+$0xFFFFE630];
	v6 =	vand.u32 $0x3FFC, v8;
	v8 =	vand.u32 $0x3FFC, v53;
	v0 =	vor.u32 v0, v2  }
0x29: {  	v2 =	vor.u32 v5, v6;
	v6 =	vand.u32 $0xFFFFC000, v4;
	v4 =	vshrl.u32 v4, $0xC  }
0x2a: {  	v5 =	vld [tilespmem:s24+$0xFFFFE600];
	v8 =	vor.u32 v9, v8;
	v9 =	vadd.s32 v1, v54;
	v2 =	vor.u32 v3, v2  }
0x2b: {  	v20 =	vld [tilespmem:s24+$0xFFFFF2F0];
	v3 =	vand.u32 $0x3FFC, v52;
	v4 =	vand.u32 $0x3, v4;
	v59 =	vshll.u32 v9, $0x2  }
0x2c: {  	v12 =	vand.u32 $0xFFFFC000, v9;
	v9 =	vshrl.u32 v9, $0xC;
	v3 =	vor.u32 v6, v3  }
0x2d: {  	v58 =	vld [tilespmem:s24+$0xFFFFF2C0];
	v4 =	vor.u32 v4, v3;
	v3 =	vor.u32 v7, v8;
	v8 =	vadd.s32 v1, v56  }
0x2e: {  	v6 =	vld [tilespmem:s24+$0xFFFFE610];
	v9 =	vand.u32 $0x3, v9;
	v13 =	vshll.u32 v8, $0x2;
	v61 =	vand.u32 $0xFFFFC000, v8  }
0x2f: {  	v8 =	vshrl.u32 v8, $0xC;
	v5 =	vadd.s32 v1, v5;
	v62 =	vand.u32 $0x3FFC, v13  }
0x30: {  	v8 =	vand.u32 $0x3, v8;
	v13 =	vadd.s32 v1, v20;
	v10 =	vshll.u32 v5, $0x2  }
0x31: {  	v7 =	vand.u32 $0xFFFFC000, v5;
	v5 =	vshrl.u32 v5, $0xC;
	v26 =	vand.u32 $0xFFFFC000, v13  }
0x32: {  	v17 =	vshll.u32 v13, $0x2;
	v13 =	vshrl.u32 v13, $0xC;
	v55 =	vand.u32 $0x3FFC, v10  }
0x33: {  	v6 =	vadd.s32 v1, v6;
	v5 =	vand.u32 $0x3, v5;
	v10 =	vadd.s32 v1, v58  }
0x34: {  	v60 =	vld [tilespmem:s24+$0xFFFFF2D0];
	v27 =	vand.u32 $0x3FFC, v17;
	v13 =	vand.u32 $0x3, v13;
	v7 =	vor.u32 v7, v55  }
0x35: {  	v57 =	vand.u32 $0xFFFFC000, v6;
	v11 =	vshll.u32 v6, $0x2;
	v6 =	vshrl.u32 v6, $0xC  }
0x36: {  	v18 =	vand.u32 $0xFFFFC000, v10;
	v14 =	vshll.u32 v10, $0x2;
	v10 =	vshrl.u32 v10, $0xC  }
0x37: {  	v63 =	vld [tilespmem:s24+$0xFFFFF2E0];
	v5 =	vor.u32 v5, v7;
	v7 =	vand.u32 $0x3FFC, v11;
	v6 =	vand.u32 $0x3, v6  }
0x38: {  	v11 =	vand.u32 $0x3FFC, v59;
	v19 =	vand.u32 $0x3FFC, v14;
	v10 =	vand.u32 $0x3, v10  }
0x39: {  	v7 =	vor.u32 v57, v7;
	v11 =	vor.u32 v12, v11;
	v12 =	vadd.s32 v1, v60  }
0x3a: {  	v22 =	vld [tilespmem:s24+$0xFFFFF300];
	v7 =	vor.u32 v6, v7;
	v6 =	vor.u32 v9, v11;
	v9 =	vor.u32 v61, v62  }
0x3b: {  	v28 =	vld [tilespmem:s24+$0xFFFFF320];
	v21 =	vshll.u32 v12, $0x2;
	v15 =	vand.u32 $0xFFFFC000, v12;
	v12 =	vshrl.u32 v12, $0xC  }
0x3c: {  	v11 =	vadd.s32 v1, v63;
	v8 =	vor.u32 v8, v9;
	v9 =	vor.u32 v18, v19  }
0x3d: {  	v25 =	vld [tilespmem:s24+$0xFFFFF310];
	v14 =	vand.u32 $0x3FFC, v21;
	v12 =	vand.u32 $0x3, v12;
	v16 =	vshll.u32 v11, $0x2  }
0x3e: {  	v23 =	vand.u32 $0xFFFFC000, v11;
	v11 =	vshrl.u32 v11, $0xC;
	v14 =	vor.u32 v15, v14  }
0x3f: {  	v10 =	vor.u32 v10, v9;
	v24 =	vand.u32 $0x3FFC, v16;
	v11 =	vand.u32 $0x3, v11  }
0x40: {  	v15 =	vadd.s32 v1, v22;
	v16 =	vadd.s32 v1, v28;
	v9 =	vor.u32 v12, v14  }
0x41: {  	v60 =	vld [tilespmem:s24+$0xCE0];
	v12 =	vor.u32 v23, v24;
	v29 =	vshll.u32 v15, $0x2;
	v18 =	vand.u32 $0xFFFFC000, v15  }
0x42: {  	v30 =	vld [tilespmem:s24+$0xFFFFF330];
	v15 =	vshrl.u32 v15, $0xC;
	v14 =	vadd.s32 v1, v25;
	v34 =	vand.u32 $0xFFFFC000, v16  }
0x43: {  	v36 =	vld [tilespmem:s24+$0xFFFFFFD0];
	v20 =	vshll.u32 v16, $0x2;
	v16 =	vshrl.u32 v16, $0xC;
	v11 =	vor.u32 v11, v12  }
0x44: {  	v12 =	vor.u32 v26, v27;
	v17 =	vand.u32 $0x3FFC, v29;
	v15 =	vand.u32 $0x3, v15  }
0x45: {  	v19 =	vshll.u32 v14, $0x2;
	v31 =	vand.u32 $0xFFFFC000, v14;
	v14 =	vshrl.u32 v14, $0xC  }
0x46: {  	v33 =	vld [tilespmem:s24+$0xFFFFFFC0];
	[tilespmem:s24+$0xFFFFE5D0] =	vst v2;
	v35 =	vand.u32 $0x3FFC, v20;
	v16 =	vand.u32 $0x3, v16;
	v2 =	vadd.s32 v1, v60  }
0x47: {  	v17 =	vor.u32 v18, v17;
	v13 =	vor.u32 v13, v12;
	v32 =	vand.u32 $0x3FFC, v19  }
0x48: {  	v14 =	vand.u32 $0x3, v14;
	v18 =	vadd.s32 v1, v30;
	v19 =	vadd.s32 v1, v36  }
0x49: {  	[tilespmem:s24+$0xFFFFE5E0] =	vst v4;
	v4 =	vand.u32 $0xFFFFC000, v2;
	v12 =	vor.u32 v15, v17;
	v15 =	vor.u32 v31, v32  }
0x4a: {  	v61 =	vld [tilespmem:s24+$0xCF0];
	v37 =	vshll.u32 v18, $0x2;
	v21 =	vand.u32 $0xFFFFC000, v18;
	v18 =	vshrl.u32 v18, $0xC  }
0x4b: {  	v28 =	vld [tilespmem:s24+$0xCC0];
	v17 =	vadd.s32 v1, v33;
	v42 =	vand.u32 $0xFFFFC000, v19;
	v23 =	vshll.u32 v19, $0x2  }
0x4c: {  	v19 =	vshrl.u32 v19, $0xC;
	v33 =	vshll.u32 v2, $0x2;
	v2 =	vshrl.u32 v2, $0xC  }
0x4d: {  	v38 =	vld [tilespmem:s24+$0xFFFFFFE0];
	v14 =	vor.u32 v14, v15;
	v15 =	vor.u32 v34, v35;
	v20 =	vand.u32 $0x3FFC, v37  }
0x4e: {  	v44 =	vld [tilespmem:s24+$0x0];
	v18 =	vand.u32 $0x3, v18;
	v22 =	vshll.u32 v17, $0x2;
	v39 =	vand.u32 $0xFFFFC000, v17  }
0x4f: {  	v17 =	vshrl.u32 v17, $0xC;
	v43 =	vand.u32 $0x3FFC, v23;
	v19 =	vand.u32 $0x3, v19  }
0x50: {  	[tilespmem:s24+$0xFFFFE5F0] =	vst v3;
	v28 =	vadd.s32 v1, v28;
	v34 =	vadd.s32 v1, v61;
	v3 =	vand.u32 $0x3FFC, v33  }
0x51: {  	v2 =	vand.u32 $0x3, v2;
	v20 =	vor.u32 v21, v20;
	v16 =	vor.u32 v16, v15  }
0x52: {  	v41 =	vld [tilespmem:s24+$0xFFFFFFF0];
	v40 =	vand.u32 $0x3FFC, v22;
	v17 =	vand.u32 $0x3, v17;
	v21 =	vadd.s32 v1, v38  }
0x53: {  	v22 =	vadd.s32 v1, v44;
	v59 =	vshll.u32 v28, $0x2;
	v30 =	vand.u32 $0xFFFFC000, v28  }
0x54: {  	[tilespmem:s24+$0xFFFFE600] =	vst v5;
	v28 =	vshrl.u32 v28, $0xC;
	v35 =	vshll.u32 v34, $0x2;
	v3 =	vor.u32 v4, v3  }
0x55: {  	[tilespmem:s24+$0xFFFFE610] =	vst v7;
	v5 =	vand.u32 $0xFFFFC000, v34;
	v7 =	vshrl.u32 v34, $0xC;
	v15 =	vor.u32 v18, v20  }
0x56: {  	v18 =	vor.u32 v39, v40;
	v45 =	vshll.u32 v21, $0x2;
	v24 =	vand.u32 $0xFFFFC000, v21  }
0x57: {  	v36 =	vld [tilespmem:s24+$0xD20];
	v21 =	vshrl.u32 v21, $0xC;
	v20 =	vadd.s32 v1, v41;
	v50 =	vand.u32 $0xFFFFC000, v22  }
0x58: {  	v46 =	vld [tilespmem:s24+$0x10];
	v26 =	vshll.u32 v22, $0x2;
	v22 =	vshrl.u32 v22, $0xC;
	v28 =	vand.u32 $0x3, v28  }
0x59: {  	v52 =	vld [tilespmem:s24+$0x30];
	v7 =	vand.u32 $0x3, v7;
	v2 =	vor.u32 v2, v3;
	v17 =	vor.u32 v17, v18  }
0x5a: {  	v32 =	vld [tilespmem:s24+$0xD00];
	v18 =	vor.u32 v42, v43;
	v23 =	vand.u32 $0x3FFC, v45;
	v21 =	vand.u32 $0x3, v21  }
0x5b: {  	v25 =	vshll.u32 v20, $0x2;
	v47 =	vand.u32 $0xFFFFC000, v20;
	v20 =	vshrl.u32 v20, $0xC  }
0x5c: {  	v51 =	vand.u32 $0x3FFC, v26;
	v22 =	vand.u32 $0x3, v22;
	v39 =	vadd.s32 v1, v36  }
0x5d: {  	v49 =	vld [tilespmem:s24+$0x20];
	v23 =	vor.u32 v24, v23;
	v19 =	vor.u32 v19, v18;
	v48 =	vand.u32 $0x3FFC, v25  }
0x5e: {  	v20 =	vand.u32 $0x3, v20;
	v24 =	vadd.s32 v1, v46;
	v25 =	vadd.s32 v1, v52  }
0x5f: {  	[tilespmem:s24+$0xFFFFE620] =	vst v6;
	v6 =	vadd.s32 v1, v32;
	v40 =	vshll.u32 v39, $0x2;
	v42 =	vand.u32 $0xFFFFC000, v39  }
0x60: {  	[tilespmem:s24+$0xFFFFF2C0] =	vst v10;
	v10 =	vshrl.u32 v39, $0xC;
	v18 =	vor.u32 v21, v23;
	v21 =	vor.u32 v47, v48  }
0x61: {  	v53 =	vshll.u32 v24, $0x2;
	v27 =	vand.u32 $0xFFFFC000, v24;
	v24 =	vshrl.u32 v24, $0xC  }
0x62: {  	v4 =	vld [tilespmem:s24+$0xD10];
	v23 =	vadd.s32 v1, v49;
	v57 =	vand.u32 $0xFFFFC000, v25;
	v29 =	vshll.u32 v25, $0x2  }
0x63: {  	[tilespmem:s24+$0xFFFFF2D0] =	vst v9;
	v25 =	vshrl.u32 v25, $0xC;
	v9 =	vand.u32 $0x3FFC, v40;
	v10 =	vand.u32 $0x3, v10  }
0x64: {  	v20 =	vor.u32 v20, v21;
	v21 =	vor.u32 v50, v51;
	v26 =	vand.u32 $0x3FFC, v53  }
0x65: {  	v41 =	vld [tilespmem:s24+$0x19C0];
	v24 =	vand.u32 $0x3, v24;
	v54 =	vshll.u32 v23, $0x2;
	v55 =	vand.u32 $0xFFFFC000, v23  }
0x66: {  	v56 =	vld [tilespmem:s24+$0xCD0];
	v23 =	vshrl.u32 v23, $0xC;
	v58 =	vand.u32 $0x3FFC, v29;
	v29 =	vand.u32 $0x3FFC, v59  }
0x67: {  	v25 =	vand.u32 $0x3, v25;
	v4 =	vadd.s32 v1, v4;
	v9 =	vor.u32 v42, v9  }
0x68: {  	v43 =	vld [tilespmem:s24+$0x19D0];
	v26 =	vor.u32 v27, v26;
	v21 =	vor.u32 v22, v21;
	v22 =	vand.u32 $0x3FFC, v54  }
0x69: {  	v23 =	vand.u32 $0x3, v23;
	v29 =	vor.u32 v30, v29;
	v37 =	vand.u32 $0xFFFFC000, v4  }
0x6a: {  	[tilespmem:s24+$0xFFFFE630] =	vst v8;
	v38 =	vshll.u32 v4, $0x2;
	v4 =	vshrl.u32 v4, $0xC;
	v8 =	vadd.s32 v1, v41  }
0x6b: {  	v24 =	vor.u32 v24, v26;
	v22 =	vor.u32 v55, v22;
	v26 =	vadd.s32 v1, v56  }
0x6c: {  	v62 =	vor.u32 v28, v29;
	v4 =	vand.u32 $0x3, v4;
	v47 =	vand.u32 $0xFFFFC000, v8  }
0x6d: {  	[tilespmem:s24+$0xFFFFF2E0] =	vst v11;
	v48 =	vshll.u32 v8, $0x2;
	v11 =	vadd.s32 v1, v43;
	v63 =	vshll.u32 v26, $0x2  }
0x6e: {  	[tilespmem:s24+$0xFFFFE5C0] =	vst v0;
	v0 =	vand.u32 $0xFFFFC000, v26;
	v26 =	vshrl.u32 v26, $0xC;
	v28 =	vand.u32 $0x3FFC, v63  }
0x6f: {  	v8 =	vshrl.u32 v8, $0xC;
	v26 =	vand.u32 $0x3, v26;
	v0 =	vor.u32 v0, v28  }
0x70: {  	v60 =	vld [tilespmem:s24+$0x1A20];
	[tilespmem:s24+$0xFFFFF2F0] =	vst v13;
	v22 =	vor.u32 v23, v22;
	v0 =	vor.u32 v26, v0;
	v26 =	vand.u32 $0x3FFC, v35  }
0x71: {  	[tilespmem:s24+$0xFFFFF300] =	vst v12;
	v23 =	vor.u32 v57, v58;
	v49 =	vand.u32 $0x3FFC, v48;
	v5 =	vor.u32 v5, v26  }
0x72: {  	[tilespmem:s24+$0xFFFFF310] =	vst v14;
	v50 =	vshll.u32 v11, $0x2;
	v3 =	vor.u32 v7, v5;
	v5 =	vshll.u32 v6, $0x2  }
0x73: {  	[tilespmem:s24+$0xFFFFF320] =	vst v16;
	v51 =	vld [tilespmem:s24+$0x19F0];
	v52 =	vand.u32 $0xFFFFC000, v11;
	v7 =	vand.u32 $0xFFFFC000, v6;
	v5 =	vand.u32 $0x3FFC, v5  }
0x74: {  	[tilespmem:s24+$0xFFFFF330] =	vst v15;
	v11 =	vshrl.u32 v11, $0xC;
	v8 =	vand.u32 $0x3, v8;
	v5 =	vor.u32 v7, v5;
	v7 =	vld [tilespmem:s24+$0xD30]  }
0x75: {  	v46 =	vld [tilespmem:s24+$0x19E0];
	[tilespmem:s24+$0xCC0] =	vst v62;
	v62 =	vadd.s32 v1, v60;
	v23 =	vor.u32 v25, v23;
	v6 =	vshrl.u32 v6, $0xC  }
0x76: {  	[tilespmem:s24+$0xCE0] =	vst v2;
	v13 =	vand.u32 $0x3FFC, v50;
	v11 =	vand.u32 $0x3, v11;
	v6 =	vand.u32 $0x3, v6  }
0x77: {  	[tilespmem:s24+$0xFFFFFFC0] =	vst v17;
	v13 =	vor.u32 v52, v13;
	v5 =	vor.u32 v6, v5;
	v6 =	vand.u32 $0x3FFC, v38  }
0x78: {  	[tilespmem:s24+$0xFFFFFFD0] =	vst v19;
	v12 =	vadd.s32 v1, v51;
	v11 =	vor.u32 v11, v13;
	v6 =	vor.u32 v37, v6  }
0x79: {  	[tilespmem:s24+$0xFFFFFFE0] =	vst v18;
	v57 =	vshll.u32 v12, $0x2;
	v4 =	vor.u32 v4, v6;
	v7 =	vadd.s32 v1, v7  }
0x7a: {  	[tilespmem:s24+$0xFFFFFFF0] =	vst v20;
	v6 =	vor.u32 v10, v9;
	v10 =	vadd.s32 v1, v46;
	v44 =	vshll.u32 v7, $0x2  }
0x7b: {  	[tilespmem:s24+$0x0] =	vst v21;
	v45 =	vand.u32 $0xFFFFC000, v7;
	v7 =	vshrl.u32 v7, $0xC;
	v9 =	vand.u32 $0x3FFC, v44  }
0x7c: {  	v54 =	vld [tilespmem:s24+$0x1A00];
	[tilespmem:s24+$0x10] =	vst v24;
	v53 =	vshll.u32 v10, $0x2;
	v7 =	vand.u32 $0x3, v7;
	v9 =	vor.u32 v45, v9  }
0x7d: {  	v56 =	vld [tilespmem:s24+$0x1A10];
	[tilespmem:s24+$0x20] =	vst v22;
	v55 =	vand.u32 $0xFFFFC000, v10;
	v7 =	vor.u32 v7, v9;
	v9 =	vor.u32 v47, v49  }
0x7e: {  	[tilespmem:s24+$0x30] =	vst v23;
	v10 =	vshrl.u32 v10, $0xC;
	v8 =	vor.u32 v8, v9;
	v9 =	vand.u32 $0x3FFC, v53  }
0x7f: {  	v58 =	vshrl.u32 v12, $0xC;
	[tilespmem:s24+$0xCD0] =	vst v0;
	v10 =	vand.u32 $0x3, v10;
	v9 =	vor.u32 v55, v9  }
0x80: {  	[tilespmem:s24+$0xCF0] =	vst v3;
	v3 =	vand.u32 $0xFFFFC000, v12;
	v2 =	vor.u32 v10, v9;
	v9 =	vand.u32 $0x3FFC, v57  }
0x81: {  	v59 =	vadd.s32 v1, v54;
	[tilespmem:s24+$0xD00] =	vst v5;
	v5 =	vand.u32 $0x3, v58;
	v3 =	vor.u32 v3, v9  }
0x82: {  	v61 =	vadd.s32 v1, v56;
	[tilespmem:s24+$0xD10] =	vst v4;
	v3 =	vor.u32 v5, v3;
	v5 =	vshll.u32 v59, $0x2  }
0x83: {  	v4 =	vand.u32 $0xFFFFC000, v59;
	[tilespmem:s24+$0xD20] =	vst v6;
	v6 =	vshrl.u32 v59, $0xC;
	v5 =	vand.u32 $0x3FFC, v5  }
0x84: {  	[tilespmem:s24+$0xD30] =	vst v7;
	v7 =	vld [tilespmem:s24+$0x1A30];
	v4 =	vor.u32 v4, v5;
	v5 =	vand.u32 $0x3, v6;
	v6 =	vshll.u32 v61, $0x2  }
0x85: {  	[tilespmem:s24+$0x19D0] =	vst v11;
	v4 =	vor.u32 v5, v4;
	v5 =	vand.u32 $0xFFFFC000, v61;
	v6 =	vand.u32 $0x3FFC, v6  }
0x86: {  	s26 =	simm.s32 $0x1;
	v63 =	vshll.u32 v62, $0x2;
	[tilespmem:s24+$0x19E0] =	vst v2;
	v5 =	vor.u32 v5, v6;
	v6 =	vshrl.u32 v61, $0xC  }
0x87: {  	v0 =	vmov s26;
	[tilespmem:s24+$0x19F0] =	vst v3;
	v3 =	vand.u32 $0x3FFC, v63;
	v2 =	vand.u32 $0x3, v6  }
0x88: {  	[tilespmem:s24+$0x19C0] =	vst v8;
	v6 =	vand.u32 $0xFFFFC000, v62;
	v2 =	vor.u32 v2, v5;
	v5 =	vshrl.u32 v62, $0xC  }
0x89: {  	v1 =	vadd.s32 v1, v7;
	[tilespmem:s24+$0x1A00] =	vst v4;
	v3 =	vor.u32 v6, v3;
	v4 =	vand.u32 $0x3, v5  }
0x8a: {  	s29 =	simm.s32 $0x2;
	s26 =	simm.s32 $0x1A40;
	[tilespmem:s24+$0x1A10] =	vst v2;
	v2 =	vor.u32 v4, v3;
	v3 =	vand.u32 $0xFFFFC000, v1;
	v4 =	vshll.u32 v1, $0x2  }
.LBB2_2:
0x8b: {  	p0 =	sne.s32 s29, $0x19;
	[tilespmem:s24+$0x1A20] =	vst v2;
	v2 =	vand.u32 $0x3FFC, v4;
	v1 =	vshrl.u32 v1, $0xC  }
0x8c: {  	s24 =	sadd.s32 $0x80, s24;
	v2 =	vor.u32 v3, v2;
	v1 =	vand.u32 $0x3, v1  }
0x8d: {  	v3 =	vld [tilespmem:s24+$0xFFFFE5E0];
	v1 =	vor.u32 v1, v2  }
0x8e: {  	v2 =	vld [tilespmem:s24+$0xFFFFE5D0];
	[tilespmem:s26+$0x1A30] =	vst v1;
	s26 =	smov.u32 s24  }
0x8f: {  	v1 =	vld.idx.msk [tilespmem:v0+s11+$0x0], $0xffff  }
0x90: {  	v4 =	vld [tilespmem:s24+$0xFFFFE5C0];
	_ =	sdelay $0x3  }
0x91: {  	v0 =	vmov s29  }
0x92: {  	v2 =	vadd.s32 v1, v2;
	v3 =	vadd.s32 v1, v3;
	v4 =	vadd.s32 v1, v4  }
0x93: {  	v6 =	vand.u32 $0xFFFFC000, v2;
	v7 =	vshll.u32 v2, $0x2;
	v5 =	vshll.u32 v4, $0x2  }
0x94: {  	v8 =	vand.u32 $0xFFFFC000, v4;
	v4 =	vshrl.u32 v4, $0xC;
	v5 =	vand.u32 $0x3FFC, v5;
	v9 =	vld [tilespmem:s24+$0xFFFFE5F0]  }
0x95: {  	v7 =	vand.u32 $0x3FFC, v7;
	v4 =	vand.u32 $0x3, v4;
	v5 =	vor.u32 v8, v5  }
0x96: {  	v2 =	vshrl.u32 v2, $0xC;
	v4 =	vor.u32 v4, v5;
	v5 =	vor.u32 v6, v7;
	v6 =	vld [tilespmem:s24+$0xFFFFE600]  }
0x97: {  	v2 =	vand.u32 $0x3, v2;
	v7 =	vshll.u32 v3, $0x2;
	[tilespmem:s24+$0xFFFFE5C0] =	vst v4;
	v4 =	vand.u32 $0xFFFFC000, v3  }
0x98: {  	v2 =	vor.u32 v2, v5;
	v5 =	vand.u32 $0x3FFC, v7;
	v3 =	vshrl.u32 v3, $0xC  }
0x99: {  	v3 =	vand.u32 $0x3, v3;
	[tilespmem:s24+$0xFFFFE5D0] =	vst v2;
	v2 =	vor.u32 v4, v5;
	v4 =	vadd.s32 v1, v9;
	v5 =	vld [tilespmem:s24+$0xFFFFE610]  }
0x9a: {  	v2 =	vor.u32 v3, v2;
	v3 =	vand.u32 $0xFFFFC000, v4;
	v7 =	vshll.u32 v4, $0x2  }
0x9b: {  	v4 =	vshrl.u32 v4, $0xC;
	[tilespmem:s24+$0xFFFFE5E0] =	vst v2;
	v2 =	vand.u32 $0x3FFC, v7;
	v6 =	vadd.s32 v1, v6  }
0x9c: {  	v2 =	vor.u32 v3, v2;
	v3 =	vand.u32 $0x3, v4;
	v4 =	vshll.u32 v6, $0x2;
	v7 =	vld [tilespmem:s24+$0xFFFFE620]  }
0x9d: {  	v2 =	vor.u32 v3, v2;
	v3 =	vand.u32 $0xFFFFC000, v6;
	v4 =	vand.u32 $0x3FFC, v4  }
0x9e: {  	[tilespmem:s24+$0xFFFFE5F0] =	vst v2;
	v2 =	vor.u32 v3, v4;
	v3 =	vshrl.u32 v6, $0xC;
	v4 =	vadd.s32 v1, v5;
	v5 =	vld [tilespmem:s24+$0xFFFFE630]  }
0x9f: {  	v3 =	vand.u32 $0x3, v3;
	v6 =	vand.u32 $0xFFFFC000, v4;
	v8 =	vshll.u32 v4, $0x2  }
0xa0: {  	v4 =	vshrl.u32 v4, $0xC;
	v2 =	vor.u32 v3, v2;
	v3 =	vand.u32 $0x3FFC, v8  }
0xa1: {  	[tilespmem:s24+$0xFFFFE600] =	vst v2;
	v2 =	vor.u32 v6, v3;
	v3 =	vand.u32 $0x3, v4;
	v4 =	vadd.s32 v1, v7;
	v6 =	vld [tilespmem:s24+$0xFFFFF2C0]  }
0xa2: {  	v2 =	vor.u32 v3, v2;
	v3 =	vand.u32 $0xFFFFC000, v4;
	v7 =	vshll.u32 v4, $0x2  }
0xa3: {  	v4 =	vshrl.u32 v4, $0xC;
	[tilespmem:s24+$0xFFFFE610] =	vst v2;
	v2 =	vand.u32 $0x3FFC, v7;
	v5 =	vadd.s32 v1, v5  }
0xa4: {  	v2 =	vor.u32 v3, v2;
	v3 =	vand.u32 $0x3, v4;
	v4 =	vshll.u32 v5, $0x2;
	v7 =	vld [tilespmem:s24+$0xFFFFF2D0]  }
0xa5: {  	v2 =	vor.u32 v3, v2;
	v3 =	vand.u32 $0xFFFFC000, v5;
	v4 =	vand.u32 $0x3FFC, v4  }
0xa6: {  	[tilespmem:s24+$0xFFFFE620] =	vst v2;
	v2 =	vor.u32 v3, v4;
	v3 =	vshrl.u32 v5, $0xC;
	v4 =	vadd.s32 v1, v6;
	v5 =	vld [tilespmem:s24+$0xFFFFF2E0]  }
0xa7: {  	v3 =	vand.u32 $0x3, v3;
	v6 =	vand.u32 $0xFFFFC000, v4;
	v8 =	vshll.u32 v4, $0x2  }
0xa8: {  	v4 =	vshrl.u32 v4, $0xC;
	v2 =	vor.u32 v3, v2;
	v3 =	vand.u32 $0x3FFC, v8  }
0xa9: {  	[tilespmem:s24+$0xFFFFE630] =	vst v2;
	v2 =	vor.u32 v6, v3;
	v3 =	vand.u32 $0x3, v4;
	v4 =	vadd.s32 v1, v7;
	v6 =	vld [tilespmem:s24+$0xFFFFF2F0]  }
0xaa: {  	v2 =	vor.u32 v3, v2;
	v3 =	vand.u32 $0xFFFFC000, v4;
	v7 =	vshll.u32 v4, $0x2  }
0xab: {  	v4 =	vshrl.u32 v4, $0xC;
	[tilespmem:s24+$0xFFFFF2C0] =	vst v2;
	v2 =	vand.u32 $0x3FFC, v7;
	v5 =	vadd.s32 v1, v5  }
0xac: {  	v2 =	vor.u32 v3, v2;
	v3 =	vand.u32 $0x3, v4;
	v4 =	vshll.u32 v5, $0x2;
	v7 =	vld [tilespmem:s24+$0xFFFFF300]  }
0xad: {  	v2 =	vor.u32 v3, v2;
	v3 =	vand.u32 $0xFFFFC000, v5;
	v4 =	vand.u32 $0x3FFC, v4  }
0xae: {  	[tilespmem:s24+$0xFFFFF2D0] =	vst v2;
	v2 =	vor.u32 v3, v4;
	v3 =	vshrl.u32 v5, $0xC;
	v4 =	vadd.s32 v1, v6;
	v5 =	vld [tilespmem:s24+$0xFFFFF310]  }
0xaf: {  	v3 =	vand.u32 $0x3, v3;
	v6 =	vand.u32 $0xFFFFC000, v4;
	v8 =	vshll.u32 v4, $0x2  }
0xb0: {  	v4 =	vshrl.u32 v4, $0xC;
	v2 =	vor.u32 v3, v2;
	v3 =	vand.u32 $0x3FFC, v8  }
0xb1: {  	[tilespmem:s24+$0xFFFFF2E0] =	vst v2;
	v2 =	vor.u32 v6, v3;
	v3 =	vand.u32 $0x3, v4;
	v4 =	vadd.s32 v1, v7;
	v6 =	vld [tilespmem:s24+$0xFFFFF320]  }
0xb2: {  	v2 =	vor.u32 v3, v2;
	v3 =	vand.u32 $0xFFFFC000, v4;
	v7 =	vshll.u32 v4, $0x2  }
0xb3: {  	v4 =	vshrl.u32 v4, $0xC;
	[tilespmem:s24+$0xFFFFF2F0] =	vst v2;
	v2 =	vand.u32 $0x3FFC, v7;
	v5 =	vadd.s32 v1, v5  }
0xb4: {  	v2 =	vor.u32 v3, v2;
	v3 =	vand.u32 $0x3, v4;
	v4 =	vshll.u32 v5, $0x2;
	v7 =	vld [tilespmem:s24+$0xFFFFF330]  }
0xb5: {  	v2 =	vor.u32 v3, v2;
	v3 =	vand.u32 $0xFFFFC000, v5;
	v4 =	vand.u32 $0x3FFC, v4  }
0xb6: {  	[tilespmem:s24+$0xFFFFF300] =	vst v2;
	v2 =	vor.u32 v3, v4;
	v3 =	vshrl.u32 v5, $0xC;
	v4 =	vadd.s32 v1, v6;
	v5 =	vld [tilespmem:s24+$0xFFFFFFC0]  }
0xb7: {  	v3 =	vand.u32 $0x3, v3;
	v6 =	vand.u32 $0xFFFFC000, v4;
	v8 =	vshll.u32 v4, $0x2  }
0xb8: {  	v4 =	vshrl.u32 v4, $0xC;
	v2 =	vor.u32 v3, v2;
	v3 =	vand.u32 $0x3FFC, v8  }
0xb9: {  	[tilespmem:s24+$0xFFFFF310] =	vst v2;
	v2 =	vor.u32 v6, v3;
	v3 =	vand.u32 $0x3, v4;
	v4 =	vadd.s32 v1, v7;
	v6 =	vld [tilespmem:s24+$0xFFFFFFD0]  }
0xba: {  	v2 =	vor.u32 v3, v2;
	v3 =	vand.u32 $0xFFFFC000, v4;
	v7 =	vshll.u32 v4, $0x2  }
0xbb: {  	v4 =	vshrl.u32 v4, $0xC;
	[tilespmem:s24+$0xFFFFF320] =	vst v2;
	v2 =	vand.u32 $0x3FFC, v7;
	v5 =	vadd.s32 v1, v5  }
0xbc: {  	v2 =	vor.u32 v3, v2;
	v3 =	vand.u32 $0x3, v4;
	v4 =	vshll.u32 v5, $0x2;
	v7 =	vld [tilespmem:s24+$0xFFFFFFE0]  }
0xbd: {  	v2 =	vor.u32 v3, v2;
	v3 =	vand.u32 $0xFFFFC000, v5;
	v4 =	vand.u32 $0x3FFC, v4  }
0xbe: {  	[tilespmem:s24+$0xFFFFF330] =	vst v2;
	v2 =	vor.u32 v3, v4;
	v3 =	vshrl.u32 v5, $0xC;
	v4 =	vadd.s32 v1, v6;
	v5 =	vld [tilespmem:s24+$0xFFFFFFF0]  }
0xbf: {  	v3 =	vand.u32 $0x3, v3;
	v6 =	vand.u32 $0xFFFFC000, v4;
	v8 =	vshll.u32 v4, $0x2  }
0xc0: {  	v4 =	vshrl.u32 v4, $0xC;
	v2 =	vor.u32 v3, v2;
	v3 =	vand.u32 $0x3FFC, v8  }
0xc1: {  	[tilespmem:s24+$0xFFFFFFC0] =	vst v2;
	v2 =	vor.u32 v6, v3;
	v3 =	vand.u32 $0x3, v4;
	v4 =	vadd.s32 v1, v7;
	v6 =	vld [tilespmem:s24+$0x0]  }
0xc2: {  	v2 =	vor.u32 v3, v2;
	v3 =	vand.u32 $0xFFFFC000, v4;
	v7 =	vshll.u32 v4, $0x2  }
0xc3: {  	v4 =	vshrl.u32 v4, $0xC;
	[tilespmem:s24+$0xFFFFFFD0] =	vst v2;
	v2 =	vand.u32 $0x3FFC, v7;
	v5 =	vadd.s32 v1, v5  }
0xc4: {  	v2 =	vor.u32 v3, v2;
	v3 =	vand.u32 $0x3, v4;
	v4 =	vshll.u32 v5, $0x2;
	v7 =	vld [tilespmem:s24+$0x10]  }
0xc5: {  	v2 =	vor.u32 v3, v2;
	v3 =	vand.u32 $0xFFFFC000, v5;
	v4 =	vand.u32 $0x3FFC, v4  }
0xc6: {  	[tilespmem:s24+$0xFFFFFFE0] =	vst v2;
	v2 =	vor.u32 v3, v4;
	v3 =	vshrl.u32 v5, $0xC;
	v4 =	vadd.s32 v1, v6;
	v5 =	vld [tilespmem:s24+$0x20]  }
0xc7: {  	v3 =	vand.u32 $0x3, v3;
	v6 =	vand.u32 $0xFFFFC000, v4;
	v8 =	vshll.u32 v4, $0x2  }
0xc8: {  	v4 =	vshrl.u32 v4, $0xC;
	v2 =	vor.u32 v3, v2;
	v3 =	vand.u32 $0x3FFC, v8  }
0xc9: {  	[tilespmem:s24+$0xFFFFFFF0] =	vst v2;
	v2 =	vor.u32 v6, v3;
	v3 =	vand.u32 $0x3, v4;
	v4 =	vadd.s32 v1, v7;
	v6 =	vld [tilespmem:s24+$0x30]  }
0xca: {  	v2 =	vor.u32 v3, v2;
	v3 =	vand.u32 $0xFFFFC000, v4;
	v7 =	vshll.u32 v4, $0x2  }
0xcb: {  	v4 =	vshrl.u32 v4, $0xC;
	[tilespmem:s24+$0x0] =	vst v2;
	v2 =	vand.u32 $0x3FFC, v7;
	v5 =	vadd.s32 v1, v5  }
0xcc: {  	v2 =	vor.u32 v3, v2;
	v3 =	vand.u32 $0x3, v4;
	v4 =	vshll.u32 v5, $0x2;
	v7 =	vld [tilespmem:s24+$0xCC0]  }
0xcd: {  	v2 =	vor.u32 v3, v2;
	v3 =	vand.u32 $0xFFFFC000, v5;
	v4 =	vand.u32 $0x3FFC, v4  }
0xce: {  	[tilespmem:s24+$0x10] =	vst v2;
	v2 =	vor.u32 v3, v4;
	v3 =	vshrl.u32 v5, $0xC;
	v4 =	vadd.s32 v1, v6;
	v5 =	vld [tilespmem:s24+$0xCD0]  }
0xcf: {  	v3 =	vand.u32 $0x3, v3;
	v6 =	vand.u32 $0xFFFFC000, v4;
	v8 =	vshll.u32 v4, $0x2  }
0xd0: {  	v4 =	vshrl.u32 v4, $0xC;
	v2 =	vor.u32 v3, v2;
	v3 =	vand.u32 $0x3FFC, v8  }
0xd1: {  	[tilespmem:s24+$0x20] =	vst v2;
	v2 =	vor.u32 v6, v3;
	v3 =	vand.u32 $0x3, v4;
	v4 =	vadd.s32 v1, v7;
	v6 =	vld [tilespmem:s24+$0xCE0]  }
0xd2: {  	v2 =	vor.u32 v3, v2;
	v3 =	vand.u32 $0xFFFFC000, v4;
	v7 =	vshll.u32 v4, $0x2  }
0xd3: {  	v4 =	vshrl.u32 v4, $0xC;
	[tilespmem:s24+$0x30] =	vst v2;
	v2 =	vand.u32 $0x3FFC, v7;
	v5 =	vadd.s32 v1, v5  }
0xd4: {  	v2 =	vor.u32 v3, v2;
	v3 =	vand.u32 $0x3, v4;
	v4 =	vshll.u32 v5, $0x2;
	v7 =	vld [tilespmem:s24+$0xCF0]  }
0xd5: {  	v2 =	vor.u32 v3, v2;
	v3 =	vand.u32 $0xFFFFC000, v5;
	v4 =	vand.u32 $0x3FFC, v4  }
0xd6: {  	[tilespmem:s24+$0xCC0] =	vst v2;
	v2 =	vor.u32 v3, v4;
	v3 =	vshrl.u32 v5, $0xC;
	v4 =	vadd.s32 v1, v6;
	v5 =	vld [tilespmem:s24+$0xD00]  }
0xd7: {  	v3 =	vand.u32 $0x3, v3;
	v6 =	vand.u32 $0xFFFFC000, v4;
	v8 =	vshll.u32 v4, $0x2  }
0xd8: {  	v4 =	vshrl.u32 v4, $0xC;
	v2 =	vor.u32 v3, v2;
	v3 =	vand.u32 $0x3FFC, v8  }
0xd9: {  	[tilespmem:s24+$0xCD0] =	vst v2;
	v2 =	vor.u32 v6, v3;
	v3 =	vand.u32 $0x3, v4;
	v4 =	vadd.s32 v1, v7;
	v6 =	vld [tilespmem:s24+$0xD10]  }
0xda: {  	v2 =	vor.u32 v3, v2;
	v3 =	vand.u32 $0xFFFFC000, v4;
	v7 =	vshll.u32 v4, $0x2  }
0xdb: {  	v4 =	vshrl.u32 v4, $0xC;
	[tilespmem:s24+$0xCE0] =	vst v2;
	v2 =	vand.u32 $0x3FFC, v7;
	v5 =	vadd.s32 v1, v5  }
0xdc: {  	v2 =	vor.u32 v3, v2;
	v3 =	vand.u32 $0x3, v4;
	v4 =	vshll.u32 v5, $0x2;
	v7 =	vld [tilespmem:s24+$0xD20]  }
0xdd: {  	v2 =	vor.u32 v3, v2;
	v3 =	vand.u32 $0xFFFFC000, v5;
	v4 =	vand.u32 $0x3FFC, v4  }
0xde: {  	[tilespmem:s24+$0xCF0] =	vst v2;
	v2 =	vor.u32 v3, v4;
	v3 =	vshrl.u32 v5, $0xC;
	v4 =	vadd.s32 v1, v6;
	v5 =	vld [tilespmem:s24+$0xD30]  }
0xdf: {  	v3 =	vand.u32 $0x3, v3;
	v6 =	vand.u32 $0xFFFFC000, v4;
	v8 =	vshll.u32 v4, $0x2  }
0xe0: {  	v4 =	vshrl.u32 v4, $0xC;
	v2 =	vor.u32 v3, v2;
	v3 =	vand.u32 $0x3FFC, v8  }
0xe1: {  	[tilespmem:s24+$0xD00] =	vst v2;
	v2 =	vor.u32 v6, v3;
	v3 =	vand.u32 $0x3, v4;
	v4 =	vadd.s32 v1, v7;
	v6 =	vld [tilespmem:s24+$0x19C0]  }
0xe2: {  	v2 =	vor.u32 v3, v2;
	v3 =	vand.u32 $0xFFFFC000, v4;
	v7 =	vshll.u32 v4, $0x2  }
0xe3: {  	v4 =	vshrl.u32 v4, $0xC;
	[tilespmem:s24+$0xD10] =	vst v2;
	v2 =	vand.u32 $0x3FFC, v7;
	v5 =	vadd.s32 v1, v5  }
0xe4: {  	v2 =	vor.u32 v3, v2;
	v3 =	vand.u32 $0x3, v4;
	v4 =	vshll.u32 v5, $0x2;
	v7 =	vld [tilespmem:s24+$0x19D0]  }
0xe5: {  	v2 =	vor.u32 v3, v2;
	v3 =	vand.u32 $0xFFFFC000, v5;
	v4 =	vand.u32 $0x3FFC, v4  }
0xe6: {  	[tilespmem:s24+$0xD20] =	vst v2;
	v2 =	vor.u32 v3, v4;
	v3 =	vshrl.u32 v5, $0xC;
	v4 =	vadd.s32 v1, v6;
	v5 =	vld [tilespmem:s24+$0x19E0]  }
0xe7: {  	v3 =	vand.u32 $0x3, v3;
	v6 =	vand.u32 $0xFFFFC000, v4;
	v8 =	vshll.u32 v4, $0x2  }
0xe8: {  	v4 =	vshrl.u32 v4, $0xC;
	v2 =	vor.u32 v3, v2;
	v3 =	vand.u32 $0x3FFC, v8  }
0xe9: {  	[tilespmem:s24+$0xD30] =	vst v2;
	v2 =	vor.u32 v6, v3;
	v3 =	vand.u32 $0x3, v4;
	v4 =	vadd.s32 v1, v7;
	v6 =	vld [tilespmem:s24+$0x19F0]  }
0xea: {  	v2 =	vor.u32 v3, v2;
	v3 =	vand.u32 $0xFFFFC000, v4;
	v7 =	vshll.u32 v4, $0x2  }
0xeb: {  	v4 =	vshrl.u32 v4, $0xC;
	[tilespmem:s24+$0x19C0] =	vst v2;
	v2 =	vand.u32 $0x3FFC, v7;
	v5 =	vadd.s32 v1, v5  }
0xec: {  	v2 =	vor.u32 v3, v2;
	v3 =	vand.u32 $0x3, v4;
	v4 =	vshll.u32 v5, $0x2;
	v7 =	vld [tilespmem:s24+$0x1A00]  }
0xed: {  	v2 =	vor.u32 v3, v2;
	v3 =	vand.u32 $0xFFFFC000, v5;
	v4 =	vand.u32 $0x3FFC, v4  }
0xee: {  	[tilespmem:s24+$0x19D0] =	vst v2;
	v2 =	vor.u32 v3, v4;
	v3 =	vshrl.u32 v5, $0xC;
	v4 =	vadd.s32 v1, v6;
	v5 =	vld [tilespmem:s24+$0x1A10]  }
0xef: {  	v3 =	vand.u32 $0x3, v3;
	v6 =	vand.u32 $0xFFFFC000, v4;
	v8 =	vshll.u32 v4, $0x2  }
0xf0: {  	v4 =	vshrl.u32 v4, $0xC;
	v2 =	vor.u32 v3, v2;
	v3 =	vand.u32 $0x3FFC, v8  }
0xf1: {  	[tilespmem:s24+$0x19E0] =	vst v2;
	v2 =	vor.u32 v6, v3;
	v3 =	vand.u32 $0x3, v4;
	v4 =	vadd.s32 v1, v7;
	v6 =	vld [tilespmem:s24+$0x1A20]  }
0xf2: {  	v2 =	vor.u32 v3, v2;
	v3 =	vand.u32 $0xFFFFC000, v4;
	v7 =	vshll.u32 v4, $0x2  }
0xf3: {  	v4 =	vshrl.u32 v4, $0xC;
	[tilespmem:s24+$0x19F0] =	vst v2;
	v2 =	vand.u32 $0x3FFC, v7;
	v5 =	vadd.s32 v1, v5  }
0xf4: {  	v2 =	vor.u32 v3, v2;
	v3 =	vand.u32 $0x3, v4;
	v4 =	vshll.u32 v5, $0x2;
	v7 =	vld [tilespmem:s24+$0x1A30]  }
0xf5: {  	v2 =	vor.u32 v3, v2;
	v3 =	vand.u32 $0xFFFFC000, v5;
	v4 =	vand.u32 $0x3FFC, v4  }
.Ltmp0:
0xf6: {  	[tilespmem:s24+$0x1A00] =	vst v2;
	v2 =	vor.u32 v3, v4;
	v3 =	vshrl.u32 v5, $0xC;
	v4 =	vadd.s32 v1, v6;
	(pc) =	sbr.rel @p0 .LBB2_2-.Ltmp0, $4  }
0xf7: {  	v3 =	vand.u32 $0x3, v3;
	v5 =	vand.u32 $0xFFFFC000, v4;
	v6 =	vshll.u32 v4, $0x2  }
0xf8: {  	v4 =	vshrl.u32 v4, $0xC;
	v2 =	vor.u32 v3, v2;
	v3 =	vand.u32 $0x3FFC, v6  }
0xf9: {  	[tilespmem:s24+$0x1A10] =	vst v2;
	v2 =	vor.u32 v5, v3;
	v3 =	vand.u32 $0x3, v4;
	v1 =	vadd.s32 v1, v7  }
0xfa: {  	s29 =	sadd.s32 $0x1, s29;
	v2 =	vor.u32 v3, v2;
	v3 =	vand.u32 $0xFFFFC000, v1;
	v4 =	vshll.u32 v1, $0x2  }
0xfb: {  	v4 =	vand.u32 $0x3FFC, v4;
	v1 =	vshrl.u32 v1, $0xC;
	s3 =	sadd.s32 $0x80, s24  }
0xfc: {  	v3 =	vor.u32 v3, v4;
	v1 =	vand.u32 $0x3, v1;
	v60 =	vld [tilespmem:s3+$0xFFFFE5E0]  }
0xfd: {  	[tilespmem:s24+$0x1A20] =	vst v2;
	v61 =	vld [tilespmem:s3+$0xFFFFE5C0];
	v1 =	vor.u32 v1, v3  }
0xfe: {  	v62 =	vld [tilespmem:s3+$0xFFFFE5D0];
	[tilespmem:s26+$0x1A30] =	vst v1  }
0xff: {  	v0 =	vld.idx.msk [tilespmem:v0+s11+$0x0], $0xffff  }
0x100: {  	v7 =	vld [tilespmem:s3+$0xFFFFE5F0];
	_ =	sdelay $0x3  }
0x101: {  	v1 =	vadd.s32 v0, v61  }
0x102: {  	v3 =	vadd.s32 v0, v62;
	v63 =	vadd.s32 v0, v60;
	v7 =	vadd.s32 v0, v7  }
0x103: {  	v11 =	vshll.u32 v1, $0x2;
	v5 =	vand.u32 $0xFFFFC000, v3;
	v6 =	vand.u32 $0xFFFFC000, v1  }
0x104: {  	v14 =	vld [tilespmem:s3+$0xFFFFE600];
	v8 =	vshll.u32 v3, $0x2;
	v1 =	vshrl.u32 v1, $0xC;
	v3 =	vshrl.u32 v3, $0xC  }
0x105: {  	v18 =	vld [tilespmem:s3+$0xFFFFE610];
	v15 =	vand.u32 $0xFFFFC000, v63;
	v16 =	vshll.u32 v63, $0x2;
	v4 =	vshrl.u32 v63, $0xC  }
0x106: {  	v20 =	vld [tilespmem:s3+$0xFFFFE620];
	v19 =	vshll.u32 v7, $0x2;
	v9 =	vand.u32 $0xFFFFC000, v7;
	v7 =	vshrl.u32 v7, $0xC  }
0x107: {  	v2 =	vand.u32 $0x3FFC, v11;
	v1 =	vand.u32 $0x3, v1;
	v12 =	vand.u32 $0x3FFC, v8  }
0x108: {  	v3 =	vand.u32 $0x3, v3;
	v17 =	vand.u32 $0x3FFC, v16;
	v4 =	vand.u32 $0x3, v4  }
0x109: {  	v8 =	vand.u32 $0x3FFC, v19;
	v7 =	vand.u32 $0x3, v7;
	v2 =	vor.u32 v6, v2  }
0x10a: {  	v13 =	vor.u32 v5, v12;
	v5 =	vadd.s32 v0, v14;
	v8 =	vor.u32 v9, v8  }
0x10b: {  	v6 =	vadd.s32 v0, v18;
	v9 =	vadd.s32 v0, v20;
	v1 =	vor.u32 v1, v2  }
0x10c: {  	v23 =	vld [tilespmem:s3+$0xFFFFE630];
	v2 =	vor.u32 v3, v13;
	v3 =	vor.u32 v15, v17;
	v10 =	vshll.u32 v5, $0x2  }
0x10d: {  	v26 =	vld [tilespmem:s3+$0xFFFFF2C0];
	v21 =	vand.u32 $0xFFFFC000, v5;
	v5 =	vshrl.u32 v5, $0xC;
	v24 =	vand.u32 $0xFFFFC000, v6  }
0x10e: {  	v11 =	vshll.u32 v6, $0x2;
	v6 =	vshrl.u32 v6, $0xC;
	v27 =	vshll.u32 v9, $0x2  }
0x10f: {  	v12 =	vand.u32 $0xFFFFC000, v9;
	v9 =	vshrl.u32 v9, $0xC;
	v4 =	vor.u32 v4, v3  }
0x110: {  	v28 =	vld [tilespmem:s3+$0xFFFFF2D0];
	v3 =	vor.u32 v7, v8;
	v22 =	vand.u32 $0x3FFC, v10;
	v5 =	vand.u32 $0x3, v5  }
0x111: {  	v25 =	vand.u32 $0x3FFC, v11;
	v6 =	vand.u32 $0x3, v6;
	v11 =	vand.u32 $0x3FFC, v27  }
0x112: {  	v8 =	vadd.s32 v0, v23;
	v9 =	vand.u32 $0x3, v9;
	v10 =	vadd.s32 v0, v26  }
0x113: {  	v7 =	vor.u32 v21, v22;
	v11 =	vor.u32 v12, v11;
	v13 =	vshll.u32 v8, $0x2  }
0x114: {  	v34 =	vld [tilespmem:s3+$0xFFFFF2F0];
	v29 =	vand.u32 $0xFFFFC000, v8;
	v8 =	vshrl.u32 v8, $0xC;
	v32 =	vand.u32 $0xFFFFC000, v10  }
0x115: {  	v31 =	vld [tilespmem:s3+$0xFFFFF2E0];
	v14 =	vshll.u32 v10, $0x2;
	v10 =	vshrl.u32 v10, $0xC;
	v12 =	vadd.s32 v0, v28  }
0x116: {  	v5 =	vor.u32 v5, v7;
	v7 =	vor.u32 v24, v25;
	v30 =	vand.u32 $0x3FFC, v13  }
0x117: {  	v8 =	vand.u32 $0x3, v8;
	v33 =	vand.u32 $0x3FFC, v14;
	v10 =	vand.u32 $0x3, v10  }
0x118: {  	v35 =	vshll.u32 v12, $0x2;
	v15 =	vand.u32 $0xFFFFC000, v12;
	v12 =	vshrl.u32 v12, $0xC  }
0x119: {  	v36 =	vld [tilespmem:s3+$0xFFFFF300];
	v13 =	vadd.s32 v0, v34;
	v7 =	vor.u32 v6, v7;
	v6 =	vor.u32 v9, v11  }
0x11a: {  	v9 =	vor.u32 v29, v30;
	v14 =	vand.u32 $0x3FFC, v35;
	v11 =	vadd.s32 v0, v31  }
0x11b: {  	v12 =	vand.u32 $0x3, v12;
	v40 =	vand.u32 $0xFFFFC000, v13;
	v17 =	vshll.u32 v13, $0x2  }
0x11c: {  	v39 =	vld [tilespmem:s3+$0xFFFFF310];
	v13 =	vshrl.u32 v13, $0xC;
	v8 =	vor.u32 v8, v9;
	v9 =	vor.u32 v32, v33  }
0x11d: {  	v42 =	vld [tilespmem:s3+$0xFFFFF320];
	v14 =	vor.u32 v15, v14;
	v16 =	vshll.u32 v11, $0x2;
	v37 =	vand.u32 $0xFFFFC000, v11  }
0x11e: {  	v11 =	vshrl.u32 v11, $0xC;
	v41 =	vand.u32 $0x3FFC, v17;
	v15 =	vadd.s32 v0, v36  }
0x11f: {  	v13 =	vand.u32 $0x3, v13;
	v10 =	vor.u32 v10, v9;
	v9 =	vor.u32 v12, v14  }
0x120: {  	v38 =	vand.u32 $0x3FFC, v16;
	v11 =	vand.u32 $0x3, v11;
	v43 =	vshll.u32 v15, $0x2  }
0x121: {  	v18 =	vand.u32 $0xFFFFC000, v15;
	v15 =	vshrl.u32 v15, $0xC;
	v14 =	vadd.s32 v0, v39  }
0x122: {  	v44 =	vld [tilespmem:s3+$0xFFFFF330];
	v16 =	vadd.s32 v0, v42;
	v12 =	vor.u32 v37, v38;
	v17 =	vand.u32 $0x3FFC, v43  }
0x123: {  	v50 =	vld [tilespmem:s3+$0xFFFFFFD0];
	v15 =	vand.u32 $0x3, v15;
	v19 =	vshll.u32 v14, $0x2;
	v45 =	vand.u32 $0xFFFFC000, v14  }
0x124: {  	v14 =	vshrl.u32 v14, $0xC;
	v48 =	vand.u32 $0xFFFFC000, v16;
	v20 =	vshll.u32 v16, $0x2  }
0x125: {  	v47 =	vld [tilespmem:s3+$0xFFFFFFC0];
	v16 =	vshrl.u32 v16, $0xC;
	v11 =	vor.u32 v11, v12;
	v12 =	vor.u32 v40, v41  }
0x126: {  	v17 =	vor.u32 v18, v17;
	v46 =	vand.u32 $0x3FFC, v19;
	v14 =	vand.u32 $0x3, v14  }
0x127: {  	v49 =	vand.u32 $0x3FFC, v20;
	v18 =	vadd.s32 v0, v44;
	v16 =	vand.u32 $0x3, v16  }
0x128: {  	v19 =	vadd.s32 v0, v50;
	v13 =	vor.u32 v13, v12;
	v12 =	vor.u32 v15, v17  }
0x129: {  	v15 =	vor.u32 v45, v46;
	v51 =	vshll.u32 v18, $0x2;
	v21 =	vand.u32 $0xFFFFC000, v18  }
0x12a: {  	v52 =	vld [tilespmem:s3+$0xFFFFFFE0];
	v18 =	vshrl.u32 v18, $0xC;
	v17 =	vadd.s32 v0, v47;
	v56 =	vand.u32 $0xFFFFC000, v19  }
0x12b: {  	v58 =	vld [tilespmem:s3+$0x0];
	v23 =	vshll.u32 v19, $0x2;
	v19 =	vshrl.u32 v19, $0xC;
	v14 =	vor.u32 v14, v15  }
0x12c: {  	v15 =	vor.u32 v48, v49;
	v20 =	vand.u32 $0x3FFC, v51;
	v18 =	vand.u32 $0x3, v18  }
0x12d: {  	v55 =	vld [tilespmem:s3+$0xFFFFFFF0];
	v22 =	vshll.u32 v17, $0x2;
	v53 =	vand.u32 $0xFFFFC000, v17;
	v17 =	vshrl.u32 v17, $0xC  }
0x12e: {  	v38 =	vld [tilespmem:s3+$0xCE0];
	v57 =	vand.u32 $0x3FFC, v23;
	v19 =	vand.u32 $0x3, v19;
	v20 =	vor.u32 v21, v20  }
0x12f: {  	v16 =	vor.u32 v16, v15;
	v54 =	vand.u32 $0x3FFC, v22;
	v17 =	vand.u32 $0x3, v17  }
0x130: {  	v21 =	vadd.s32 v0, v52;
	v22 =	vadd.s32 v0, v58;
	v15 =	vor.u32 v18, v20  }
0x131: {  	v18 =	vor.u32 v53, v54;
	v59 =	vshll.u32 v21, $0x2;
	v24 =	vand.u32 $0xFFFFC000, v21  }
0x132: {  	v40 =	vld [tilespmem:s3+$0xCF0];
	v21 =	vshrl.u32 v21, $0xC;
	v20 =	vadd.s32 v0, v55;
	v29 =	vand.u32 $0xFFFFC000, v22  }
0x133: {  	v60 =	vld [tilespmem:s3+$0x10];
	v26 =	vshll.u32 v22, $0x2;
	v22 =	vshrl.u32 v22, $0xC;
	v44 =	vadd.s32 v0, v38  }
0x134: {  	v31 =	vld [tilespmem:s3+$0x30];
	v17 =	vor.u32 v17, v18;
	v18 =	vor.u32 v56, v57;
	v23 =	vand.u32 $0x3FFC, v59  }
0x135: {  	v21 =	vand.u32 $0x3, v21;
	v25 =	vshll.u32 v20, $0x2;
	v61 =	vand.u32 $0xFFFFC000, v20  }
0x136: {  	v45 =	vld [tilespmem:s3+$0xD00];
	v20 =	vshrl.u32 v20, $0xC;
	v30 =	vand.u32 $0x3FFC, v26;
	v22 =	vand.u32 $0x3, v22  }
0x137: {  	v46 =	vand.u32 $0xFFFFC000, v44;
	v47 =	vshll.u32 v44, $0x2;
	v49 =	vadd.s32 v0, v40  }
0x138: {  	v63 =	vld [tilespmem:s3+$0x20];
	v23 =	vor.u32 v24, v23;
	v19 =	vor.u32 v19, v18;
	v62 =	vand.u32 $0x3FFC, v25  }
0x139: {  	v20 =	vand.u32 $0x3, v20;
	v24 =	vadd.s32 v0, v60;
	v25 =	vadd.s32 v0, v31  }
0x13a: {  	v51 =	vld [tilespmem:s3+$0xD10];
	v48 =	vand.u32 $0x3FFC, v47;
	v52 =	vshll.u32 v49, $0x2;
	v53 =	vand.u32 $0xFFFFC000, v49  }
0x13b: {  	v54 =	vadd.s32 v0, v45;
	v18 =	vor.u32 v21, v23;
	v21 =	vor.u32 v61, v62  }
0x13c: {  	v32 =	vshll.u32 v24, $0x2;
	v27 =	vand.u32 $0xFFFFC000, v24;
	v24 =	vshrl.u32 v24, $0xC  }
0x13d: {  	[tilespmem:s3+$0xFFFFE5D0] =	vst v2;
	v23 =	vadd.s32 v0, v63;
	v28 =	vand.u32 $0xFFFFC000, v25;
	v2 =	vor.u32 v46, v48  }
0x13e: {  	[tilespmem:s3+$0xFFFFE610] =	vst v7;
	v58 =	vshll.u32 v54, $0x2;
	v59 =	vand.u32 $0xFFFFC000, v54;
	v7 =	vshrl.u32 v54, $0xC  }
0x13f: {  	[tilespmem:s3+$0xFFFFE5E0] =	vst v4;
	v4 =	vadd.s32 v0, v51;
	v20 =	vor.u32 v20, v21;
	v21 =	vor.u32 v29, v30  }
0x140: {  	v33 =	vld [tilespmem:s3+$0xCC0];
	v26 =	vand.u32 $0x3FFC, v32;
	v24 =	vand.u32 $0x3, v24;
	v34 =	vshll.u32 v23, $0x2  }
0x141: {  	v35 =	vand.u32 $0xFFFFC000, v23;
	v23 =	vshrl.u32 v23, $0xC;
	v29 =	vshll.u32 v25, $0x2  }
0x142: {  	v36 =	vld [tilespmem:s3+$0xCD0];
	v25 =	vshrl.u32 v25, $0xC;
	v7 =	vand.u32 $0x3, v7;
	v61 =	vand.u32 $0xFFFFC000, v4  }
0x143: {  	v56 =	vld [tilespmem:s3+$0xD20];
	v62 =	vshll.u32 v4, $0x2;
	v4 =	vshrl.u32 v4, $0xC;
	v26 =	vor.u32 v27, v26  }
0x144: {  	v21 =	vor.u32 v22, v21;
	v22 =	vand.u32 $0x3FFC, v34;
	v23 =	vand.u32 $0x3, v23  }
0x145: {  	v37 =	vand.u32 $0x3FFC, v29;
	v27 =	vadd.s32 v0, v33;
	v25 =	vand.u32 $0x3, v25  }
0x146: {  	v60 =	vld [tilespmem:s3+$0xD30];
	v4 =	vand.u32 $0x3, v4;
	v24 =	vor.u32 v24, v26;
	v22 =	vor.u32 v35, v22  }
0x147: {  	v39 =	vshll.u32 v27, $0x2;
	v30 =	vand.u32 $0xFFFFC000, v27;
	v27 =	vshrl.u32 v27, $0xC  }
0x148: {  	v26 =	vadd.s32 v0, v36;
	v63 =	vadd.s32 v0, v56;
	v22 =	vor.u32 v23, v22  }
0x149: {  	[tilespmem:s3+$0xFFFFE5C0] =	vst v1;
	v23 =	vor.u32 v28, v37;
	v29 =	vand.u32 $0x3FFC, v39;
	v27 =	vand.u32 $0x3, v27  }
0x14a: {  	[tilespmem:s3+$0xFFFFE620] =	vst v6;
	v41 =	vshll.u32 v26, $0x2;
	v42 =	vand.u32 $0xFFFFC000, v26;
	v26 =	vshrl.u32 v26, $0xC  }
0x14b: {  	[tilespmem:s3+$0xFFFFF2D0] =	vst v9;
	v28 =	vand.u32 $0xFFFFC000, v63;
	v9 =	vshrl.u32 v63, $0xC;
	v6 =	vadd.s32 v0, v60  }
0x14c: {  	[tilespmem:s3+$0xFFFFE5F0] =	vst v3;
	v29 =	vor.u32 v30, v29;
	v23 =	vor.u32 v25, v23;
	v25 =	vand.u32 $0x3FFC, v41  }
0x14d: {  	[tilespmem:s3+$0xFFFFE600] =	vst v5;
	v36 =	vld [tilespmem:s3+$0x19F0];
	v26 =	vand.u32 $0x3, v26;
	v9 =	vand.u32 $0x3, v9;
	v31 =	vshll.u32 v6, $0x2  }
0x14e: {  	[tilespmem:s3+$0xFFFFE630] =	vst v8;
	v32 =	vand.u32 $0xFFFFC000, v6;
	v6 =	vshrl.u32 v6, $0xC;
	v43 =	vor.u32 v42, v25  }
0x14f: {  	[tilespmem:s3+$0xFFFFF2C0] =	vst v10;
	v27 =	vor.u32 v27, v29;
	v25 =	vshrl.u32 v44, $0xC;
	v1 =	vor.u32 v26, v43  }
0x150: {  	[tilespmem:s3+$0xFFFFF2E0] =	vst v11;
	v39 =	vld [tilespmem:s3+$0x1A00];
	v50 =	vand.u32 $0x3, v25;
	v25 =	vand.u32 $0x3FFC, v52;
	v26 =	vshrl.u32 v49, $0xC  }
0x151: {  	[tilespmem:s3+$0xFFFFF2F0] =	vst v13;
	v6 =	vand.u32 $0x3, v6;
	v5 =	vor.u32 v53, v25;
	v55 =	vand.u32 $0x3, v26  }
0x152: {  	[tilespmem:s3+$0xFFFFF300] =	vst v12;
	v2 =	vor.u32 v50, v2;
	v26 =	vshll.u32 v63, $0x2;
	v12 =	vadd.s32 v0, v36  }
0x153: {  	[tilespmem:s3+$0xFFFFF310] =	vst v14;
	v33 =	vld [tilespmem:s3+$0x19E0];
	v57 =	vor.u32 v55, v5;
	v5 =	vand.u32 $0x3FFC, v58;
	v10 =	vand.u32 $0x3FFC, v26  }
0x154: {  	[tilespmem:s3+$0xFFFFF320] =	vst v16;
	v29 =	vld [tilespmem:s3+$0x19D0];
	v44 =	vand.u32 $0xFFFFC000, v12;
	v45 =	vshll.u32 v12, $0x2;
	v47 =	vshrl.u32 v12, $0xC  }
0x155: {  	[tilespmem:s3+$0xFFFFF330] =	vst v15;
	v48 =	vadd.s32 v0, v39;
	v5 =	vor.u32 v59, v5;
	v10 =	vor.u32 v28, v10  }
0x156: {  	[tilespmem:s3+$0xFFFFFFC0] =	vst v17;
	v46 =	vand.u32 $0x3FFC, v45;
	v49 =	vand.u32 $0x3, v47;
	v51 =	vshll.u32 v48, $0x2  }
0x157: {  	[tilespmem:s3+$0xFFFFFFD0] =	vst v19;
	v52 =	vand.u32 $0xFFFFC000, v48;
	v12 =	vshrl.u32 v48, $0xC;
	v5 =	vor.u32 v7, v5  }
0x158: {  	[tilespmem:s3+$0xFFFFFFE0] =	vst v18;
	v43 =	vld [tilespmem:s3+$0x1A10];
	v7 =	vand.u32 $0x3FFC, v62;
	v30 =	vor.u32 v9, v10;
	v9 =	vand.u32 $0x3FFC, v31  }
0x159: {  	v25 =	vld [tilespmem:s3+$0x19C0];
	[tilespmem:s3+$0xCD0] =	vst v1;
	v11 =	vadd.s32 v0, v29;
	v10 =	vadd.s32 v0, v33;
	v1 =	vor.u32 v44, v46  }
0x15a: {  	[tilespmem:s3+$0xFFFFFFF0] =	vst v20;
	v54 =	vand.u32 $0x3, v12;
	v7 =	vor.u32 v61, v7;
	v9 =	vor.u32 v32, v9  }
0x15b: {  	[tilespmem:s3+$0x0] =	vst v21;
	v50 =	vld [tilespmem:s3+$0x1A20];
	v37 =	vshll.u32 v11, $0x2;
	v38 =	vand.u32 $0xFFFFC000, v11;
	v11 =	vshrl.u32 v11, $0xC  }
0x15c: {  	[tilespmem:s3+$0x10] =	vst v24;
	v41 =	vshll.u32 v10, $0x2;
	v42 =	vand.u32 $0xFFFFC000, v10;
	v10 =	vshrl.u32 v10, $0xC  }
0x15d: {  	[tilespmem:s3+$0x20] =	vst v22;
	v53 =	vadd.s32 v0, v43;
	v1 =	vor.u32 v49, v1;
	v4 =	vor.u32 v4, v7  }
0x15e: {  	[tilespmem:s3+$0x30] =	vst v23;
	v8 =	vadd.s32 v0, v25;
	v6 =	vor.u32 v6, v9;
	v13 =	vand.u32 $0x3FFC, v37  }
0x15f: {  	v55 =	vld [tilespmem:s3+$0x1A30];
	[tilespmem:s3+$0xCF0] =	vst v57;
	v11 =	vand.u32 $0x3, v11;
	v10 =	vand.u32 $0x3, v10;
	v57 =	vshll.u32 v53, $0x2  }
0x160: {  	[tilespmem:s3+$0xCC0] =	vst v27;
	v58 =	vand.u32 $0xFFFFC000, v53;
	v3 =	vadd.s32 v0, v50;
	v34 =	vand.u32 $0xFFFFC000, v8  }
0x161: {  	[tilespmem:s3+$0xCE0] =	vst v2;
	v35 =	vshll.u32 v8, $0x2;
	v8 =	vshrl.u32 v8, $0xC;
	v13 =	vor.u32 v38, v13  }
0x162: {  	[tilespmem:s3+$0xD10] =	vst v4;
	v4 =	vshrl.u32 v53, $0xC;
	v59 =	vand.u32 $0xFFFFC000, v3;
	v60 =	vshll.u32 v3, $0x2  }
0x163: {  	[tilespmem:s3+$0xD00] =	vst v5;
	v3 =	vshrl.u32 v3, $0xC;
	v40 =	vor.u32 v11, v13;
	v11 =	vand.u32 $0x3FFC, v41  }
0x164: {  	[tilespmem:s3+$0xD20] =	vst v30;
	v0 =	vadd.s32 v0, v55;
	v9 =	vand.u32 $0x3FFC, v35;
	v11 =	vor.u32 v42, v11  }
0x165: {  	[tilespmem:s3+$0x19F0] =	vst v1;
	v8 =	vand.u32 $0x3, v8;
	v10 =	vor.u32 v10, v11;
	v11 =	vand.u32 $0x3FFC, v51  }
0x166: {  	[tilespmem:s3+$0xD30] =	vst v6;
	v4 =	vand.u32 $0x3, v4;
	v9 =	vor.u32 v34, v9;
	v5 =	vor.u32 v52, v11  }
0x167: {  	[tilespmem:s3+$0x19D0] =	vst v40;
	v8 =	vor.u32 v8, v9;
	v56 =	vor.u32 v54, v5;
	v5 =	vand.u32 $0x3FFC, v57  }
0x168: {  	v3 =	vand.u32 $0x3, v3;
	v62 =	vshll.u32 v0, $0x2;
	[tilespmem:s3+$0x19C0] =	vst v8;
	v5 =	vor.u32 v58, v5  }
0x169: {  	v63 =	vand.u32 $0xFFFFC000, v0;
	[tilespmem:s3+$0x19E0] =	vst v10;
	v4 =	vor.u32 v4, v5;
	v5 =	vand.u32 $0x3FFC, v60  }
0x16a: {  	v0 =	vshrl.u32 v0, $0xC;
	[tilespmem:s3+$0x1A00] =	vst v56;
	v61 =	vor.u32 v59, v5;
	v5 =	vand.u32 $0x3FFC, v62  }
0x16b: {  	v0 =	vand.u32 $0x3, v0;
	[tilespmem:s3+$0x1A10] =	vst v4;
	v1 =	vor.u32 v3, v61;
	v2 =	vor.u32 v63, v5  }
0x16c: {  	[tilespmem:s3+$0x1A20] =	vst v1;
	v0 =	vor.u32 v0, v2  }
0x16d: {  	[tilespmem:s3+$0x1A30] =	vst v0;
	s3 =	simm.s32 $0x0  }
0x16e: {  	[tilespmem:s14], [sflag:$0x1] =	stream.indirect.gather [hbm4b:s4+s13], $0x20, s3, s13, $0xb8;
	[tilespmem:$0xE120] =	vst v63  }
0x16f: {  	s3 =	simm.s32 $0xD00  }
0x170: {  	[tilespmem:s16], [sflag:$0x1] =	stream.indirect.gather [hbm4b:s4+s13], $0x20, s3, s13, $0xb8;
	[tilespmem:$0xE120] =	vst v63  }
0x171: {  	s24 =	simm.s32 $0x1A00  }
0x172: {  	[tilespmem:s18], [sflag:$0x1] =	stream.indirect.gather [hbm4b:s4+s13], $0x20, s24, s13, $0xb8;
	[tilespmem:$0xE120] =	vst v63  }
0x173: {  	s26 =	simm.s32 $0x2700  }
0x174: {  	[tilespmem:s20], [sflag:$0x1] =	stream.indirect.gather [hbm4b:s4+s13], $0x20, s26, s13, $0xb8;
	[tilespmem:$0xE120] =	vst v63  }
0x175: {  	s24 =	simm.s32 $0x3400  }
0x176: {  	[tilespmem:s22], [sflag:$0x1] =	stream.indirect.gather [hbm4b:s4+s13], $0x20, s24, s13, $0xb8;
	[tilespmem:$0xE120] =	vst v63  }
0x177: {  	_ = 	snop  }
0x178: {  	[tilespmem:s23], [sflag:$0x2] =	stream.indirect.gather [hbm4b:s4+s13], $0x20, s13, s13, $0xb8;
	[tilespmem:$0xE120] =	vst v63  }
0x179: {  	s26 =	simm.s32 $0xD80  }
0x17a: {  	[tilespmem:s25], [sflag:$0x2] =	stream.indirect.gather [hbm4b:s4+s13], $0x20, s26, s13, $0xb8;
	[tilespmem:$0xE120] =	vst v63  }
0x17b: {  	s24 =	simm.s32 $0x1A80  }
0x17c: {  	[tilespmem:s28], [sflag:$0x2] =	stream.indirect.gather [hbm4b:s4+s13], $0x20, s24, s13, $0xb8;
	[tilespmem:$0xE120] =	vst v63  }
0x17d: {  	s26 =	simm.s32 $0x2780  }
0x17e: {  	[tilespmem:s30], [sflag:$0x2] =	stream.indirect.gather [hbm4b:s4+s13], $0x20, s26, s13, $0xb8;
	[tilespmem:$0xE120] =	vst v63  }
0x17f: {  	s24 =	simm.s32 $0x3480  }
0x180: {  	[tilespmem:s1], [sflag:$0x2] =	stream.indirect.gather [hbm4b:s4+s13], $0x20, s24, s13, $0xb8;
	[tilespmem:$0xE120] =	vst v63  }
0x181: {  	_ =	swait.ge [sflag:s0], $0x5000  }
0x182: {  	[sflag:s0] =	ssyncset.done $0x0  }
0x183: {  	[sflag:s0] =	ssyncadd.s32 $0xFFFFB000  }
0x184: {  	[hbm4b:s10+s15] =	stream.strided.scatter [tilespmem:s14], [sflag:$0x3], $0x5000, s17, s15, $0x38;
	[tilespmem:$0xE120] =	vst v63  }
0x185: {  	_ =	swait.ge [sflag:s12], $0x5000  }
0x186: {  	[sflag:s12] =	ssyncset.done $0x0  }
0x187: {  	s26 =	simm.s32 $0x100;
	[sflag:s12] =	ssyncadd.s32 $0xFFFFB000  }
0x188: {  	[tilespmem:s14], [sflag:$0x1] =	stream.indirect.gather [hbm4b:s4+s13], $0x20, s26, s13, $0xb8;
	[tilespmem:$0xE120] =	vst v63  }
0x189: {  	s3 =	simm.s32 $0xE00  }
0x18a: {  	[tilespmem:s16], [sflag:$0x1] =	stream.indirect.gather [hbm4b:s4+s13], $0x20, s3, s13, $0xb8;
	[tilespmem:$0xE120] =	vst v63  }
0x18b: {  	s26 =	simm.s32 $0x1B00  }
0x18c: {  	[tilespmem:s18], [sflag:$0x1] =	stream.indirect.gather [hbm4b:s4+s13], $0x20, s26, s13, $0xb8;
	[tilespmem:$0xE120] =	vst v63  }
0x18d: {  	s3 =	simm.s32 $0x2800  }
0x18e: {  	[tilespmem:s20], [sflag:$0x1] =	stream.indirect.gather [hbm4b:s4+s13], $0x20, s3, s13, $0xb8;
	[tilespmem:$0xE120] =	vst v63  }
0x18f: {  	s26 =	simm.s32 $0x3500  }
0x190: {  	[tilespmem:s22], [sflag:$0x1] =	stream.indirect.gather [hbm4b:s4+s13], $0x20, s26, s13, $0xb8;
	[tilespmem:$0xE120] =	vst v63  }
0x191: {  	_ =	swait.ge [sflag:s19], $0x5000  }
0x192: {  	[sflag:s19] =	ssyncset.done $0x0  }
0x193: {  	[sflag:s19] =	ssyncadd.s32 $0xFFFFB000  }
0x194: {  	[hbm4b:s9+s15] =	stream.strided.scatter [tilespmem:s23], [sflag:$0x3], $0x5000, s17, s15, $0x38;
	[tilespmem:$0xE120] =	vst v63  }
0x195: {  	_ =	swait.ge [sflag:s12], $0x5000  }
0x196: {  	[sflag:s12] =	ssyncset.done $0x0  }
0x197: {  	s3 =	simm.s32 $0x180;
	[sflag:s12] =	ssyncadd.s32 $0xFFFFB000  }
0x198: {  	[tilespmem:s23], [sflag:$0x2] =	stream.indirect.gather [hbm4b:s4+s13], $0x20, s3, s13, $0xb8;
	[tilespmem:$0xE120] =	vst v63  }
0x199: {  	s26 =	simm.s32 $0xE80  }
0x19a: {  	[tilespmem:s25], [sflag:$0x2] =	stream.indirect.gather [hbm4b:s4+s13], $0x20, s26, s13, $0xb8;
	[tilespmem:$0xE120] =	vst v63  }
0x19b: {  	s3 =	simm.s32 $0x1B80  }
0x19c: {  	[tilespmem:s28], [sflag:$0x2] =	stream.indirect.gather [hbm4b:s4+s13], $0x20, s3, s13, $0xb8;
	[tilespmem:$0xE120] =	vst v63  }
0x19d: {  	s31 =	simm.s32 $0x3580;
	s26 =	simm.s32 $0x2880  }
0x19e: {  	[tilespmem:s30], [sflag:$0x2] =	stream.indirect.gather [hbm4b:s4+s13], $0x20, s26, s13, $0xb8;
	[tilespmem:$0xE120] =	vst v63  }
0x19f: {  	s29 =	sadd.s32 $0x8, s10;
	s24 =	simm.s32 $0x400;
	s26 =	sadd.s32 $0x8, s9  }
.LBB2_4:
0x1a0: {  	[tilespmem:s1], [sflag:$0x2] =	stream.indirect.gather [hbm4b:s4+s13], $0x20, s31, s13, $0xb8;
	[tilespmem:$0xE120] =	vst v63  }
0x1a1: {  	s31 =	smov.u32 s24  }
0x1a2: {  	p0 =	sne.s32 s24, $0x2C00;
	s24 =	sadd.s32 $0x400, s24;
	_ =	swait.ge [sflag:s0], $0x5000  }
0x1a3: {  	[sflag:s0] =	ssyncset.done $0x0  }
0x1a4: {  	[sflag:s0] =	ssyncadd.s32 $0xFFFFB000  }
0x1a5: {  	[hbm4b:s29+s15] =	stream.strided.scatter [tilespmem:s14], [sflag:$0x3], $0x5000, s17, s15, $0x38;
	[tilespmem:$0xE120] =	vst v63  }
0x1a6: {  	_ =	swait.ge [sflag:s12], $0x5000  }
0x1a7: {  	s31 =	sshra.s32 s31, $0x2;
	[sflag:s12] =	ssyncset.done $0x0  }
0x1a8: {  	s3 =	sadd.s32 $0x100, s31;
	[sflag:s12] =	ssyncadd.s32 $0xFFFFB000  }
0x1a9: {  	[tilespmem:s14], [sflag:$0x1] =	stream.indirect.gather [hbm4b:s4+s13], $0x20, s3, s13, $0xb8;
	[tilespmem:$0xE120] =	vst v63  }
0x1aa: {  	s3 =	sadd.s32 $0xE00, s31  }
0x1ab: {  	[tilespmem:s16], [sflag:$0x1] =	stream.indirect.gather [hbm4b:s4+s13], $0x20, s3, s13, $0xb8;
	[tilespmem:$0xE120] =	vst v63  }
0x1ac: {  	s3 =	sadd.s32 $0x1B00, s31  }
0x1ad: {  	[tilespmem:s18], [sflag:$0x1] =	stream.indirect.gather [hbm4b:s4+s13], $0x20, s3, s13, $0xb8;
	[tilespmem:$0xE120] =	vst v63  }
0x1ae: {  	s3 =	sadd.s32 $0x2800, s31  }
0x1af: {  	[tilespmem:s20], [sflag:$0x1] =	stream.indirect.gather [hbm4b:s4+s13], $0x20, s3, s13, $0xb8;
	[tilespmem:$0xE120] =	vst v63  }
0x1b0: {  	s3 =	sadd.s32 $0x3500, s31  }
0x1b1: {  	[tilespmem:s22], [sflag:$0x1] =	stream.indirect.gather [hbm4b:s4+s13], $0x20, s3, s13, $0xb8;
	[tilespmem:$0xE120] =	vst v63  }
0x1b2: {  	_ =	swait.ge [sflag:s19], $0x5000  }
0x1b3: {  	[sflag:s19] =	ssyncset.done $0x0  }
0x1b4: {  	[sflag:s19] =	ssyncadd.s32 $0xFFFFB000  }
0x1b5: {  	[hbm4b:s26+s15] =	stream.strided.scatter [tilespmem:s23], [sflag:$0x3], $0x5000, s17, s15, $0x38;
	[tilespmem:$0xE120] =	vst v63  }
0x1b6: {  	_ =	swait.ge [sflag:s12], $0x5000  }
0x1b7: {  	[sflag:s12] =	ssyncset.done $0x0  }
0x1b8: {  	s3 =	sadd.s32 $0x180, s31;
	[sflag:s12] =	ssyncadd.s32 $0xFFFFB000  }
0x1b9: {  	[tilespmem:s23], [sflag:$0x2] =	stream.indirect.gather [hbm4b:s4+s13], $0x20, s3, s13, $0xb8;
	[tilespmem:$0xE120] =	vst v63  }
0x1ba: {  	s3 =	sadd.s32 $0xE80, s31  }
0x1bb: {  	[tilespmem:s25], [sflag:$0x2] =	stream.indirect.gather [hbm4b:s4+s13], $0x20, s3, s13, $0xb8;
	[tilespmem:$0xE120] =	vst v63  }
.Ltmp1:
0x1bc: {  	s3 =	sadd.s32 $0x1B80, s31;
	(pc) =	sbr.rel @p0 .LBB2_4-.Ltmp1, $4  }
0x1bd: {  	[tilespmem:s28], [sflag:$0x2] =	stream.indirect.gather [hbm4b:s4+s13], $0x20, s3, s13, $0xb8;
	[tilespmem:$0xE120] =	vst v63  }
0x1be: {  	s3 =	sadd.s32 $0x2880, s31  }
0x1bf: {  	[tilespmem:s30], [sflag:$0x2] =	stream.indirect.gather [hbm4b:s4+s13], $0x20, s3, s13, $0xb8;
	[tilespmem:$0xE120] =	vst v63  }
0x1c0: {  	s29 =	sadd.s32 $0x8, s29;
	s26 =	sadd.s32 $0x8, s26;
	s31 =	sadd.s32 $0x3580, s31  }
0x1c1: {  	[tilespmem:s1], [sflag:$0x2] =	stream.indirect.gather [hbm4b:s4+s13], $0x20, s31, s13, $0xb8;
	[tilespmem:$0xE120] =	vst v63  }
0x1c2: {  	_ =	swait.ge [sflag:s0], $0x5000  }
0x1c3: {  	[sflag:s0] =	ssyncset.done $0x0  }
0x1c4: {  	[sflag:s0] =	ssyncadd.s32 $0xFFFFB000  }
0x1c5: {  	[hbm4b:s7+s15] =	stream.strided.scatter [tilespmem:s14], [sflag:$0x3], $0x5000, s17, s15, $0x38;
	[tilespmem:$0xE120] =	vst v63  }
0x1c6: {  	_ =	swait.ge [sflag:s12], $0x5000  }
0x1c7: {  	[sflag:s12] =	ssyncset.done $0x0  }
0x1c8: {  	[sflag:s12] =	ssyncadd.s32 $0xFFFFB000  }
0x1c9: {  	s21 =	sadd.s32 $0x1, s21;
	_ =	swait.ge [sflag:s19], $0x5000  }
0x1ca: {  	p0 =	sne.s32 s21, s6;
	[sflag:s19] =	ssyncset.done $0x0  }
.Ltmp2:
0x1cb: {  	[sflag:s19] =	ssyncadd.s32 $0xFFFFB000;
	(pc) =	sbr.rel @p0 .LBB2_1-.Ltmp2, $4  }
0x1cc: {  	[hbm4b:s8+s15] =	stream.strided.scatter [tilespmem:s23], [sflag:$0x3], $0x5000, s17, s15, $0x38;
	[tilespmem:$0xE120] =	vst v63  }
0x1cd: {  	_ =	swait.ge [sflag:s12], $0x5000  }
0x1ce: {  	[sflag:s12] =	ssyncset.done $0x0  }
0x1cf: {  	[sflag:s12] =	ssyncadd.s32 $0xFFFFB000  }
0x1d0: {  	_ =	sfence.sel $0x180000  }
0x1d1: {  	[bflag:$0x0] =	sbarrier.arrive $0xFFFF  }
0x1d2: {  	_ =	strace $0x90000047  }
0x1d3: {  	s0 =	stileid.u32;
	[bflag:$0x2] =	sbarrier.arrive $0xFFFF  }
0x1d4: {  	p0 =	sne.s32 s0, $0x0;
	s0 =	rddreg [dreg:$0x2]  }
0x1d5: {  	s0 =	sadd.s32 @!p0 $0x100000, s0  }
0x1d6: {  	[sflag:s0] =	ssyncadd.tile.s32 @!p0 $0x1;
	_ =	shalt  }
.Lfunc_end2:
_tile_overlayer_lowered:
.L_overlay_start_2:
0x1d7: {  	(tag) =	ssettag $0x2  }
0x1d8: {  	s0 =	rddreg [dreg:$0x0];
	s2 =	stileid.u32  }
0x1d9: {  	s1 =	rddreg [dreg:$0x1];
	p0 =	sne.s32 s2, $0x0  }
0x1da: {  	s3 =	rddreg [dreg:$0x2];
	[bflag:$0x3] =	sbarrier.arrive $0xFFFF;
	s2 =	simm.s32 @!p0 $0x1C03  }
0x1db: {  	[timem:s3], [sflag:s2] =	dma.local @!p0 [hbm:s0], s1  }
0x1dc: {  	s0 =	simm.s32 @!p0 $0x3  }
0x1dd: {  	_ =	swait.ge @!p0 [sflag:s0], s1  }
0x1de: {  	s1 =	ssub.s32 @!p0 $0x0, s1;
	[sflag:s0] =	ssyncset.done @!p0 $0x0  }
0x1df: {  	[sflag:s0] =	ssyncadd.s32 @!p0 s1  }
0x1e0: {  	[bflag:$0x3] =	sbarrier.arrive $0xFFFF  }
0x1e1: {  	_ =	shalt  }

// kernel: sparse-core-data-format-call.1.cloned.1.call-start
scs
called_computation.1_lowered:
.L_overlay_start_0:
0x0: {  	s2 =	sld [smem:$0x3FD9]  }
0x1: {  	s3 =	sld [smem:$0x3FFE];
	_ =	sdelay $0x1  }
0x2: {  	s1 =	srdreg.scid  }
0x3: {  	s0 =	sand.u32 $0x1, s1  }
0x4: {  	s18 =	sshll.u32 s0, $0xA;
	s2 =	sadd.s32 s3, s2  }
0x5: {  	s2 =	sadd.s32 s2, s18  }
0x6: {  	[smem:$0x3FAC] =	sst s2  }
0x7: {  	_ = 	snop  }
0x8: {  	s2 =	sld [smem:$0x3FD0];
	(tm) =	ssettm $0x1  }
0x9: {  	s19 =	sld [smem:$0x3FFB];
	_ =	sdelay $0x3  }
0xa: {  	_ =	strace s19  }
0xb: {  	s3 =	sld [smem:$0x3FFC];
	_ =	sdelay $0x3  }
0xc: {  	_ =	strace s3  }
0xd: {  	s3 =	sld [smem:$0x3FFD];
	_ =	sdelay $0x3  }
0xe: {  	_ =	strace s3  }
0xf: {  	_ =	strace $0x8FFFFFFF  }
0x10: {  	s20 =	sld [smem:$0x3FDB];
	_ =	sdelay $0x1  }
0x11: {  	s4 =	simm.s32 $_scs_section_size  }
0x12: {  	s5 =	simm.s32 $_size__tile_overlayer_lowered;
	s6 =	simm.s32 $_tile_overlayer_lowered  }
0x13: {  	s23 =	simm.s32 $0x1BFF;
	s22 =	sshll.u32 s6, $0x1;
	s3 =	sadd.s32 s4, s20  }
0x14: {  	s7 =	simm.s32 $0x0;
	s21 =	sshll.u32 s5, $0x1;
	s5 =	sadd.s32 s22, s3  }
0x15: {  	[timem:s7], [sflag:s23] =	dma.local [hbm:s5], s21  }
0x16: {  	_ =	swait.ge [sflag:s23], s21  }
0x17: {  	s4 =	ssub.s32 $0x0, s21;
	[sflag:s23] =	ssyncset.done $0x0  }
0x18: {  	[sflag:s23] =	ssyncadd.s32 s4;
	_ =	sdelay $0x1  }
0x19: {  	s24 =	simm.s32 $0x1B8B  }
0x1a: {  	_ =	swait.ge [sflag:s24], $0x1  }
0x1b: {  	[sflag:s24] =	ssyncset.done $0x0  }
0x1c: {  	s26 =	simm.s32 $0x1B8E;
	s25 =	sld [smem:$0x3FFE];
	[sflag:s24] =	ssyncadd.s32 $0xFFFFFFFF  }
0x1d: {  	s27 =	simm.s32 $execute0_lowered;
	[smem:$0x3FD2] =	sst s26  }
0x1e: {  	s5 =	sshll.u32 s27, $0x1;
	_ =	strace $0x80000049;
	[dreg:$0x1] =	wrdreg $0xFFFFFFFF  }
0x1f: {  	s28 =	simm.s32 $_size_execute0_lowered;
	s3 =	sadd.s32 s3, s5;
	[dreg:$0x0] =	wrdreg $0x0  }
0x20: {  	s5 =	sshll.u32 s28, $0x1;
	[dreg:$0x2] =	wrdreg s3  }
0x21: {  	[dreg:$0x3] =	wrdreg s5  }
0x22: {  	[dreg:$0x4] =	wrdreg $0xC0  }
0x23: {  	_ =	task [dreg:s7], $0x5FFFF  }
0x24: {  	[dreg:$0x1] =	wrdreg $0xFFFFFFFF  }
0x25: {  	[dreg:$0x0] =	wrdreg $0x60  }
0x26: {  	[dreg:$0x2] =	wrdreg s25  }
0x27: {  	[dreg:$0x3] =	wrdreg s2  }
0x28: {  	[dreg:$0x4] =	wrdreg $0x9  }
0x29: {  	_ =	task.clear_ibuf [dreg:s7], $0x5FFFF;
	_ =	strace $0x90000049  }
0x2a: {  	s29 =	simm.s32 $0x9;
	_ =	strace $0x8000004B  }
0x2b: {  	_ =	swait.ge [sflag:s29], $0x1  }
0x2c: {  	[sflag:s29] =	ssyncadd.s32 $0xFFFFFFFF  }
0x2d: {  	_ =	strace $0x9000004B  }
0x2e: {  	_ =	sfence  }
0x2f: {  	s30 =	sld [smem:$0x0];
	_ =	sdelay $0x2  }
0x30: {  	s31 =	sshll.u32 s1, $0xD;
	s1 =	sshrl.u32 s1, $0x2  }
0x31: {  	s3 =	sand.u32 $0x4000, s31;
	s1 =	sadd.s32 s1, s30  }
0x32: {  	s0 =	sor.u32 s3, s0;
	s1 =	sshll.u32 s1, $0x11  }
0x33: {  	s0 =	sor.u32 s1, s0  }
0x34: {  	s0 =	sadd.s32 $0x8F2B, s0  }
0x35: {  	[sflag:s0] =	ssyncadd.remote.s32 $0x1  }
0x36: {  	_ =	sfence.sel $0xFFFF  }
0x37: {  	[dreg:$0x0] =	wrdreg $0xFFFFFFFF;
	(pc) =	sbr.abs _section_cstart, $3  }
0x38: {  	[dreg:$0x1] =	wrdreg $0xFFFFFFFF  }
0x39: {  	_ =	task.clear_ibuf [dreg:s7], $0x2FFFF;
	_ =	strace $0x9FFFFFFF  }
0x3a: {  	(tm) =	ssettm $0x7FFFFFFF  }
0x3b: {  	_ =	shalt  }
tec
execute0_lowered:
.L_overlay_start_1:
0x0: {  	(tag) =	ssettag $0x1  }
0x1: {  	s0 =	srdreg.scid  }
0x2: {  	s1 =	sshll.u32 s0, $0x4  }
0x3: {  	s6 =	rddreg [dreg:$0x0];
	s0 =	stileid.u32;
	s1 =	sand.u32 $0x10, s1  }
0x4: {  	s3 =	rddreg [dreg:$0x1];
	s1 =	sor.u32 s0, s1  }
0x5: {  	s5 =	simm.s32 $0x1;
	s31 =	simm.s32 $0x2;
	s2 =	sshll.u32 s1, $0x7  }
0x6: {  	s15 =	simm.s32 $0x0;
	s8 =	simm.s32 $0x28000;
	s4 =	ssub.s32 $0x5000, s2  }
0x7: {  	s14 =	simm.s32 $0x0;
	s9 =	simm.s32 $0x0;
	s30 =	sand.u32 $0xF80, s4  }
0x8: {  	s10 =	simm.s32 $0x0;
	s11 =	simm.s32 $0x0;
	p0 =	sne.s32 s30, $0x0  }
.Ltmp0:
0x9: {  	s7 =	sshrl.u32 s4, $0xC;
	s5 =	simm.s32 @!p0 $0x0;
	(pc) =	sbr.rel .LBB1_1-.Ltmp0, $4  }
0xa: {  	s13 =	simm.s32 $0x0;
	s1 =	rddreg [dreg:$0x2];
	s5 =	sadd.s32 s5, s7  }
0xb: {  	_ =	strace $0x8000004A;
	s4 =	simm.s32 $0x1;
	s5 =	smul.u32 $0x7, s5  }
0xc: {  	s6 =	sadd.s32 $0x2800, s6;
	s12 =	smov.u32 s2;
	[sflag:s4] =	ssyncpa.u1 $0x0  }
0xd: {  	[sflag:s31] =	ssyncpa.u1 $0x0;
	p0 =	por $0x0, $0x0;
	s7 =	sadd.s32 $0x1, s5  }
.LBB1_4:
0xe: {  	s21 =	sshrl.u32 s9, $0x3;
	s22 =	sshll.u32 s10, $0x3;
	s23 =	sshll.u32 s9, $0x7  }
0xf: {  	s24 =	sand.u32 $0x7F, s10;
	s20 =	sshra.s32 s20, $0x2;
	p1 =	sgt.s32 s9, $0x2C0  }
0x10: {  	s27 =	sshra.s32 s9, $0x1F;
	s21 =	smul.u32 $0x28000, s21;
	s22 =	sand.u32 $0xFFFFFC00, s22  }
0x11: {  	s23 =	sand.u32 $0x380, s23;
	s19 =	sadd.s32 s20, s19;
	s20 =	smov.u32 s9  }
0x12: {  	s25 =	sor.u32 s24, s23;
	s20 =	simm.s32 @!p1 $0x2C0;
	s21 =	sadd.s32 s22, s21  }
0x13: {  	v5 =	vld [tilespmem:s17+$0xFFFFFFD0];
	[tilespmem:s18+$0x2040 ss:$0x81] =	vst.msk $0xffff, v4;
	s24 =	sand.u32 s27, s9;
	s22 =	sor.u32 s21, s25;
	s21 =	smulhi.u32 $0xCCCCCCCD, s21  }
0x14: {  	v58 =	vld [tilespmem:s17+$0xFFFFFFE0];
	[tilespmem:s18+$0x2850 ss:$0x81] =	vst.msk $0xffff, v3;
	p1 =	sgt.s32 s10, $0x4F80;
	s20 =	ssub.s32 s20, s24;
	s26 =	smulhi.u32 $0xCCCCCCCD, s22  }
0x15: {  	v59 =	vld [tilespmem:s17+$0xFFFFFFF0];
	[tilespmem:s18+$0x3060 ss:$0x81] =	vst.msk $0xffff, v2;
	s25 =	smov.u32 s10;
	s31 =	sadd.s32 $0xFFFFFD40, s20;
	s28 =	sshrl.u32 s21, $0xE  }
0x16: {  	v60 =	vld [tilespmem:s17+$0x0];
	[tilespmem:s18+$0x0 ss:$0x81] =	vst.msk $0xffff, v0;
	s23 =	sshrl.u32 s26, $0xE;
	s26 =	sshra.s32 s10, $0x1F;
	s30 =	smulhi.u32 $0x4EC4ED, s28  }
0x17: {  	v61 =	vld [tilespmem:s17+$0x10];
	[tilespmem:s19+$0x3870 ss:$0x81] =	vst.msk $0xffff, v1;
	s20 =	ssub.s32 $0x340, s20;
	s25 =	simm.s32 @!p1 $0x4F80;
	s26 =	sand.u32 s26, s10  }
0x18: {  	v62 =	vld [tilespmem:s17+$0x20];
	p1 =	sgt.s32 s31, $0x7F;
	[tilespmem:s19+$0x810 ss:$0x81] =	vst.msk $0xffff, v5;
	s29 =	ssub.s32 s25, s26;
	s27 =	smul.u32 $0x340, s30  }
0x19: {  	v63 =	vld [tilespmem:s17+$0xFFFFFFC0];
	[tilespmem:s19+$0x1020 ss:$0x81] =	vst.msk $0xffff, v58;
	s20 =	simm.s32 @p1 $0x0;
	s23 =	smul.u32 $0x5000, s23;
	s26 =	sadd.s32 $0xFFFFB080, s29  }
0x1a: {  	[tilespmem:s19+$0x1830 ss:$0x81] =	vst.msk $0xffff, v59;
	s21 =	ssub.s32 $0x5000, s29;
	p2 =	sgt.s32 s26, $0x7F;
	s17 =	ssub.s32 s28, s27  }
0x1b: {  	[tilespmem:s19+$0x2040 ss:$0x81] =	vst.msk $0xffff, v60;
	s22 =	ssub.s32 s22, s23;
	s21 =	simm.s32 @p2 $0x0;
	s17 =	smul.u32 $0xA00, s17  }
0x1c: {  	[tilespmem:s19+$0x2850 ss:$0x81] =	vst.msk $0xffff, v61;
	s29 =	sshrl.u32 s22, $0x3;
	s30 =	sand.u32 $0x7, s22;
	s28 =	smul.u32 s21, s20  }
0x1d: {  	[tilespmem:s19+$0x3060 ss:$0x81] =	vst.msk $0xffff, v62;
	s20 =	sadd.s32 s3, s29;
	s21 =	sshll.u32 s30, $0x12  }
0x1e: {  	[tilespmem:s19+$0x0 ss:$0x81] =	vst.msk $0xffff, v63;
	s17 =	sadd.s32 s17, s20;
	s31 =	sor.u32 $0x400, s21;
	s18 =	sand.u32 $0x3FFFFFFF, s28  }
0x1f: {  	[hbm4b:s17+s31] =	stream.strided.scatter [tilespmem:s16], [sflag:$0x2], s18, s8, s31, $0x20;
	[tilespmem:$0x10100] =	vst v63  }
.LBB1_5:
0x20: {  	p1 =	slt.u32 s13, $0x2  }
0x21: {  	s17 =	smov.u32 s15;
	p2 =	sgt.s32 @!p1 s15, $0x2C0;
	s16 =	sshra.s32 @!p1 s15, $0x1F  }
0x22: {  	p3 =	sgt.s32 @!p1 s14, $0x4F80;
	s18 =	sshra.s32 @!p1 s14, $0x1F;
	p2 =	por !p2, p1  }
0x23: {  	s15 =	sand.u32 @!p1 s16, s15;
	p3 =	por !p3, p1;
	s16 =	smov.u32 s14  }
0x24: {  	s14 =	sand.u32 @!p1 s18, s14;
	s17 =	simm.s32 @p2 $0x2C0;
	s16 =	simm.s32 @p3 $0x4F80  }
0x25: {  	s15 =	ssub.s32 @!p1 s17, s15;
	s14 =	ssub.s32 @!p1 s16, s14  }
0x26: {  	s18 =	smov.u32 s12;
	s16 =	sadd.s32 @!p1 $0xFFFFFD40, s15;
	s17 =	sadd.s32 @!p1 $0xFFFFB080, s14  }
0x27: {  	s15 =	ssub.s32 @!p1 $0x340, s15;
	p2 =	sgt.s32 @!p1 s16, $0x7F;
	p3 =	sgt.s32 @!p1 s17, $0x7F  }
0x28: {  	s14 =	ssub.s32 @!p1 $0x5000, s14;
	p2 =	por !p2, p1;
	p3 =	por !p3, p1  }
0x29: {  	s16 =	sadd.s32 $0x80, s11;
	s15 =	simm.s32 @!p2 $0x0;
	s14 =	simm.s32 @!p3 $0x0  }
0x2a: {  	p2 =	sgt.s32 s16, $0x33F;
	s14 =	smul.u32 @!p1 s14, s15;
	s15 =	sadd.s32 $0x1000, s12  }
0x2b: {  	s18 =	smov.u32 @p2 s15  }
0x2c: {  	s16 =	simm.s32 @p2 $0x0;
	p2 =	sgt.s32 s18, $0x4FFF  }
0x2d: {  	s18 =	smov.u32 @p2 s2;
	p2 =	sne.s32 s13, s7  }
.Ltmp1:
0x2e: {  	p0 =	por !p0, !p0;
	s17 =	simm.s32 @!p1 $0x2;
	(pc) =	sbr.rel @!p2 .LBB1_6-.Ltmp1, $4  }
0x2f: {  	s15 =	smov.u32 s9;
	s9 =	smov.u32 s11;
	s14 =	sand.u32 @!p1 $0x3FFFFFFF, s14  }
0x30: {  	s11 =	smov.u32 s16;
	_ =	swait.ge @!p1 [sflag:s17], s14;
	s19 =	ssub.s32 @!p1 $0x0, s14  }
0x31: {  	s14 =	smov.u32 s10;
	s13 =	sadd.s32 $0x1, s13;
	[sflag:s17] =	ssyncset.done @!p1 $0x0  }
0x32: {  	s10 =	smov.u32 s12;
	s12 =	smov.u32 s18;
	[sflag:s17] =	ssyncadd.s32 @!p1 s19  }
.LBB1_1:
0x33: {  	p1 =	sge.u32 s13, s5  }
0x34: {  	s16 =	sshrl.u32 @!p1 s12, $0x3  }
0x35: {  	s17 =	sshll.u32 @!p1 s11, $0x3;
	s16 =	smul.u32 @!p1 $0x1C00, s16  }
0x36: {  	s18 =	sshll.u32 @!p1 s12, $0x7;
	s17 =	sand.u32 @!p1 $0xFFFFFC00, s17  }
0x37: {  	s16 =	sadd.s32 @!p1 s16, s17;
	s17 =	sand.u32 @!p1 $0x380, s18  }
0x38: {  	s16 =	sor.u32 @!p1 s17, s16  }
0x39: {  	s17 =	sshrl.u32 @!p1 s16, $0x7  }
0x3a: {  	s17 =	smulhi.u32 @!p1 $0x24924925, s17;
	_ =	sdelay $0x1  }
0x3b: {  	s18 =	smulhi.u32 @!p1 $0x666667, s17;
	_ =	sdelay $0x1  }
0x3c: {  	s19 =	smul.u32 @!p1 $0x380, s17;
	s18 =	sshrl.u32 @!p1 s18, $0x5  }
0x3d: {  	s20 =	sand.u32 @!p1 $0x7F, s11;
	s18 =	smul.u32 @!p1 $0x5000, s18  }
0x3e: {  	s31 =	sadd.s32 $0xFFFFFFFF, s13;
	s16 =	sor.u32 @!p1 s20, s16;
	s20 =	sxor.u32 @!p1 $0xFFFFFFFF, s13  }
0x3f: {  	s16 =	ssub.s32 @!p1 s16, s19;
	s19 =	sshll.u32 @!p1 s20, $0xE;
	s17 =	ssub.s32 @!p1 s17, s18  }
0x40: {  	s18 =	sshrl.u32 @!p1 s16, $0x3;
	s16 =	sand.u32 @!p1 $0x7, s16;
	s17 =	smul.u32 @!p1 $0x70, s17  }
0x41: {  	s19 =	sand.u32 @!p1 $0x4000, s19;
	s18 =	sadd.s32 @!p1 s6, s18;
	s16 =	sshll.u32 @!p1 s16, $0x12  }
0x42: {  	s16 =	sor.u32 @!p1 $0x400, s16;
	s17 =	sadd.s32 @!p1 s17, s18;
	s18 =	simm.s32 @!p1 $0x1C00  }
0x43: {  	[tilespmem:s19], [sflag:$0x1] =	stream.strided.gather @!p1 [hbm4b:s17+s16], $0x4000, s18, s16, $0x38;
	[tilespmem:$0x10100] =	vst v63  }
0x44: {  	p1 =	sge.u32 s31, s5  }
.Ltmp2:
0x45: {  	_ = 	snop;
	(pc) =	sbr.rel @p1 .LBB1_5-.Ltmp2, $1  }
0x46: {  	_ =	sdelay $0x3  }
0x47: {  	s16 =	simm.s32 $0x1  }
0x48: {  	_ =	swait.ge [sflag:s4], $0x4000;
	s16 =	simm.s32 @!p0 $0x0  }
0x49: {  	[sflag:s4] =	ssyncset.done $0x0;
	s17 =	sshll.u32 s16, $0xE  }
0x4a: {  	[sflag:s4] =	ssyncadd.s32 $0xFFFFC000;
	s17 =	sor.u32 $0x40, s17  }
0x4b: {  	s16 =	smul.u32 $0x10200, s16;
	v0 =	vld [tilespmem:s17+$0x30]  }
0x4c: {  	v1 =	vld [tilespmem:s17+$0xFFFFFFD0]  }
0x4d: {  	s16 =	sshrl.u32 s16, $0x2;
	v5 =	vld [tilespmem:s17+$0xFFFFFFE0]  }
0x4e: {  	v6 =	vld [tilespmem:s17+$0xFFFFFFF0];
	s19 =	sor.u32 $0x8000, s16  }
0x4f: {  	s31 =	sand.u32 $0x1, s13;
	v4 =	vld [tilespmem:s17+$0x0];
	s18 =	sadd.s32 $0x0, s19  }
0x50: {  	v3 =	vld [tilespmem:s17+$0x10];
	s16 =	smul.u32 $0x10200, s31;
	[tilespmem:s18+$0x3870 ss:$0x81] =	vst.msk $0xffff, v0  }
0x51: {  	v2 =	vld [tilespmem:s17+$0x20];
	[tilespmem:s18+$0x810 ss:$0x81] =	vst.msk $0xffff, v1  }
0x52: {  	s16 =	sshrl.u32 s16, $0x2;
	v0 =	vld [tilespmem:s17+$0xFFFFFFC0];
	[tilespmem:s18+$0x1020 ss:$0x81] =	vst.msk $0xffff, v5;
	s17 =	sadd.s32 $0x80, s17  }
0x53: {  	s20 =	simm.s32 $0x4;
	s21 =	simm.s32 $0x8;
	s16 =	sor.u32 $0x8000, s16;
	[tilespmem:s18+$0x1830 ss:$0x81] =	vst.msk $0xffff, v6;
	v1 =	vld [tilespmem:s17+$0x30]  }
.LBB1_3:
0x54: {  	p1 =	sne.s32 s21, $0x1FC;
	v5 =	vld [tilespmem:s17+$0xFFFFFFD0];
	[tilespmem:s18+$0x2040 ss:$0x81] =	vst.msk $0xffff, v4  }
0x55: {  	v6 =	vld [tilespmem:s17+$0xFFFFFFE0];
	[tilespmem:s18+$0x2850 ss:$0x81] =	vst.msk $0xffff, v3  }
0x56: {  	s22 =	sshra.s32 s20, $0x2;
	s20 =	smov.u32 s21;
	v7 =	vld [tilespmem:s17+$0xFFFFFFF0];
	[tilespmem:s18+$0x3060 ss:$0x81] =	vst.msk $0xffff, v2  }
.Ltmp3:
0x57: {  	v4 =	vld [tilespmem:s17+$0x0];
	[tilespmem:s18+$0x0 ss:$0x81] =	vst.msk $0xffff, v0;
	s18 =	sadd.s32 s22, s19;
	(pc) =	sbr.rel @p1 .LBB1_3-.Ltmp3, $4  }
0x58: {  	v3 =	vld [tilespmem:s17+$0x10];
	[tilespmem:s18+$0x3870 ss:$0x81] =	vst.msk $0xffff, v1  }
0x59: {  	[tilespmem:s18+$0x810 ss:$0x81] =	vst.msk $0xffff, v5;
	v2 =	vld [tilespmem:s17+$0x20]  }
0x5a: {  	v0 =	vld [tilespmem:s17+$0xFFFFFFC0];
	[tilespmem:s18+$0x1020 ss:$0x81] =	vst.msk $0xffff, v6;
	s17 =	sadd.s32 $0x80, s17  }
0x5b: {  	s21 =	sadd.s32 $0x4, s21;
	v1 =	vld [tilespmem:s17+$0x30];
	[tilespmem:s18+$0x1830 ss:$0x81] =	vst.msk $0xffff, v7  }
.Ltmp4:
0x5c: {  	_ = 	snop;
	(pc) =	sbr.rel .LBB1_4-.Ltmp4, $1  }
0x5d: {  	_ =	sdelay $0x3  }
.LBB1_6:
0x5e: {  	_ =	sfence.sel $0x180000  }
0x5f: {  	s2 =	simm.s32 $0x1;
	[bflag:$0x0] =	sbarrier.arrive $0xFFFF  }
0x60: {  	s31 =	simm.s32 $0x2;
	[sflag:s2] =	ssyncpa.u1 $0x1  }
0x61: {  	[sflag:s31] =	ssyncpa.u1 $0x1  }
0x62: {  	p0 =	sne.s32 s0, $0x0;
	_ =	strace $0x9000004A  }
0x63: {  	s0 =	sadd.s32 @!p0 $0x100000, s1;
	[bflag:$0x2] =	sbarrier.arrive $0xFFFF  }
0x64: {  	[sflag:s0] =	ssyncadd.tile.s32 @!p0 $0x1;
	_ =	shalt  }
.Lfunc_end1:
_tile_overlayer_lowered:
.L_overlay_start_2:
0x65: {  	(tag) =	ssettag $0x2  }
0x66: {  	s0 =	rddreg [dreg:$0x0];
	s2 =	stileid.u32  }
0x67: {  	s1 =	rddreg [dreg:$0x1];
	p0 =	sne.s32 s2, $0x0  }
0x68: {  	s3 =	rddreg [dreg:$0x2];
	[bflag:$0x3] =	sbarrier.arrive $0xFFFF;
	s2 =	simm.s32 @!p0 $0x1C01  }
0x69: {  	[timem:s3], [sflag:s2] =	dma.local @!p0 [hbm:s0], s1  }
0x6a: {  	s0 =	simm.s32 @!p0 $0x1  }
0x6b: {  	_ =	swait.ge @!p0 [sflag:s0], s1  }
0x6c: {  	s1 =	ssub.s32 @!p0 $0x0, s1;
	[sflag:s0] =	ssyncset.done @!p0 $0x0  }
0x6d: {  	[sflag:s0] =	ssyncadd.s32 @!p0 s1  }
0x6e: {  	[bflag:$0x3] =	sbarrier.arrive $0xFFFF  }
0x6f: {  	_ =	shalt  }

// kernel: sparse-core-data-format-call.cloned.1.call-start
scs
called_computation_lowered:
.L_overlay_start_0:
0x0: {  	s2 =	sld [smem:$0x3FD9]  }
0x1: {  	s3 =	sld [smem:$0x3FFE];
	_ =	sdelay $0x1  }
0x2: {  	s1 =	srdreg.scid  }
0x3: {  	s0 =	sand.u32 $0x1, s1  }
0x4: {  	s18 =	sshll.u32 s0, $0xA;
	s2 =	sadd.s32 s3, s2  }
0x5: {  	s2 =	sadd.s32 s2, s18  }
0x6: {  	[smem:$0x3FAC] =	sst s2  }
0x7: {  	_ = 	snop  }
0x8: {  	s2 =	sld [smem:$0x3FD0];
	(tm) =	ssettm $0x1  }
0x9: {  	s19 =	sld [smem:$0x3FFB];
	_ =	sdelay $0x3  }
0xa: {  	_ =	strace s19  }
0xb: {  	s3 =	sld [smem:$0x3FFC];
	_ =	sdelay $0x3  }
0xc: {  	_ =	strace s3  }
0xd: {  	s3 =	sld [smem:$0x3FFD];
	_ =	sdelay $0x3  }
0xe: {  	_ =	strace s3  }
0xf: {  	_ =	strace $0x8FFFFFFF  }
0x10: {  	s20 =	sld [smem:$0x3FDB];
	_ =	sdelay $0x1  }
0x11: {  	s4 =	simm.s32 $_scs_section_size  }
0x12: {  	s5 =	simm.s32 $_size__tile_overlayer_lowered;
	s6 =	simm.s32 $_tile_overlayer_lowered  }
0x13: {  	s23 =	simm.s32 $0x1BFF;
	s22 =	sshll.u32 s6, $0x1;
	s3 =	sadd.s32 s4, s20  }
0x14: {  	s7 =	simm.s32 $0x0;
	s21 =	sshll.u32 s5, $0x1;
	s5 =	sadd.s32 s22, s3  }
0x15: {  	[timem:s7], [sflag:s23] =	dma.local [hbm:s5], s21  }
0x16: {  	_ =	swait.ge [sflag:s23], s21  }
0x17: {  	s4 =	ssub.s32 $0x0, s21;
	[sflag:s23] =	ssyncset.done $0x0  }
0x18: {  	[sflag:s23] =	ssyncadd.s32 s4;
	_ =	sdelay $0x1  }
0x19: {  	s24 =	simm.s32 $0x1B8B  }
0x1a: {  	_ =	swait.ge [sflag:s24], $0x1  }
0x1b: {  	[sflag:s24] =	ssyncset.done $0x0  }
0x1c: {  	s26 =	simm.s32 $0x1B8E;
	s25 =	sld [smem:$0x3FFE];
	[sflag:s24] =	ssyncadd.s32 $0xFFFFFFFF  }
0x1d: {  	s27 =	simm.s32 $execute0_lowered;
	[smem:$0x3FD2] =	sst s26  }
0x1e: {  	s5 =	sshll.u32 s27, $0x1;
	_ =	strace $0x8000004C;
	[dreg:$0x1] =	wrdreg $0xFFFFFFFF  }
0x1f: {  	s28 =	simm.s32 $_size_execute0_lowered;
	s3 =	sadd.s32 s3, s5;
	[dreg:$0x0] =	wrdreg $0x0  }
0x20: {  	s5 =	sshll.u32 s28, $0x1;
	[dreg:$0x2] =	wrdreg s3  }
0x21: {  	[dreg:$0x3] =	wrdreg s5  }
0x22: {  	[dreg:$0x4] =	wrdreg $0xC0  }
0x23: {  	_ =	task [dreg:s7], $0x5FFFF  }
0x24: {  	[dreg:$0x1] =	wrdreg $0xFFFFFFFF  }
0x25: {  	[dreg:$0x0] =	wrdreg $0x60  }
0x26: {  	[dreg:$0x2] =	wrdreg s25  }
0x27: {  	[dreg:$0x3] =	wrdreg s2  }
0x28: {  	[dreg:$0x4] =	wrdreg $0x9  }
0x29: {  	_ =	task.clear_ibuf [dreg:s7], $0x5FFFF;
	_ =	strace $0x9000004C  }
0x2a: {  	s29 =	simm.s32 $0x9;
	_ =	strace $0x8000004E  }
0x2b: {  	_ =	swait.ge [sflag:s29], $0x1  }
0x2c: {  	[sflag:s29] =	ssyncadd.s32 $0xFFFFFFFF  }
0x2d: {  	_ =	strace $0x9000004E  }
0x2e: {  	_ =	sfence  }
0x2f: {  	s30 =	sld [smem:$0x0];
	_ =	sdelay $0x2  }
0x30: {  	s31 =	sshll.u32 s1, $0xD;
	s1 =	sshrl.u32 s1, $0x2  }
0x31: {  	s3 =	sand.u32 $0x4000, s31;
	s1 =	sadd.s32 s1, s30  }
0x32: {  	s0 =	sor.u32 s3, s0;
	s1 =	sshll.u32 s1, $0x11  }
0x33: {  	s0 =	sor.u32 s1, s0  }
0x34: {  	s0 =	sadd.s32 $0x8F2B, s0  }
0x35: {  	[sflag:s0] =	ssyncadd.remote.s32 $0x1  }
0x36: {  	_ =	sfence.sel $0xFFFF  }
0x37: {  	[dreg:$0x0] =	wrdreg $0xFFFFFFFF;
	(pc) =	sbr.abs _section_cstart, $3  }
0x38: {  	[dreg:$0x1] =	wrdreg $0xFFFFFFFF  }
0x39: {  	_ =	task.clear_ibuf [dreg:s7], $0x2FFFF;
	_ =	strace $0x9FFFFFFF  }
0x3a: {  	(tm) =	ssettm $0x7FFFFFFF  }
0x3b: {  	_ =	shalt  }
tec
execute0_lowered:
.L_overlay_start_1:
0x0: {  	(tag) =	ssettag $0x1  }
0x1: {  	s0 =	srdreg.scid  }
0x2: {  	s1 =	stileid.u32;
	s3 =	rddreg [dreg:$0x0];
	_ =	strace $0x8000004D  }
0x3: {  	s5 =	simm.s32 $0x1;
	s31 =	simm.s32 $0x2;
	s0 =	sshll.u32 s0, $0x4  }
0x4: {  	s21 =	simm.s32 $0x0;
	s12 =	simm.s32 $0x0;
	s0 =	sand.u32 $0x10, s0  }
0x5: {  	s20 =	simm.s32 $0x0;
	s22 =	simm.s32 $0x0;
	s0 =	sor.u32 s1, s0  }
0x6: {  	s23 =	simm.s32 $0x0;
	s1 =	sshll.u32 s1, $0x3;
	s2 =	sshll.u32 s0, $0x5  }
0x7: {  	s13 =	simm.s32 $0x0;
	s10 =	sand.u32 $0x18, s1;
	s8 =	sand.u32 $0x380, s2  }
0x8: {  	s14 =	simm.s32 $0x0;
	s1 =	ssub.s32 $0x30, s10;
	s2 =	ssub.s32 $0x400, s8  }
0x9: {  	s15 =	simm.s32 $0x0;
	s1 =	sshrl.u32 s1, $0x5;
	s4 =	sand.u32 $0x380, s2  }
0xa: {  	s1 =	smul.u32 $0x14, s1;
	p0 =	sne.s32 s4, $0x0;
	s4 =	simm.s32 $0x1  }
0xb: {  	s16 =	simm.s32 $0x0;
	s2 =	sshrl.u32 s2, $0xA;
	s4 =	simm.s32 @!p0 $0x0  }
.Ltmp0:
0xc: {  	s1 =	sadd.s32 $0x14, s1;
	s2 =	sadd.s32 s4, s2;
	(pc) =	sbr.rel .LBB1_1-.Ltmp0, $4  }
0xd: {  	s17 =	simm.s32 $0x0;
	s9 =	sadd.s32 $0x2800, s3;
	s6 =	smul.u32 s1, s2  }
0xe: {  	s19 =	simm.s32 $0x0;
	[dreg:$0x3] =	wrdreg s9;
	s11 =	sshll.u32 s0, $0x8  }
0xf: {  	[sflag:s5] =	ssyncpa.u1 $0x0;
	[dreg:$0x4] =	wrdreg s11;
	s24 =	sor.u32 $0x1, s6  }
0x10: {  	[sflag:s31] =	ssyncpa.u1 $0x0;
	s18 =	smov.u32 s10;
	[dreg:$0x5] =	wrdreg s24  }
.LBB1_11:
0x11: {  	p0 =	sgt.s32 s13, $0x13;
	s0 =	smov.u32 s13  }
0x12: {  	s27 =	smul.u32 $0x1A000, s13;
	s2 =	sshll.u32 s15, $0xB;
	s3 =	sshll.u32 s14, $0x7  }
0x13: {  	s4 =	rddreg [dreg:$0x1];
	s28 =	sshll.u32 s14, $0x4;
	s29 =	sshll.u32 s19, $0xE  }
0x14: {  	s30 =	simm.s32 $0x400;
	s10 =	smov.u32 s8;
	s0 =	simm.s32 @!p0 $0x13  }
0x15: {  	s8 =	smov.u32 s9;
	s9 =	rddreg [dreg:$0x3];
	s0 =	sadd.s32 s24, s0  }
0x16: {  	s31 =	simm.s32 $0x2000;
	s11 =	rddreg [dreg:$0x4];
	s1 =	sadd.s32 $0xFFFFFFED, s0  }
0x17: {  	s2 =	sadd.s32 s4, s2;
	s0 =	ssub.s32 $0x14, s0;
	p0 =	sgt.s32 s1, $0x0  }
0x18: {  	s3 =	sand.u32 $0x400, s3;
	s4 =	sand.u32 $0x70, s28;
	s0 =	simm.s32 @p0 $0x0  }
0x19: {  	s3 =	sor.u32 s23, s3;
	s1 =	sadd.s32 s27, s2;
	s0 =	smul.u32 s0, s25  }
0x1a: {  	s24 =	rddreg [dreg:$0x5];
	s2 =	sand.u32 $0x4000, s29;
	s1 =	sadd.s32 s4, s1  }
0x1b: {  	s2 =	sor.u32 $0x8000, s2;
	s1 =	sadd.s32 s3, s1;
	s0 =	sand.u32 $0x3FFFFF80, s0  }
0x1c: {  	[hbm4b:s1+s30] =	stream.strided.scatter [tilespmem:s2], [sflag:$0x2], s0, s31, s30, $0x38;
	[tilespmem:$0x10000] =	vst v63  }
.LBB1_12:
0x1d: {  	p0 =	slt.u32 s19, $0x2;
	s0 =	smov.u32 s22  }
0x1e: {  	s2 =	smov.u32 s21;
	p1 =	sgt.s32 @!p0 s21, $0x13;
	p2 =	sgt.s32 @!p0 s22, $0x2C  }
0x1f: {  	s1 =	sshra.s32 @!p0 s22, $0x1F;
	s3 =	sshra.s32 @!p0 s21, $0x1F;
	p2 =	por !p2, p0  }
0x20: {  	p1 =	por !p1, p0;
	s1 =	sand.u32 @!p0 s1, s22;
	s0 =	simm.s32 @p2 $0x2C  }
0x21: {  	s3 =	sand.u32 @!p0 s3, s21;
	s2 =	simm.s32 @p1 $0x13;
	s0 =	ssub.s32 @!p0 s0, s1  }
0x22: {  	s1 =	ssub.s32 @!p0 s2, s3;
	s2 =	ssub.s32 @!p0 $0x0, s20;
	s0 =	sadd.s32 @!p0 $0xFFFFFFD4, s0  }
0x23: {  	s3 =	sadd.s32 @!p0 $0xFFFFFFED, s1;
	s2 =	smin.u32 @!p0 s20, s2;
	p1 =	sgt.s32 @!p0 s0, $0x7  }
0x24: {  	p2 =	sgt.s32 @!p0 s2, $0xF;
	s2 =	ssub.s32 @!p0 $0x10, s2;
	s0 =	sshll.u32 @!p0 s0, $0x7  }
0x25: {  	p2 =	por !p2, p0;
	s0 =	ssub.s32 @!p0 $0x400, s0;
	p1 =	por !p1, p0  }
0x26: {  	s2 =	simm.s32 @!p2 $0x0;
	p2 =	sgt.s32 @!p0 s3, $0x0;
	s0 =	simm.s32 @!p1 $0x0  }
0x27: {  	s1 =	ssub.s32 @!p0 $0x14, s1;
	p1 =	por !p2, p0;
	s0 =	smul.u32 @!p0 s2, s0  }
0x28: {  	s1 =	simm.s32 @!p1 $0x0  }
0x29: {  	s0 =	smul.u32 @!p0 s1, s0;
	s1 =	sadd.s32 $0x1, s16  }
0x2a: {  	s3 =	smov.u32 s17;
	s2 =	sadd.s32 $0x10, s17;
	p1 =	sgt.s32 s1, $0x13  }
0x2b: {  	s5 =	smov.u32 s18;
	s3 =	smov.u32 @p1 s2  }
0x2c: {  	s12 =	sadd.s32 $0x4000, s12;
	s2 =	sadd.s32 $0x20, s18;
	p2 =	sgt.s32 s3, $0xF  }
0x2d: {  	s23 =	smov.u32 s8;
	s4 =	simm.s32 @!p0 $0x2;
	s5 =	smov.u32 @p2 s2  }
0x2e: {  	s21 =	smov.u32 s13;
	s1 =	simm.s32 @p1 $0x0;
	p1 =	sgt.s32 s5, $0x33  }
0x2f: {  	s22 =	smov.u32 s15;
	s5 =	smov.u32 @p1 s10;
	p1 =	sne.s32 s19, s24  }
.Ltmp1:
0x30: {  	s13 =	smov.u32 s16;
	s0 =	sand.u32 @!p0 $0x3FFFFF80, s0;
	(pc) =	sbr.rel @!p1 .LBB1_13-.Ltmp1, $4  }
0x31: {  	s15 =	smov.u32 s18;
	s20 =	smov.u32 s14;
	_ =	swait.ge @!p0 [sflag:s4], s0  }
0x32: {  	s14 =	smov.u32 s17;
	s0 =	ssub.s32 @!p0 $0x0, s0;
	[sflag:s4] =	ssyncset.done @!p0 $0x0  }
0x33: {  	s16 =	smov.u32 s1;
	s3 =	simm.s32 @p2 $0x0;
	[sflag:s4] =	ssyncadd.s32 @!p0 s0  }
0x34: {  	s17 =	smov.u32 s3;
	s19 =	sadd.s32 $0x1, s19;
	s18 =	smov.u32 s5  }
.LBB1_1:
0x35: {  	p0 =	sge.u32 s19, s6;
	s1 =	smov.u32 s18;
	s5 =	smov.u32 s16  }
0x36: {  	s31 =	sadd.s32 $0xFFFFFFFF, s19;
	s0 =	sshll.u32 @!p0 s16, $0xA;
	p1 =	sgt.s32 @!p0 s18, $0x2C  }
0x37: {  	s2 =	sshra.s32 @!p0 s18, $0x1F;
	p2 =	sgt.s32 @!p0 s16, $0x17;
	s7 =	sshra.s32 @!p0 s16, $0x1F  }
0x38: {  	s0 =	sand.u32 @!p0 $0xFFFFE000, s0;
	p1 =	por !p1, p0;
	s2 =	sand.u32 @!p0 s2, s18  }
0x39: {  	p2 =	por !p2, p0;
	s7 =	sand.u32 @!p0 s7, s16;
	s1 =	simm.s32 @p1 $0x2C  }
0x3a: {  	s0 =	sor.u32 @!p0 s11, s0;
	s5 =	simm.s32 @p2 $0x17;
	s1 =	ssub.s32 @!p0 s1, s2  }
0x3b: {  	s0 =	sshrl.u32 @!p0 s0, $0xA;
	s2 =	sxor.u32 @!p0 $0xFFFFFFFF, s19;
	s4 =	sadd.s32 @!p0 $0xFFFFFFD4, s1  }
0x3c: {  	s5 =	ssub.s32 @!p0 s5, s7;
	p1 =	sgt.s32 @!p0 s4, $0x7;
	s4 =	ssub.s32 @!p0 $0x0, s17  }
0x3d: {  	s3 =	smulhi.u32 @!p0 $0xAAAAAAB, s0;
	s1 =	ssub.s32 @!p0 $0x34, s1;
	s4 =	smin.u32 @!p0 s17, s4  }
0x3e: {  	s7 =	sadd.s32 @!p0 $0xFFFFFFE9, s5;
	p2 =	sgt.s32 @!p0 s4, $0xF;
	s4 =	sshll.u32 @!p0 s4, $0x7  }
0x3f: {  	p1 =	por !p1, p0;
	s4 =	ssub.s32 @!p0 $0x800, s4;
	p2 =	por !p2, p0  }
0x40: {  	s3 =	smul.u32 @!p0 $0x18, s3;
	s1 =	simm.s32 @!p1 $0x0;
	s4 =	simm.s32 @!p2 $0x0  }
0x41: {  	s2 =	sshll.u32 @!p0 s2, $0xE;
	p1 =	sgt.s32 @!p0 s7, $0x0;
	s1 =	smul.u32 @!p0 s1, s4  }
0x42: {  	p1 =	por !p1, p0;
	s4 =	ssub.s32 @!p0 $0x18, s5;
	s5 =	smul.u32 @!p0 $0xC000, s18  }
0x43: {  	s0 =	ssub.s32 @!p0 s0, s3;
	s3 =	smul.u32 @!p0 $0xC00, s17;
	s4 =	simm.s32 @!p1 $0x0  }
0x44: {  	s1 =	smul.u32 @!p0 s4, s1;
	s4 =	sshll.u32 @!p0 s16, $0x4;
	s5 =	sadd.s32 @!p0 s9, s5  }
0x45: {  	s2 =	sand.u32 @!p0 $0x4000, s2;
	s4 =	sand.u32 @!p0 $0x70, s4;
	s3 =	sadd.s32 @!p0 s3, s5  }
0x46: {  	s0 =	sshll.u32 @!p0 s0, $0x7;
	s1 =	sand.u32 @!p0 $0x3FFFFF80, s1;
	s3 =	sadd.s32 @!p0 s4, s3  }
0x47: {  	s4 =	simm.s32 @!p0 $0x6000;
	s0 =	sadd.s32 @!p0 s0, s3;
	s3 =	simm.s32 @!p0 $0x80  }
0x48: {  	[tilespmem:s2], [sflag:$0x1] =	stream.strided.gather @!p0 [hbm4b:s0+s3], s1, s4, s3, $0x38;
	[tilespmem:$0x10000] =	vst v63  }
0x49: {  	p0 =	sge.u32 s31, s6  }
.Ltmp2:
0x4a: {  	_ = 	snop;
	(pc) =	sbr.rel @p0 .LBB1_12-.Ltmp2, $1  }
0x4b: {  	_ =	sdelay $0x3  }
0x4c: {  	p0 =	sgt.s32 s15, $0x2C;
	s0 =	smov.u32 s15  }
0x4d: {  	s1 =	sshra.s32 s15, $0x1F;
	s26 =	ssub.s32 $0x0, s14;
	s2 =	ssub.s32 $0x0, s13  }
0x4e: {  	s3 =	sshra.s32 s13, $0x1F;
	s0 =	simm.s32 @!p0 $0x2C;
	s1 =	sand.u32 s1, s15  }
0x4f: {  	p1 =	sgt.s32 s13, $0x17;
	s4 =	smov.u32 s13;
	s0 =	ssub.s32 s0, s1  }
0x50: {  	s24 =	sand.u32 s2, s3;
	s4 =	simm.s32 @!p1 $0x17;
	s1 =	sadd.s32 $0xFFFFFFD4, s0  }
0x51: {  	s2 =	sadd.s32 s24, s4;
	p0 =	sgt.s32 s1, $0x7;
	s1 =	smin.u32 s14, s26  }
0x52: {  	s0 =	ssub.s32 $0x34, s0;
	p1 =	sgt.s32 s1, $0xF;
	s1 =	ssub.s32 $0x10, s1  }
0x53: {  	s29 =	sadd.s32 $0xFFFFFFE9, s2;
	s0 =	simm.s32 @p0 $0x0;
	s1 =	simm.s32 @p1 $0x0  }
0x54: {  	p0 =	sgt.s32 s29, $0x0;
	s0 =	smul.u32 s1, s0;
	s1 =	ssub.s32 $0x18, s2  }
0x55: {  	s2 =	sadd.s32 $0x8, s15;
	s1 =	simm.s32 @p0 $0x0  }
0x56: {  	p0 =	slt.s32 s2, $0x34;
	s25 =	sshll.u32 s0, $0x7;
	s0 =	sadd.s32 $0x10, s14  }
0x57: {  	s2 =	simm.s32 @!p0 $0x34;
	p0 =	slt.s32 s0, $0x10  }
0x58: {  	s26 =	ssub.s32 s2, s15;
	s2 =	sadd.s32 $0x1, s13;
	s0 =	simm.s32 @!p0 $0x10  }
0x59: {  	p0 =	slt.s32 s2, $0x14;
	p1 =	slt.s32 s26, $0x1;
	s27 =	ssub.s32 s0, s14  }
0x5a: {  	s2 =	simm.s32 @!p0 $0x14;
	p0 =	slt.s32 @!p1 s27, $0x1  }
0x5b: {  	s28 =	ssub.s32 s2, s13;
	p0 =	por p1, p0  }
0x5c: {  	p1 =	slt.s32 @!p0 s28, $0x1  }
0x5d: {  	s1 =	smul.u32 s1, s25;
	p0 =	por p0, p1  }
.Ltmp3:
0x5e: {  	_ = 	snop;
	(pc) =	sbr.rel @p0 .LBB1_11-.Ltmp3, $4  }
0x5f: {  	s31 =	simm.s32 $0x1;
	s30 =	sand.u32 $0x3FFFFF80, s1  }
0x60: {  	_ =	swait.ge [sflag:s31], s30  }
0x61: {  	s0 =	ssub.s32 $0x0, s30;
	[sflag:s31] =	ssyncset.done $0x0  }
0x62: {  	s9 =	smov.u32 s8;
	s8 =	smov.u32 s10;
	[sflag:s31] =	ssyncadd.s32 s0  }
0x63: {  	s1 =	sand.u32 $0x4000, s12  }
0x64: {  	s31 =	simm.s32 $0x0;
	s30 =	sor.u32 $0x8000, s1  }
.LBB1_4:
0x65: {  	s29 =	smov.u32 s1;
	s0 =	simm.s32 $0x0;
	s4 =	simm.s32 $0x0  }
.LBB1_5:
0x66: {  	s2 =	sand.u32 $0x780, s0  }
0x67: {  	s11 =	simm.s32 $0x0;
	s5 =	simm.s32 $0x0;
	s2 =	sadd.s32 s2, s30  }
.LBB1_6:
0x68: {  	s3 =	sand.u32 $0x380, s11  }
0x69: {  	s7 =	simm.s32 $0xFFFFFFF0;
	s10 =	smov.u32 s2;
	s3 =	sadd.s32 s3, s29  }
.LBB1_7:
0x6a: {  	s7 =	sadd.s32 $0x10, s7  }
0x6b: {  	v0 =	vld [tilespmem:s3+$0x0];
	p0 =	slt.u32 s7, $0x70  }
.Ltmp4:
0x6c: {  	_ = 	snop;
	(pc) =	sbr.rel @p0 .LBB1_7-.Ltmp4, $2  }
0x6d: {  	_ =	sdelay $0x2  }
0x6e: {  	s3 =	sadd.s32 $0x10, s3;
	[tilespmem:s10+$0x0] =	vst v0;
	s10 =	sadd.s32 $0x10, s10  }
0x6f: {  	s5 =	sadd.s32 $0x1, s5  }
0x70: {  	p0 =	sne.s32 s5, s28  }
.Ltmp5:
0x71: {  	_ = 	snop;
	(pc) =	sbr.rel @p0 .LBB1_6-.Ltmp5, $2  }
0x72: {  	_ =	sdelay $0x2  }
0x73: {  	s2 =	sadd.s32 $0x4000, s2;
	s11 =	sadd.s32 $0x80, s11  }
0x74: {  	s4 =	sadd.s32 $0x1, s4  }
0x75: {  	p0 =	sne.s32 s4, s27  }
.Ltmp6:
0x76: {  	_ = 	snop;
	(pc) =	sbr.rel @p0 .LBB1_5-.Ltmp6, $2  }
0x77: {  	_ =	sdelay $0x2  }
0x78: {  	s0 =	sadd.s32 $0x80, s0;
	s29 =	sadd.s32 $0x80, s29  }
0x79: {  	s31 =	sadd.s32 $0x1, s31  }
0x7a: {  	p0 =	sne.s32 s31, s26  }
.Ltmp7:
0x7b: {  	_ = 	snop;
	(pc) =	sbr.rel @p0 .LBB1_4-.Ltmp7, $4  }
.Ltmp8:
0x7c: {  	_ = 	snop;
	(pc) =	sbr.rel @!p0 .LBB1_11-.Ltmp8, $4  }
0x7d: {  	_ = 	snop  }
0x7e: {  	_ = 	snop  }
0x7f: {  	s30 =	sadd.s32 $0x800, s30;
	s1 =	sadd.s32 $0x800, s1  }
0x80: {  	_ = 	snop  }
.LBB1_13:
0x81: {  	_ =	sfence.sel $0x180000  }
0x82: {  	s0 =	simm.s32 $0x1;
	[bflag:$0x0] =	sbarrier.arrive $0xFFFF  }
0x83: {  	s30 =	simm.s32 $0x2;
	[sflag:s0] =	ssyncpa.u1 $0x1  }
0x84: {  	[sflag:s30] =	ssyncpa.u1 $0x1  }
0x85: {  	_ =	strace $0x9000004D  }
0x86: {  	s31 =	stileid.u32;
	[bflag:$0x2] =	sbarrier.arrive $0xFFFF  }
0x87: {  	p0 =	sne.s32 s31, $0x0;
	s0 =	rddreg [dreg:$0x2]  }
0x88: {  	s0 =	sadd.s32 @!p0 $0x100000, s0  }
0x89: {  	[sflag:s0] =	ssyncadd.tile.s32 @!p0 $0x1;
	_ =	shalt  }
.Lfunc_end1:
_tile_overlayer_lowered:
.L_overlay_start_2:
0x8a: {  	(tag) =	ssettag $0x2  }
0x8b: {  	s0 =	rddreg [dreg:$0x0];
	s2 =	stileid.u32  }
0x8c: {  	s1 =	rddreg [dreg:$0x1];
	p0 =	sne.s32 s2, $0x0  }
0x8d: {  	s3 =	rddreg [dreg:$0x2];
	[bflag:$0x3] =	sbarrier.arrive $0xFFFF;
	s2 =	simm.s32 @!p0 $0x1C01  }
0x8e: {  	[timem:s3], [sflag:s2] =	dma.local @!p0 [hbm:s0], s1  }
0x8f: {  	s0 =	simm.s32 @!p0 $0x1  }
0x90: {  	_ =	swait.ge @!p0 [sflag:s0], s1  }
0x91: {  	s1 =	ssub.s32 @!p0 $0x0, s1;
	[sflag:s0] =	ssyncset.done @!p0 $0x0  }
0x92: {  	[sflag:s0] =	ssyncadd.s32 @!p0 s1  }
0x93: {  	[bflag:$0x3] =	sbarrier.arrive $0xFFFF  }
0x94: {  	_ =	shalt  }

</sc_bundles>
